<compile_context>
chip_gen: v7x
topology: tpu7x:2x2x1
jax: 0.10.2.dev20260603
libtpu: 0.0.44.dev20260713+nightly
codegen_flags: <defaults>
</compile_context>

<pallas_src>
import dataclasses
import functools
import math

import jax
import jax.numpy as jnp
from jax import lax
from jax.experimental import pallas as pl
from jax.experimental.pallas import tpu as pltpu
from jax.experimental.pallas import tpu_sc as plsc

N_ELEC = 10000
N_NUC = 2000
N_EDGE = 320000
D_EDGE = 16
D = 128
GAIN = 1.7868

B_EDGE = 80
NW = 32
BLK_PER_W = 125
TC_BLK = 8000
TC_GRID = N_EDGE // TC_BLK
ROWS_PER_TILE = 624


def _wmul_body(e_ref, wlo_ref, whi_ref, o_ref):
    e = e_ref[...]
    lo = jnp.dot(e, wlo_ref[...], preferred_element_type=jnp.float32)
    hi = jnp.dot(e, whi_ref[...], preferred_element_type=jnp.float32)
    ulo = (jax.lax.bitcast_convert_type(lo, jnp.int32) + 0x8000) >> 16
    uhi = jax.lax.bitcast_convert_type(hi, jnp.int32) + 0x8000
    o_ref[...] = (uhi & jnp.int32(-65536)) | (ulo & jnp.int32(0xFFFF))


def _epi_body(x_ref, p_ref, norm_ref, wout_ref, bout_ref, w2_ref, b2_ref, o_ref):
    x = x_ref[...]
    out0 = jnp.dot(x, wout_ref[...], preferred_element_type=jnp.float32) + bout_ref[...]
    seg = p_ref[0] + p_ref[1]
    h = out0 + seg * norm_ref[...]
    h = jax.nn.silu(h) * GAIN
    o = jnp.dot(h, w2_ref[...], preferred_element_type=jnp.float32) + b2_ref[...]
    o = jax.nn.silu(o) * GAIN
    o_ref[...] = (x + o) * jnp.float32(1.0 / math.sqrt(2.0))


def _sc_seg_body(nuc_hbm, eni_hbm, enk_hbm, mask_hbm, wmul_hbm, out_hbm,
                 eni_sb, enk_sb, mval, eni0, eni1, kidx0, kidx1,
                 rows0, rows1, wm0, wm1, acc_sh,
                 sg0, sg1, sw0, sw1, ss0, ss1, sm0, sm1, sm2, sm3):
    c = lax.axis_index("c")
    s = lax.axis_index("s")
    wid = c * 16 + s
    eni = (eni0, eni1)
    kidx = (kidx0, kidx1)
    rows = (rows0, rows1)
    wm = (wm0, wm1)
    sg = (sg0, sg1)
    sw = (sw0, sw1)
    ss = (ss0, ss1)
    sm = (sm0, sm1, sm2, sm3)

    zeros16 = jnp.zeros((16,), jnp.float32)

    @pl.loop(0, B_EDGE)
    def _(e):
        for cc in range(8):
            rows0[e, pl.ds(cc * 16, 16)] = zeros16

    r0 = s * ROWS_PER_TILE
    for off, n in ((0, 80), (80, 80), (160, 80), (240, 80), (320, 80),
                   (400, 80), (480, 80), (560, 64)):
        pltpu.sync_copy(rows0.at[pl.ds(0, n)], acc_sh.at[pl.ds(r0 + off, n)])

    @pl.when(s == 15)
    def _():
        pltpu.sync_copy(rows0.at[pl.ds(0, 16)],
                        acc_sh.at[pl.ds(16 * ROWS_PER_TILE, 16)])

    plsc.subcore_barrier()

    def sb_setup(t):
        sb_base = (wid * BLK_PER_W + 4 * t) * B_EDGE
        pltpu.sync_copy(eni_hbm.at[pl.ds(sb_base, 4 * B_EDGE)], eni_sb)
        pltpu.sync_copy(enk_hbm.at[pl.ds(sb_base, 4 * B_EDGE)], enk_sb)
        for p in range(4):
            pltpu.async_copy(mask_hbm.at[eni_sb.at[pl.ds(p * B_EDGE, B_EDGE)]],
                             mval.at[p], sm[p])

    def ff(j, b, p):
        pltpu.make_async_copy(mask_hbm.at[eni[b]], mval.at[p], sm[p]).wait()

        @pl.loop(0, B_EDGE, step=16)
        def _(q):
            env = eni_sb[pl.ds(p * B_EDGE + q, 16)]
            m = mval[p, pl.ds(q, 16)]
            kidx[b][pl.ds(q, 16)] = (enk_sb[pl.ds(p * B_EDGE + q, 16)]
                                     + (1 - m) * N_NUC)
            eni[b][pl.ds(q, 16)] = env

        base = (wid * BLK_PER_W + j) * B_EDGE
        pltpu.async_copy(nuc_hbm.at[kidx[b]], rows[b], sg[b])
        pltpu.async_copy(wmul_hbm.at[pl.ds(base, B_EDGE)], wm[b], sw[b])

    def process(b):
        pltpu.make_async_copy(nuc_hbm.at[kidx[b]], rows[b], sg[b]).wait()
        pltpu.make_async_copy(wmul_hbm.at[pl.ds(0, B_EDGE)], wm[b], sw[b]).wait()

        @plsc.parallel_loop(0, B_EDGE)
        def _(e):
            for q in range(4):
                w = wm[b][e, pl.ds(q * 16, 16)]
                flo = plsc.bitcast(w << 16, jnp.float32)
                fhi = plsc.bitcast(w & jnp.int32(-65536), jnp.float32)
                sl_lo = pl.ds(q * 32, 16)
                sl_hi = pl.ds(q * 32 + 16, 16)
                rows[b][e, sl_lo] = rows[b][e, sl_lo] * flo
                rows[b][e, sl_hi] = rows[b][e, sl_hi] * fhi

        pltpu.async_copy(rows[b], acc_sh.at[eni[b]], ss[b], add=True)

    def wait_scatter(b):
        pltpu.make_async_copy(rows[b], acc_sh.at[eni[b]], ss[b]).wait()

    sb_setup(0)
    ff(0, 0, 0)
    ff(1, 1, 1)

    @pl.loop(0, 31)
    def _(t):
        j0 = 4 * t
        process(0)
        process(1)
        wait_scatter(0)
        ff(j0 + 2, 0, 2)
        wait_scatter(1)
        ff(j0 + 3, 1, 3)

        @pl.when(t < 30)
        def _():
            sb_setup(t + 1)

        process(0)
        process(1)

        @pl.when(t < 30)
        def _():
            wait_scatter(0)
            ff(j0 + 4, 0, 0)
            wait_scatter(1)
            ff(j0 + 5, 1, 1)

    wait_scatter(0)
    base_t = (wid * BLK_PER_W + BLK_PER_W - 1) * B_EDGE
    pltpu.sync_copy(eni_hbm.at[pl.ds(base_t, B_EDGE)], eni[0])
    pltpu.sync_copy(enk_hbm.at[pl.ds(base_t, B_EDGE)], kidx[0])
    pltpu.async_copy(mask_hbm.at[eni[0]], mval.at[0], sm[0]).wait()

    @pl.loop(0, B_EDGE, step=16)
    def _(q):
        m = mval[0, pl.ds(q, 16)]
        kidx[0][pl.ds(q, 16)] = kidx[0][pl.ds(q, 16)] + (1 - m) * N_NUC

    pltpu.async_copy(nuc_hbm.at[kidx[0]], rows[0], sg[0])
    pltpu.async_copy(wmul_hbm.at[pl.ds(base_t, B_EDGE)], wm[0], sw[0])
    process(0)
    wait_scatter(0)
    wait_scatter(1)

    plsc.subcore_barrier()
    pltpu.sync_copy(acc_sh.at[pl.ds(r0, ROWS_PER_TILE)],
                    out_hbm.at[c, pl.ds(r0, ROWS_PER_TILE)])

    @pl.when(s == 15)
    def _():
        pltpu.sync_copy(acc_sh.at[pl.ds(16 * ROWS_PER_TILE, 16)],
                        out_hbm.at[c, pl.ds(16 * ROWS_PER_TILE, 16)])


def kernel(elec_emb, nuc_up, nuc_down, edge_emb, contr, norm, e_n_i, e_n_k,
           mask, W_out, b_out, W_edge, W2, b2, scale1, scale2):
    nuc_cat = jnp.concatenate([nuc_up, nuc_down], axis=0)
    mask_i32 = mask.astype(jnp.int32)
    w_edge_s = W_edge * scale1
    j64 = jnp.arange(64)
    lo_map = j64 // 16 * 32 + j64 % 16
    w_lo = w_edge_s[:, lo_map].astype(jnp.bfloat16)
    w_hi = w_edge_s[:, lo_map + 16].astype(jnp.bfloat16)
    edge_bf = (edge_emb * contr[:, None]).astype(jnp.bfloat16)

    wmul = pl.pallas_call(
        _wmul_body,
        grid=(TC_GRID,),
        in_specs=[
            pl.BlockSpec((TC_BLK, D_EDGE), lambda i: (i, 0)),
            pl.BlockSpec((D_EDGE, 64), lambda i: (0, 0)),
            pl.BlockSpec((D_EDGE, 64), lambda i: (0, 0)),
        ],
        out_specs=pl.BlockSpec((TC_BLK, 64), lambda i: (i, 0)),
        out_shape=jax.ShapeDtypeStruct((N_EDGE, 64), jnp.int32),
    )(edge_bf, w_lo, w_hi)

    sc_params = pltpu.CompilerParams()
    if "needs_layout_passes" in pltpu.CompilerParams.__dataclass_fields__:
        sc_params = dataclasses.replace(sc_params, needs_layout_passes=False)
    sc_call = pl.kernel(
        _sc_seg_body,
        compiler_params=sc_params,
        out_type=jax.ShapeDtypeStruct((2, N_ELEC, D), jnp.float32),
        mesh=plsc.VectorSubcoreMesh(core_axis_name="c", subcore_axis_name="s"),
        scratch_types=[
            pltpu.VMEM((4 * B_EDGE,), jnp.int32),
            pltpu.VMEM((4 * B_EDGE,), jnp.int32),
            pltpu.VMEM((4, B_EDGE), jnp.int32),
            pltpu.VMEM((B_EDGE,), jnp.int32),
            pltpu.VMEM((B_EDGE,), jnp.int32),
            pltpu.VMEM((B_EDGE,), jnp.int32),
            pltpu.VMEM((B_EDGE,), jnp.int32),
            pltpu.VMEM((B_EDGE, D), jnp.float32),
            pltpu.VMEM((B_EDGE, D), jnp.float32),
            pltpu.VMEM((B_EDGE, 64), jnp.int32),
            pltpu.VMEM((B_EDGE, 64), jnp.int32),
            pltpu.VMEM_SHARED((N_ELEC, D), jnp.float32),
        ] + [pltpu.SemaphoreType.DMA] * 10,
    )
    partials = sc_call(nuc_cat, e_n_i, e_n_k, mask_i32, wmul)

    out = pl.pallas_call(
        _epi_body,
        grid=(10,),
        in_specs=[
            pl.BlockSpec((1000, D), lambda i: (i, 0)),
            pl.BlockSpec((2, 1000, D), lambda i: (0, i, 0)),
            pl.BlockSpec((1000, 1), lambda i: (i, 0)),
            pl.BlockSpec((D, D), lambda i: (0, 0)),
            pl.BlockSpec((1, D), lambda i: (0, 0)),
            pl.BlockSpec((D, D), lambda i: (0, 0)),
            pl.BlockSpec((1, D), lambda i: (0, 0)),
        ],
        out_specs=pl.BlockSpec((1000, D), lambda i: (i, 0)),
        out_shape=jax.ShapeDtypeStruct((N_ELEC, D), jnp.float32),
    )(elec_emb, partials, (norm * scale2).reshape(N_ELEC, 1),
      W_out * scale2, (b_out * scale2).reshape(1, D), W2, b2.reshape(1, D))
    return out

# --- scband reference (transcript-rebuilt; emitter-appended) ---
"""Pipeline reference for scband-diffusion-29789893165499 (READ-ONLY COPY).

The authoritative reference and input builder live on the scoring server;
editing this copy changes nothing except your own understanding.
"""

import jax, jax.numpy as jnp
import numpy as np

N_ELEC = 10000
N_NUC = 2000
N_EDGE = 320000
D_EDGE = 16
OUT_DIM = 128
GAIN = 1.7868  # ActivationWithGain gain for SiLU


def setup_inputs(seed: int = 0) -> dict:
    key = jax.random.key(seed)
    ks = jax.random.split(key, 16)
    elec_emb = jax.random.normal(ks[0], (N_ELEC, OUT_DIM), dtype=jnp.float32)
    nuc_up = jax.random.normal(ks[1], (N_NUC, OUT_DIM), dtype=jnp.float32)
    nuc_down = jax.random.normal(ks[2], (N_NUC, OUT_DIM), dtype=jnp.float32)
    edge_emb = jax.random.normal(ks[3], (N_EDGE, D_EDGE), dtype=jnp.float32)
    contr = jax.random.uniform(ks[4], (N_EDGE,), dtype=jnp.float32)
    norm = jax.random.uniform(ks[5], (N_ELEC,), dtype=jnp.float32)
    e_n_i = jnp.sort(jax.random.randint(ks[6], (N_EDGE,), 0, N_ELEC, dtype=jnp.int32))
    e_n_k = jax.random.randint(ks[7], (N_EDGE,), 0, N_NUC, dtype=jnp.int32)
    mask = jax.random.randint(ks[8], (N_ELEC,), 0, 2, dtype=jnp.int32).astype(bool)
    # learned parameters (Dense, Dense_no_bias, FixedScalingFactor scalars)
    W_out = jax.random.normal(ks[9], (OUT_DIM, OUT_DIM), dtype=jnp.float32) / jnp.sqrt(OUT_DIM)
    b_out = jnp.zeros((OUT_DIM,), dtype=jnp.float32)
    W_edge = jax.random.normal(ks[10], (D_EDGE, OUT_DIM), dtype=jnp.float32) / jnp.sqrt(D_EDGE)
    W2 = jax.random.normal(ks[11], (OUT_DIM, OUT_DIM), dtype=jnp.float32) / jnp.sqrt(OUT_DIM)
    b2 = jnp.zeros((OUT_DIM,), dtype=jnp.float32)
    scale1 = jnp.float32(0.5)
    scale2 = jnp.float32(0.7)
    return {
        "elec_emb": elec_emb, "nuc_up": nuc_up, "nuc_down": nuc_down,
        "edge_emb": edge_emb, "contr": contr, "norm": norm,
        "e_n_i": e_n_i, "e_n_k": e_n_k, "mask": mask,
        "W_out": W_out, "b_out": b_out, "W_edge": W_edge,
        "W2": W2, "b2": b2, "scale1": scale1, "scale2": scale2,
    }


def _act(x):
    return jax.nn.silu(x) * GAIN  # ActivationWithGain


def reference(elec_emb, nuc_up, nuc_down, edge_emb, contr, norm,
              e_n_i, e_n_k, mask, W_out, b_out, W_edge, W2, b2, scale1, scale2):
    n_elec = elec_emb.shape[0]
    # out_emb = Dense(out_dim)(elec_emb)
    out_emb = elec_emb @ W_out + b_out
    # spin-resolved nuclear messages gathered per electron-nucleus edge
    e_n_mask = mask[e_n_i]
    inp = jnp.where(e_n_mask[:, None], nuc_up[e_n_k], nuc_down[e_n_k])
    # weights = Dense_no_bias(out_dim)(edge_emb)
    weights = edge_emb @ W_edge
    to_elec = inp * weights
    # FixedScalingFactor()(to_elec, contr[:, None])
    to_elec = to_elec * contr[:, None] * scale1
    # jraph.segment_sum(..., indices_are_sorted=True)
    seg = jax.ops.segment_sum(to_elec, e_n_i, num_segments=n_elec, indices_are_sorted=True)
    out_emb = out_emb + seg * norm[:, None]
    # FixedScalingFactor()(out_emb)
    out_emb = out_emb * scale2
    out_emb = _act(out_emb)
    out_emb = _act(out_emb @ W2 + b2)
    # residual(elec_emb, out_emb): shapes match -> normalized residual
    return (elec_emb + out_emb) / jnp.sqrt(2.0)

if __name__ == "__main__":
    import jax
    _d = setup_inputs()
    print(jax.jit(kernel)(*tuple(_d.values())))

</pallas_src>

<mosaic_0001>
#map = affine_map<(d0, d1) -> (0, 0)>
#map1 = affine_map<(d0, d1) -> (0)>
#map2 = affine_map<(d0, d1) -> (0, 0, 0)>
module attributes {stable_mosaic.version = 14 : i64} {
  func.func @_sc_seg_body(%arg0: i32, %arg1: i32, %arg2: memref<4000x128xf32, #tpu.memory_space<hbm>>, %arg3: memref<320000xi32, #tpu.memory_space<hbm>>, %arg4: memref<320000xi32, #tpu.memory_space<hbm>>, %arg5: memref<10000xi32, #tpu.memory_space<hbm>>, %arg6: memref<320000x64xi32, #tpu.memory_space<hbm>>, %arg7: memref<2x10000x128xf32, #tpu.memory_space<hbm>>, %arg8: memref<320xi32, #tpu.memory_space<vmem>>, %arg9: memref<320xi32, #tpu.memory_space<vmem>>, %arg10: memref<4x80xi32, #tpu.memory_space<vmem>>, %arg11: memref<80xi32, #tpu.memory_space<vmem>>, %arg12: memref<80xi32, #tpu.memory_space<vmem>>, %arg13: memref<80xi32, #tpu.memory_space<vmem>>, %arg14: memref<80xi32, #tpu.memory_space<vmem>>, %arg15: memref<80x128xf32, #tpu.memory_space<vmem>>, %arg16: memref<80x128xf32, #tpu.memory_space<vmem>>, %arg17: memref<80x64xi32, #tpu.memory_space<vmem>>, %arg18: memref<80x64xi32, #tpu.memory_space<vmem>>, %arg19: memref<10000x128xf32, #tpu.memory_space<vmem_shared>>, %arg20: memref<!tpu.dma_semaphore, #tpu.memory_space<semaphore_mem>>, %arg21: memref<!tpu.dma_semaphore, #tpu.memory_space<semaphore_mem>>, %arg22: memref<!tpu.dma_semaphore, #tpu.memory_space<semaphore_mem>>, %arg23: memref<!tpu.dma_semaphore, #tpu.memory_space<semaphore_mem>>, %arg24: memref<!tpu.dma_semaphore, #tpu.memory_space<semaphore_mem>>, %arg25: memref<!tpu.dma_semaphore, #tpu.memory_space<semaphore_mem>>, %arg26: memref<!tpu.dma_semaphore, #tpu.memory_space<semaphore_mem>>, %arg27: memref<!tpu.dma_semaphore, #tpu.memory_space<semaphore_mem>>, %arg28: memref<!tpu.dma_semaphore, #tpu.memory_space<semaphore_mem>>, %arg29: memref<!tpu.dma_semaphore, #tpu.memory_space<semaphore_mem>>) attributes {dimension_semantics = [#tpu.dimension_semantics<core_parallel>, #tpu.dimension_semantics<subcore_parallel>], iteration_bounds = array<i64: 2, 16>, scalar_prefetch = 0 : i64, scratch_operands = 22 : i64, tpu.core_type = #tpu.core_type<sc_vector_subcore>, window_params = [{transform_indices = #map}, {transform_indices = #map1}, {transform_indices = #map1}, {transform_indices = #map1}, {transform_indices = #map}, {transform_indices = #map2}]} {
    %mul3A = arith.constant 16 : i32
    %mul3A_0 = arith.muli %arg0, %mul3A : i32
    %add3A = arith.addi %mul3A_0, %arg1 : i32
    %broadcast_in_dim3A = arith.constant 0.000000e+00 : f32
    %broadcast_in_dim3A_1 = vector.broadcast %broadcast_in_dim3A : f32 to vector<16xf32>
    %scan3A = arith.constant 0 : i32
    %scan3A_2 = arith.constant 80 : i32
    %scan3A_3 = arith.addi %scan3A, %scan3A_2 : i32
    %scan3A_4 = arith.constant 1 : i32
    scf.for %scan3A_175 = %scan3A to %scan3A_3 step %scan3A_4  : i32 {
      %mul3A_176 = arith.constant 1 : i32
      %mul3A_177 = arith.muli %scan3A_175, %mul3A_176 : i32
      %add3A_178 = arith.constant 0 : i32
      %add3A_179 = arith.addi %add3A_178, %mul3A_177 : i32
      %swap3A = arith.index_cast %add3A_179 : i32 to index
      %swap3A_180 = arith.constant 0 : index
      %swap3A_181 = tpu.vector_load %arg15[%swap3A, %swap3A_180] {strides = array<i32>} : memref<80x128xf32, #tpu.memory_space<vmem>>, vector<16xf32>,
      tpu.vector_store %arg15[%swap3A, %swap3A_180], %broadcast_in_dim3A_1 {strides = array<i32>} : memref<80x128xf32, #tpu.memory_space<vmem>>, vector<16xf32>,
      %swap3A_182 = arith.index_cast %add3A_179 : i32 to index
      %swap3A_183 = arith.constant 16 : index
      %swap3A_184 = tpu.vector_load %arg15[%swap3A_182, %swap3A_183] {strides = array<i32>} : memref<80x128xf32, #tpu.memory_space<vmem>>, vector<16xf32>,
      tpu.vector_store %arg15[%swap3A_182, %swap3A_183], %broadcast_in_dim3A_1 {strides = array<i32>} : memref<80x128xf32, #tpu.memory_space<vmem>>, vector<16xf32>,
      %swap3A_185 = arith.index_cast %add3A_179 : i32 to index
      %swap3A_186 = arith.constant 32 : index
      %swap3A_187 = tpu.vector_load %arg15[%swap3A_185, %swap3A_186] {strides = array<i32>} : memref<80x128xf32, #tpu.memory_space<vmem>>, vector<16xf32>,
      tpu.vector_store %arg15[%swap3A_185, %swap3A_186], %broadcast_in_dim3A_1 {strides = array<i32>} : memref<80x128xf32, #tpu.memory_space<vmem>>, vector<16xf32>,
      %swap3A_188 = arith.index_cast %add3A_179 : i32 to index
      %swap3A_189 = arith.constant 48 : index
      %swap3A_190 = tpu.vector_load %arg15[%swap3A_188, %swap3A_189] {strides = array<i32>} : memref<80x128xf32, #tpu.memory_space<vmem>>, vector<16xf32>,
      tpu.vector_store %arg15[%swap3A_188, %swap3A_189], %broadcast_in_dim3A_1 {strides = array<i32>} : memref<80x128xf32, #tpu.memory_space<vmem>>, vector<16xf32>,
      %swap3A_191 = arith.index_cast %add3A_179 : i32 to index
      %swap3A_192 = arith.constant 64 : index
      %swap3A_193 = tpu.vector_load %arg15[%swap3A_191, %swap3A_192] {strides = array<i32>} : memref<80x128xf32, #tpu.memory_space<vmem>>, vector<16xf32>,
      tpu.vector_store %arg15[%swap3A_191, %swap3A_192], %broadcast_in_dim3A_1 {strides = array<i32>} : memref<80x128xf32, #tpu.memory_space<vmem>>, vector<16xf32>,
      %swap3A_194 = arith.index_cast %add3A_179 : i32 to index
      %swap3A_195 = arith.constant 80 : index
      %swap3A_196 = tpu.vector_load %arg15[%swap3A_194, %swap3A_195] {strides = array<i32>} : memref<80x128xf32, #tpu.memory_space<vmem>>, vector<16xf32>,
      tpu.vector_store %arg15[%swap3A_194, %swap3A_195], %broadcast_in_dim3A_1 {strides = array<i32>} : memref<80x128xf32, #tpu.memory_space<vmem>>, vector<16xf32>,
      %swap3A_197 = arith.index_cast %add3A_179 : i32 to index
      %swap3A_198 = arith.constant 96 : index
      %swap3A_199 = tpu.vector_load %arg15[%swap3A_197, %swap3A_198] {strides = array<i32>} : memref<80x128xf32, #tpu.memory_space<vmem>>, vector<16xf32>,
      tpu.vector_store %arg15[%swap3A_197, %swap3A_198], %broadcast_in_dim3A_1 {strides = array<i32>} : memref<80x128xf32, #tpu.memory_space<vmem>>, vector<16xf32>,
      %swap3A_200 = arith.index_cast %add3A_179 : i32 to index
      %swap3A_201 = arith.constant 112 : index
      %swap3A_202 = tpu.vector_load %arg15[%swap3A_200, %swap3A_201] {strides = array<i32>} : memref<80x128xf32, #tpu.memory_space<vmem>>, vector<16xf32>,
      tpu.vector_store %arg15[%swap3A_200, %swap3A_201], %broadcast_in_dim3A_1 {strides = array<i32>} : memref<80x128xf32, #tpu.memory_space<vmem>>, vector<16xf32>,
    }
    %scan3A_5 = arith.constant 80 : i32
    %mul3A_6 = arith.constant 624 : i32
    %mul3A_7 = arith.muli %arg1, %mul3A_6 : i32
    %add3A_8 = arith.constant 0 : i32
    %add3A_9 = arith.addi %mul3A_7, %add3A_8 : i32
    "tpu.region"() ({
      %run_scoped3A = tpu.sem_alloc : memref<!tpu.dma_semaphore, #tpu.memory_space<semaphore_mem>>
      %dma_start3A_175 = arith.constant 0 : i32
      %dma_start3A_176 = arith.constant 0 : i32
      %dma_start3A_177 = tpu.memref_slice %arg15[%dma_start3A_175, %dma_start3A_176] : memref<80x128xf32, #tpu.memory_space<vmem>> -> memref<80x128xf32, #tpu.memory_space<vmem>>
      %dma_start3A_178 = arith.constant 0 : i32
      %dma_start3A_179 = tpu.memref_slice %arg19[%add3A_9, %dma_start3A_178] : memref<10000x128xf32, #tpu.memory_space<vmem_shared>> -> memref<80x128xf32, #tpu.memory_space<vmem_shared>>
      %dma_start3A_180 = arith.constant 0 : i32
      %dma_start3A_181 = tpu.memref_slice %arg19[%add3A_9, %dma_start3A_180] : memref<10000x128xf32, #tpu.memory_space<vmem_shared>> -> memref<80x128xf32, #tpu.memory_space<vmem_shared>>
      %dma_start3A_182 = arith.constant 0 : i32
      %dma_start3A_183 = arith.constant 0 : i32
      %dma_start3A_184 = tpu.memref_slice %arg15[%dma_start3A_182, %dma_start3A_183] : memref<80x128xf32, #tpu.memory_space<vmem>> -> memref<80x128xf32, #tpu.memory_space<vmem>>
      tpu.enqueue_dma source(%dma_start3A_184 : memref<80x128xf32, #tpu.memory_space<vmem>>) target(%dma_start3A_181 : memref<80x128xf32, #tpu.memory_space<vmem_shared>>) target_semaphore(%run_scoped3A : memref<!tpu.dma_semaphore, #tpu.memory_space<semaphore_mem>>)
      %dma_wait3A_185 = arith.constant 0 : i32
      %dma_wait3A_186 = arith.constant 0 : i32
      %dma_wait3A_187 = tpu.memref_slice %arg15[%dma_wait3A_185, %dma_wait3A_186] : memref<80x128xf32, #tpu.memory_space<vmem>> -> memref<80x128xf32, #tpu.memory_space<vmem>>
      %dma_wait3A_188 = arith.constant 0 : i32
      %dma_wait3A_189 = tpu.memref_slice %arg19[%add3A_9, %dma_wait3A_188] : memref<10000x128xf32, #tpu.memory_space<vmem_shared>> -> memref<80x128xf32, #tpu.memory_space<vmem_shared>>
      %dma_wait3A_190 = arith.constant 0 : i32
      %dma_wait3A_191 = tpu.memref_slice %arg19[%add3A_9, %dma_wait3A_190] : memref<10000x128xf32, #tpu.memory_space<vmem_shared>> -> memref<80x128xf32, #tpu.memory_space<vmem_shared>>
      %dma_wait3A_192 = arith.constant 0 : i32
      %dma_wait3A_193 = arith.constant 0 : i32
      %dma_wait3A_194 = tpu.memref_slice %arg15[%dma_wait3A_192, %dma_wait3A_193] : memref<80x128xf32, #tpu.memory_space<vmem>> -> memref<80x128xf32, #tpu.memory_space<vmem>>
      tpu.wait_dma2 semaphore(%run_scoped3A : memref<!tpu.dma_semaphore, #tpu.memory_space<semaphore_mem>>) src(%dma_wait3A_194 : memref<80x128xf32, #tpu.memory_space<vmem>>) dst(%dma_wait3A_191 : memref<80x128xf32, #tpu.memory_space<vmem_shared>>)
      tpu.yield
    }) : () -> ()
    %add3A_10 = arith.constant 80 : i32
    %add3A_11 = arith.addi %mul3A_7, %add3A_10 : i32
    "tpu.region"() ({
      %run_scoped3A = tpu.sem_alloc : memref<!tpu.dma_semaphore, #tpu.memory_space<semaphore_mem>>
      %dma_start3A_175 = arith.constant 0 : i32
      %dma_start3A_176 = arith.constant 0 : i32
      %dma_start3A_177 = tpu.memref_slice %arg15[%dma_start3A_175, %dma_start3A_176] : memref<80x128xf32, #tpu.memory_space<vmem>> -> memref<80x128xf32, #tpu.memory_space<vmem>>
      %dma_start3A_178 = arith.constant 0 : i32
      %dma_start3A_179 = tpu.memref_slice %arg19[%add3A_11, %dma_start3A_178] : memref<10000x128xf32, #tpu.memory_space<vmem_shared>> -> memref<80x128xf32, #tpu.memory_space<vmem_shared>>
      %dma_start3A_180 = arith.constant 0 : i32
      %dma_start3A_181 = tpu.memref_slice %arg19[%add3A_11, %dma_start3A_180] : memref<10000x128xf32, #tpu.memory_space<vmem_shared>> -> memref<80x128xf32, #tpu.memory_space<vmem_shared>>
      %dma_start3A_182 = arith.constant 0 : i32
      %dma_start3A_183 = arith.constant 0 : i32
      %dma_start3A_184 = tpu.memref_slice %arg15[%dma_start3A_182, %dma_start3A_183] : memref<80x128xf32, #tpu.memory_space<vmem>> -> memref<80x128xf32, #tpu.memory_space<vmem>>
      tpu.enqueue_dma source(%dma_start3A_184 : memref<80x128xf32, #tpu.memory_space<vmem>>) target(%dma_start3A_181 : memref<80x128xf32, #tpu.memory_space<vmem_shared>>) target_semaphore(%run_scoped3A : memref<!tpu.dma_semaphore, #tpu.memory_space<semaphore_mem>>)
      %dma_wait3A_185 = arith.constant 0 : i32
      %dma_wait3A_186 = arith.constant 0 : i32
      %dma_wait3A_187 = tpu.memref_slice %arg15[%dma_wait3A_185, %dma_wait3A_186] : memref<80x128xf32, #tpu.memory_space<vmem>> -> memref<80x128xf32, #tpu.memory_space<vmem>>
      %dma_wait3A_188 = arith.constant 0 : i32
      %dma_wait3A_189 = tpu.memref_slice %arg19[%add3A_11, %dma_wait3A_188] : memref<10000x128xf32, #tpu.memory_space<vmem_shared>> -> memref<80x128xf32, #tpu.memory_space<vmem_shared>>
      %dma_wait3A_190 = arith.constant 0 : i32
      %dma_wait3A_191 = tpu.memref_slice %arg19[%add3A_11, %dma_wait3A_190] : memref<10000x128xf32, #tpu.memory_space<vmem_shared>> -> memref<80x128xf32, #tpu.memory_space<vmem_shared>>
      %dma_wait3A_192 = arith.constant 0 : i32
      %dma_wait3A_193 = arith.constant 0 : i32
      %dma_wait3A_194 = tpu.memref_slice %arg15[%dma_wait3A_192, %dma_wait3A_193] : memref<80x128xf32, #tpu.memory_space<vmem>> -> memref<80x128xf32, #tpu.memory_space<vmem>>
      tpu.wait_dma2 semaphore(%run_scoped3A : memref<!tpu.dma_semaphore, #tpu.memory_space<semaphore_mem>>) src(%dma_wait3A_194 : memref<80x128xf32, #tpu.memory_space<vmem>>) dst(%dma_wait3A_191 : memref<80x128xf32, #tpu.memory_space<vmem_shared>>)
      tpu.yield
    }) : () -> ()
    %add3A_12 = arith.constant 160 : i32
    %add3A_13 = arith.addi %mul3A_7, %add3A_12 : i32
    "tpu.region"() ({
      %run_scoped3A = tpu.sem_alloc : memref<!tpu.dma_semaphore, #tpu.memory_space<semaphore_mem>>
      %dma_start3A_175 = arith.constant 0 : i32
      %dma_start3A_176 = arith.constant 0 : i32
      %dma_start3A_177 = tpu.memref_slice %arg15[%dma_start3A_175, %dma_start3A_176] : memref<80x128xf32, #tpu.memory_space<vmem>> -> memref<80x128xf32, #tpu.memory_space<vmem>>
      %dma_start3A_178 = arith.constant 0 : i32
      %dma_start3A_179 = tpu.memref_slice %arg19[%add3A_13, %dma_start3A_178] : memref<10000x128xf32, #tpu.memory_space<vmem_shared>> -> memref<80x128xf32, #tpu.memory_space<vmem_shared>>
      %dma_start3A_180 = arith.constant 0 : i32
      %dma_start3A_181 = tpu.memref_slice %arg19[%add3A_13, %dma_start3A_180] : memref<10000x128xf32, #tpu.memory_space<vmem_shared>> -> memref<80x128xf32, #tpu.memory_space<vmem_shared>>
      %dma_start3A_182 = arith.constant 0 : i32
      %dma_start3A_183 = arith.constant 0 : i32
      %dma_start3A_184 = tpu.memref_slice %arg15[%dma_start3A_182, %dma_start3A_183] : memref<80x128xf32, #tpu.memory_space<vmem>> -> memref<80x128xf32, #tpu.memory_space<vmem>>
      tpu.enqueue_dma source(%dma_start3A_184 : memref<80x128xf32, #tpu.memory_space<vmem>>) target(%dma_start3A_181 : memref<80x128xf32, #tpu.memory_space<vmem_shared>>) target_semaphore(%run_scoped3A : memref<!tpu.dma_semaphore, #tpu.memory_space<semaphore_mem>>)
      %dma_wait3A_185 = arith.constant 0 : i32
      %dma_wait3A_186 = arith.constant 0 : i32
      %dma_wait3A_187 = tpu.memref_slice %arg15[%dma_wait3A_185, %dma_wait3A_186] : memref<80x128xf32, #tpu.memory_space<vmem>> -> memref<80x128xf32, #tpu.memory_space<vmem>>
      %dma_wait3A_188 = arith.constant 0 : i32
      %dma_wait3A_189 = tpu.memref_slice %arg19[%add3A_13, %dma_wait3A_188] : memref<10000x128xf32, #tpu.memory_space<vmem_shared>> -> memref<80x128xf32, #tpu.memory_space<vmem_shared>>
      %dma_wait3A_190 = arith.constant 0 : i32
      %dma_wait3A_191 = tpu.memref_slice %arg19[%add3A_13, %dma_wait3A_190] : memref<10000x128xf32, #tpu.memory_space<vmem_shared>> -> memref<80x128xf32, #tpu.memory_space<vmem_shared>>
      %dma_wait3A_192 = arith.constant 0 : i32
      %dma_wait3A_193 = arith.constant 0 : i32
      %dma_wait3A_194 = tpu.memref_slice %arg15[%dma_wait3A_192, %dma_wait3A_193] : memref<80x128xf32, #tpu.memory_space<vmem>> -> memref<80x128xf32, #tpu.memory_space<vmem>>
      tpu.wait_dma2 semaphore(%run_scoped3A : memref<!tpu.dma_semaphore, #tpu.memory_space<semaphore_mem>>) src(%dma_wait3A_194 : memref<80x128xf32, #tpu.memory_space<vmem>>) dst(%dma_wait3A_191 : memref<80x128xf32, #tpu.memory_space<vmem_shared>>)
      tpu.yield
    }) : () -> ()
    %add3A_14 = arith.constant 240 : i32
    %add3A_15 = arith.addi %mul3A_7, %add3A_14 : i32
    "tpu.region"() ({
      %run_scoped3A = tpu.sem_alloc : memref<!tpu.dma_semaphore, #tpu.memory_space<semaphore_mem>>
      %dma_start3A_175 = arith.constant 0 : i32
      %dma_start3A_176 = arith.constant 0 : i32
      %dma_start3A_177 = tpu.memref_slice %arg15[%dma_start3A_175, %dma_start3A_176] : memref<80x128xf32, #tpu.memory_space<vmem>> -> memref<80x128xf32, #tpu.memory_space<vmem>>
      %dma_start3A_178 = arith.constant 0 : i32
      %dma_start3A_179 = tpu.memref_slice %arg19[%add3A_15, %dma_start3A_178] : memref<10000x128xf32, #tpu.memory_space<vmem_shared>> -> memref<80x128xf32, #tpu.memory_space<vmem_shared>>
      %dma_start3A_180 = arith.constant 0 : i32
      %dma_start3A_181 = tpu.memref_slice %arg19[%add3A_15, %dma_start3A_180] : memref<10000x128xf32, #tpu.memory_space<vmem_shared>> -> memref<80x128xf32, #tpu.memory_space<vmem_shared>>
      %dma_start3A_182 = arith.constant 0 : i32
      %dma_start3A_183 = arith.constant 0 : i32
      %dma_start3A_184 = tpu.memref_slice %arg15[%dma_start3A_182, %dma_start3A_183] : memref<80x128xf32, #tpu.memory_space<vmem>> -> memref<80x128xf32, #tpu.memory_space<vmem>>
      tpu.enqueue_dma source(%dma_start3A_184 : memref<80x128xf32, #tpu.memory_space<vmem>>) target(%dma_start3A_181 : memref<80x128xf32, #tpu.memory_space<vmem_shared>>) target_semaphore(%run_scoped3A : memref<!tpu.dma_semaphore, #tpu.memory_space<semaphore_mem>>)
      %dma_wait3A_185 = arith.constant 0 : i32
      %dma_wait3A_186 = arith.constant 0 : i32
      %dma_wait3A_187 = tpu.memref_slice %arg15[%dma_wait3A_185, %dma_wait3A_186] : memref<80x128xf32, #tpu.memory_space<vmem>> -> memref<80x128xf32, #tpu.memory_space<vmem>>
      %dma_wait3A_188 = arith.constant 0 : i32
      %dma_wait3A_189 = tpu.memref_slice %arg19[%add3A_15, %dma_wait3A_188] : memref<10000x128xf32, #tpu.memory_space<vmem_shared>> -> memref<80x128xf32, #tpu.memory_space<vmem_shared>>
      %dma_wait3A_190 = arith.constant 0 : i32
      %dma_wait3A_191 = tpu.memref_slice %arg19[%add3A_15, %dma_wait3A_190] : memref<10000x128xf32, #tpu.memory_space<vmem_shared>> -> memref<80x128xf32, #tpu.memory_space<vmem_shared>>
      %dma_wait3A_192 = arith.constant 0 : i32
      %dma_wait3A_193 = arith.constant 0 : i32
      %dma_wait3A_194 = tpu.memref_slice %arg15[%dma_wait3A_192, %dma_wait3A_193] : memref<80x128xf32, #tpu.memory_space<vmem>> -> memref<80x128xf32, #tpu.memory_space<vmem>>
      tpu.wait_dma2 semaphore(%run_scoped3A : memref<!tpu.dma_semaphore, #tpu.memory_space<semaphore_mem>>) src(%dma_wait3A_194 : memref<80x128xf32, #tpu.memory_space<vmem>>) dst(%dma_wait3A_191 : memref<80x128xf32, #tpu.memory_space<vmem_shared>>)
      tpu.yield
    }) : () -> ()
    %add3A_16 = arith.constant 320 : i32
    %add3A_17 = arith.addi %mul3A_7, %add3A_16 : i32
    "tpu.region"() ({
      %run_scoped3A = tpu.sem_alloc : memref<!tpu.dma_semaphore, #tpu.memory_space<semaphore_mem>>
      %dma_start3A_175 = arith.constant 0 : i32
      %dma_start3A_176 = arith.constant 0 : i32
      %dma_start3A_177 = tpu.memref_slice %arg15[%dma_start3A_175, %dma_start3A_176] : memref<80x128xf32, #tpu.memory_space<vmem>> -> memref<80x128xf32, #tpu.memory_space<vmem>>
      %dma_start3A_178 = arith.constant 0 : i32
      %dma_start3A_179 = tpu.memref_slice %arg19[%add3A_17, %dma_start3A_178] : memref<10000x128xf32, #tpu.memory_space<vmem_shared>> -> memref<80x128xf32, #tpu.memory_space<vmem_shared>>
      %dma_start3A_180 = arith.constant 0 : i32
      %dma_start3A_181 = tpu.memref_slice %arg19[%add3A_17, %dma_start3A_180] : memref<10000x128xf32, #tpu.memory_space<vmem_shared>> -> memref<80x128xf32, #tpu.memory_space<vmem_shared>>
      %dma_start3A_182 = arith.constant 0 : i32
      %dma_start3A_183 = arith.constant 0 : i32
      %dma_start3A_184 = tpu.memref_slice %arg15[%dma_start3A_182, %dma_start3A_183] : memref<80x128xf32, #tpu.memory_space<vmem>> -> memref<80x128xf32, #tpu.memory_space<vmem>>
      tpu.enqueue_dma source(%dma_start3A_184 : memref<80x128xf32, #tpu.memory_space<vmem>>) target(%dma_start3A_181 : memref<80x128xf32, #tpu.memory_space<vmem_shared>>) target_semaphore(%run_scoped3A : memref<!tpu.dma_semaphore, #tpu.memory_space<semaphore_mem>>)
      %dma_wait3A_185 = arith.constant 0 : i32
      %dma_wait3A_186 = arith.constant 0 : i32
      %dma_wait3A_187 = tpu.memref_slice %arg15[%dma_wait3A_185, %dma_wait3A_186] : memref<80x128xf32, #tpu.memory_space<vmem>> -> memref<80x128xf32, #tpu.memory_space<vmem>>
      %dma_wait3A_188 = arith.constant 0 : i32
      %dma_wait3A_189 = tpu.memref_slice %arg19[%add3A_17, %dma_wait3A_188] : memref<10000x128xf32, #tpu.memory_space<vmem_shared>> -> memref<80x128xf32, #tpu.memory_space<vmem_shared>>
      %dma_wait3A_190 = arith.constant 0 : i32
      %dma_wait3A_191 = tpu.memref_slice %arg19[%add3A_17, %dma_wait3A_190] : memref<10000x128xf32, #tpu.memory_space<vmem_shared>> -> memref<80x128xf32, #tpu.memory_space<vmem_shared>>
      %dma_wait3A_192 = arith.constant 0 : i32
      %dma_wait3A_193 = arith.constant 0 : i32
      %dma_wait3A_194 = tpu.memref_slice %arg15[%dma_wait3A_192, %dma_wait3A_193] : memref<80x128xf32, #tpu.memory_space<vmem>> -> memref<80x128xf32, #tpu.memory_space<vmem>>
      tpu.wait_dma2 semaphore(%run_scoped3A : memref<!tpu.dma_semaphore, #tpu.memory_space<semaphore_mem>>) src(%dma_wait3A_194 : memref<80x128xf32, #tpu.memory_space<vmem>>) dst(%dma_wait3A_191 : memref<80x128xf32, #tpu.memory_space<vmem_shared>>)
      tpu.yield
    }) : () -> ()
    %add3A_18 = arith.constant 400 : i32
    %add3A_19 = arith.addi %mul3A_7, %add3A_18 : i32
    "tpu.region"() ({
      %run_scoped3A = tpu.sem_alloc : memref<!tpu.dma_semaphore, #tpu.memory_space<semaphore_mem>>
      %dma_start3A_175 = arith.constant 0 : i32
      %dma_start3A_176 = arith.constant 0 : i32
      %dma_start3A_177 = tpu.memref_slice %arg15[%dma_start3A_175, %dma_start3A_176] : memref<80x128xf32, #tpu.memory_space<vmem>> -> memref<80x128xf32, #tpu.memory_space<vmem>>
      %dma_start3A_178 = arith.constant 0 : i32
      %dma_start3A_179 = tpu.memref_slice %arg19[%add3A_19, %dma_start3A_178] : memref<10000x128xf32, #tpu.memory_space<vmem_shared>> -> memref<80x128xf32, #tpu.memory_space<vmem_shared>>
      %dma_start3A_180 = arith.constant 0 : i32
      %dma_start3A_181 = tpu.memref_slice %arg19[%add3A_19, %dma_start3A_180] : memref<10000x128xf32, #tpu.memory_space<vmem_shared>> -> memref<80x128xf32, #tpu.memory_space<vmem_shared>>
      %dma_start3A_182 = arith.constant 0 : i32
      %dma_start3A_183 = arith.constant 0 : i32
      %dma_start3A_184 = tpu.memref_slice %arg15[%dma_start3A_182, %dma_start3A_183] : memref<80x128xf32, #tpu.memory_space<vmem>> -> memref<80x128xf32, #tpu.memory_space<vmem>>
      tpu.enqueue_dma source(%dma_start3A_184 : memref<80x128xf32, #tpu.memory_space<vmem>>) target(%dma_start3A_181 : memref<80x128xf32, #tpu.memory_space<vmem_shared>>) target_semaphore(%run_scoped3A : memref<!tpu.dma_semaphore, #tpu.memory_space<semaphore_mem>>)
      %dma_wait3A_185 = arith.constant 0 : i32
      %dma_wait3A_186 = arith.constant 0 : i32
      %dma_wait3A_187 = tpu.memref_slice %arg15[%dma_wait3A_185, %dma_wait3A_186] : memref<80x128xf32, #tpu.memory_space<vmem>> -> memref<80x128xf32, #tpu.memory_space<vmem>>
      %dma_wait3A_188 = arith.constant 0 : i32
      %dma_wait3A_189 = tpu.memref_slice %arg19[%add3A_19, %dma_wait3A_188] : memref<10000x128xf32, #tpu.memory_space<vmem_shared>> -> memref<80x128xf32, #tpu.memory_space<vmem_shared>>
      %dma_wait3A_190 = arith.constant 0 : i32
      %dma_wait3A_191 = tpu.memref_slice %arg19[%add3A_19, %dma_wait3A_190] : memref<10000x128xf32, #tpu.memory_space<vmem_shared>> -> memref<80x128xf32, #tpu.memory_space<vmem_shared>>
      %dma_wait3A_192 = arith.constant 0 : i32
      %dma_wait3A_193 = arith.constant 0 : i32
      %dma_wait3A_194 = tpu.memref_slice %arg15[%dma_wait3A_192, %dma_wait3A_193] : memref<80x128xf32, #tpu.memory_space<vmem>> -> memref<80x128xf32, #tpu.memory_space<vmem>>
      tpu.wait_dma2 semaphore(%run_scoped3A : memref<!tpu.dma_semaphore, #tpu.memory_space<semaphore_mem>>) src(%dma_wait3A_194 : memref<80x128xf32, #tpu.memory_space<vmem>>) dst(%dma_wait3A_191 : memref<80x128xf32, #tpu.memory_space<vmem_shared>>)
      tpu.yield
    }) : () -> ()
    %add3A_20 = arith.constant 480 : i32
    %add3A_21 = arith.addi %mul3A_7, %add3A_20 : i32
    "tpu.region"() ({
      %run_scoped3A = tpu.sem_alloc : memref<!tpu.dma_semaphore, #tpu.memory_space<semaphore_mem>>
      %dma_start3A_175 = arith.constant 0 : i32
      %dma_start3A_176 = arith.constant 0 : i32
      %dma_start3A_177 = tpu.memref_slice %arg15[%dma_start3A_175, %dma_start3A_176] : memref<80x128xf32, #tpu.memory_space<vmem>> -> memref<80x128xf32, #tpu.memory_space<vmem>>
      %dma_start3A_178 = arith.constant 0 : i32
      %dma_start3A_179 = tpu.memref_slice %arg19[%add3A_21, %dma_start3A_178] : memref<10000x128xf32, #tpu.memory_space<vmem_shared>> -> memref<80x128xf32, #tpu.memory_space<vmem_shared>>
      %dma_start3A_180 = arith.constant 0 : i32
      %dma_start3A_181 = tpu.memref_slice %arg19[%add3A_21, %dma_start3A_180] : memref<10000x128xf32, #tpu.memory_space<vmem_shared>> -> memref<80x128xf32, #tpu.memory_space<vmem_shared>>
      %dma_start3A_182 = arith.constant 0 : i32
      %dma_start3A_183 = arith.constant 0 : i32
      %dma_start3A_184 = tpu.memref_slice %arg15[%dma_start3A_182, %dma_start3A_183] : memref<80x128xf32, #tpu.memory_space<vmem>> -> memref<80x128xf32, #tpu.memory_space<vmem>>
      tpu.enqueue_dma source(%dma_start3A_184 : memref<80x128xf32, #tpu.memory_space<vmem>>) target(%dma_start3A_181 : memref<80x128xf32, #tpu.memory_space<vmem_shared>>) target_semaphore(%run_scoped3A : memref<!tpu.dma_semaphore, #tpu.memory_space<semaphore_mem>>)
      %dma_wait3A_185 = arith.constant 0 : i32
      %dma_wait3A_186 = arith.constant 0 : i32
      %dma_wait3A_187 = tpu.memref_slice %arg15[%dma_wait3A_185, %dma_wait3A_186] : memref<80x128xf32, #tpu.memory_space<vmem>> -> memref<80x128xf32, #tpu.memory_space<vmem>>
      %dma_wait3A_188 = arith.constant 0 : i32
      %dma_wait3A_189 = tpu.memref_slice %arg19[%add3A_21, %dma_wait3A_188] : memref<10000x128xf32, #tpu.memory_space<vmem_shared>> -> memref<80x128xf32, #tpu.memory_space<vmem_shared>>
      %dma_wait3A_190 = arith.constant 0 : i32
      %dma_wait3A_191 = tpu.memref_slice %arg19[%add3A_21, %dma_wait3A_190] : memref<10000x128xf32, #tpu.memory_space<vmem_shared>> -> memref<80x128xf32, #tpu.memory_space<vmem_shared>>
      %dma_wait3A_192 = arith.constant 0 : i32
      %dma_wait3A_193 = arith.constant 0 : i32
      %dma_wait3A_194 = tpu.memref_slice %arg15[%dma_wait3A_192, %dma_wait3A_193] : memref<80x128xf32, #tpu.memory_space<vmem>> -> memref<80x128xf32, #tpu.memory_space<vmem>>
      tpu.wait_dma2 semaphore(%run_scoped3A : memref<!tpu.dma_semaphore, #tpu.memory_space<semaphore_mem>>) src(%dma_wait3A_194 : memref<80x128xf32, #tpu.memory_space<vmem>>) dst(%dma_wait3A_191 : memref<80x128xf32, #tpu.memory_space<vmem_shared>>)
      tpu.yield
    }) : () -> ()
    %add3A_22 = arith.constant 560 : i32
    %add3A_23 = arith.addi %mul3A_7, %add3A_22 : i32
    "tpu.region"() ({
      %run_scoped3A = tpu.sem_alloc : memref<!tpu.dma_semaphore, #tpu.memory_space<semaphore_mem>>
      %dma_start3A_175 = arith.constant 0 : i32
      %dma_start3A_176 = arith.constant 0 : i32
      %dma_start3A_177 = tpu.memref_slice %arg15[%dma_start3A_175, %dma_start3A_176] : memref<80x128xf32, #tpu.memory_space<vmem>> -> memref<64x128xf32, #tpu.memory_space<vmem>>
      %dma_start3A_178 = arith.constant 0 : i32
      %dma_start3A_179 = tpu.memref_slice %arg19[%add3A_23, %dma_start3A_178] : memref<10000x128xf32, #tpu.memory_space<vmem_shared>> -> memref<64x128xf32, #tpu.memory_space<vmem_shared>>
      %dma_start3A_180 = arith.constant 0 : i32
      %dma_start3A_181 = tpu.memref_slice %arg19[%add3A_23, %dma_start3A_180] : memref<10000x128xf32, #tpu.memory_space<vmem_shared>> -> memref<64x128xf32, #tpu.memory_space<vmem_shared>>
      %dma_start3A_182 = arith.constant 0 : i32
      %dma_start3A_183 = arith.constant 0 : i32
      %dma_start3A_184 = tpu.memref_slice %arg15[%dma_start3A_182, %dma_start3A_183] : memref<80x128xf32, #tpu.memory_space<vmem>> -> memref<64x128xf32, #tpu.memory_space<vmem>>
      tpu.enqueue_dma source(%dma_start3A_184 : memref<64x128xf32, #tpu.memory_space<vmem>>) target(%dma_start3A_181 : memref<64x128xf32, #tpu.memory_space<vmem_shared>>) target_semaphore(%run_scoped3A : memref<!tpu.dma_semaphore, #tpu.memory_space<semaphore_mem>>)
      %dma_wait3A_185 = arith.constant 0 : i32
      %dma_wait3A_186 = arith.constant 0 : i32
      %dma_wait3A_187 = tpu.memref_slice %arg15[%dma_wait3A_185, %dma_wait3A_186] : memref<80x128xf32, #tpu.memory_space<vmem>> -> memref<64x128xf32, #tpu.memory_space<vmem>>
      %dma_wait3A_188 = arith.constant 0 : i32
      %dma_wait3A_189 = tpu.memref_slice %arg19[%add3A_23, %dma_wait3A_188] : memref<10000x128xf32, #tpu.memory_space<vmem_shared>> -> memref<64x128xf32, #tpu.memory_space<vmem_shared>>
      %dma_wait3A_190 = arith.constant 0 : i32
      %dma_wait3A_191 = tpu.memref_slice %arg19[%add3A_23, %dma_wait3A_190] : memref<10000x128xf32, #tpu.memory_space<vmem_shared>> -> memref<64x128xf32, #tpu.memory_space<vmem_shared>>
      %dma_wait3A_192 = arith.constant 0 : i32
      %dma_wait3A_193 = arith.constant 0 : i32
      %dma_wait3A_194 = tpu.memref_slice %arg15[%dma_wait3A_192, %dma_wait3A_193] : memref<80x128xf32, #tpu.memory_space<vmem>> -> memref<64x128xf32, #tpu.memory_space<vmem>>
      tpu.wait_dma2 semaphore(%run_scoped3A : memref<!tpu.dma_semaphore, #tpu.memory_space<semaphore_mem>>) src(%dma_wait3A_194 : memref<64x128xf32, #tpu.memory_space<vmem>>) dst(%dma_wait3A_191 : memref<64x128xf32, #tpu.memory_space<vmem_shared>>)
      tpu.yield
    }) : () -> ()
    %eq3A = arith.constant 15 : i32
    %eq3A_24 = arith.cmpi eq, %arg1, %eq3A : i32
    %convert_element_type3A = arith.extui %eq3A_24 : i1 to i32
    %cond3A = arith.constant 0 : i32
    %cond3A_25 = arith.cmpi ne, %convert_element_type3A, %cond3A : i32
    scf.if %cond3A_25 {
      "tpu.region"() ({
        %run_scoped3A = tpu.sem_alloc : memref<!tpu.dma_semaphore, #tpu.memory_space<semaphore_mem>>
        %dma_start3A_175 = arith.constant 0 : i32
        %dma_start3A_176 = arith.constant 0 : i32
        %dma_start3A_177 = tpu.memref_slice %arg15[%dma_start3A_175, %dma_start3A_176] : memref<80x128xf32, #tpu.memory_space<vmem>> -> memref<16x128xf32, #tpu.memory_space<vmem>>
        %dma_start3A_178 = arith.constant 9984 : i32
        %dma_start3A_179 = arith.constant 0 : i32
        %dma_start3A_180 = tpu.memref_slice %arg19[%dma_start3A_178, %dma_start3A_179] : memref<10000x128xf32, #tpu.memory_space<vmem_shared>> -> memref<16x128xf32, #tpu.memory_space<vmem_shared>>
        %dma_start3A_181 = arith.constant 9984 : i32
        %dma_start3A_182 = arith.constant 0 : i32
        %dma_start3A_183 = tpu.memref_slice %arg19[%dma_start3A_181, %dma_start3A_182] : memref<10000x128xf32, #tpu.memory_space<vmem_shared>> -> memref<16x128xf32, #tpu.memory_space<vmem_shared>>
        %dma_start3A_184 = arith.constant 0 : i32
        %dma_start3A_185 = arith.constant 0 : i32
        %dma_start3A_186 = tpu.memref_slice %arg15[%dma_start3A_184, %dma_start3A_185] : memref<80x128xf32, #tpu.memory_space<vmem>> -> memref<16x128xf32, #tpu.memory_space<vmem>>
        tpu.enqueue_dma source(%dma_start3A_186 : memref<16x128xf32, #tpu.memory_space<vmem>>) target(%dma_start3A_183 : memref<16x128xf32, #tpu.memory_space<vmem_shared>>) target_semaphore(%run_scoped3A : memref<!tpu.dma_semaphore, #tpu.memory_space<semaphore_mem>>)
        %dma_wait3A_187 = arith.constant 0 : i32
        %dma_wait3A_188 = arith.constant 0 : i32
        %dma_wait3A_189 = tpu.memref_slice %arg15[%dma_wait3A_187, %dma_wait3A_188] : memref<80x128xf32, #tpu.memory_space<vmem>> -> memref<16x128xf32, #tpu.memory_space<vmem>>
        %dma_wait3A_190 = arith.constant 9984 : i32
        %dma_wait3A_191 = arith.constant 0 : i32
        %dma_wait3A_192 = tpu.memref_slice %arg19[%dma_wait3A_190, %dma_wait3A_191] : memref<10000x128xf32, #tpu.memory_space<vmem_shared>> -> memref<16x128xf32, #tpu.memory_space<vmem_shared>>
        %dma_wait3A_193 = arith.constant 9984 : i32
        %dma_wait3A_194 = arith.constant 0 : i32
        %dma_wait3A_195 = tpu.memref_slice %arg19[%dma_wait3A_193, %dma_wait3A_194] : memref<10000x128xf32, #tpu.memory_space<vmem_shared>> -> memref<16x128xf32, #tpu.memory_space<vmem_shared>>
        %dma_wait3A_196 = arith.constant 0 : i32
        %dma_wait3A_197 = arith.constant 0 : i32
        %dma_wait3A_198 = tpu.memref_slice %arg15[%dma_wait3A_196, %dma_wait3A_197] : memref<80x128xf32, #tpu.memory_space<vmem>> -> memref<16x128xf32, #tpu.memory_space<vmem>>
        tpu.wait_dma2 semaphore(%run_scoped3A : memref<!tpu.dma_semaphore, #tpu.memory_space<semaphore_mem>>) src(%dma_wait3A_198 : memref<16x128xf32, #tpu.memory_space<vmem>>) dst(%dma_wait3A_195 : memref<16x128xf32, #tpu.memory_space<vmem_shared>>)
        tpu.yield
      }) : () -> ()
    } else {
    }
    %barrier3A = arith.constant 0 : index
    tpu.barrier barrier_id(%barrier3A)
    %mul3A_26 = arith.constant 125 : i32
    %mul3A_27 = arith.muli %add3A, %mul3A_26 : i32
    %add3A_28 = arith.constant 0 : i32
    %add3A_29 = arith.addi %mul3A_27, %add3A_28 : i32
    %mul3A_30 = arith.constant 80 : i32
    %mul3A_31 = arith.muli %add3A_29, %mul3A_30 : i32
    "tpu.region"() ({
      %run_scoped3A = tpu.sem_alloc : memref<!tpu.dma_semaphore, #tpu.memory_space<semaphore_mem>>
      %dma_start3A_175 = tpu.memref_slice %arg3[%mul3A_31] : memref<320000xi32, #tpu.memory_space<hbm>> -> memref<320xi32, #tpu.memory_space<hbm>>
      %dma_start3A_176 = tpu.memref_slice %arg3[%mul3A_31] : memref<320000xi32, #tpu.memory_space<hbm>> -> memref<320xi32, #tpu.memory_space<hbm>>
      tpu.enqueue_dma source(%dma_start3A_176 : memref<320xi32, #tpu.memory_space<hbm>>) target(%arg8 : memref<320xi32, #tpu.memory_space<vmem>>) target_semaphore(%run_scoped3A : memref<!tpu.dma_semaphore, #tpu.memory_space<semaphore_mem>>)
      %dma_wait3A_177 = tpu.memref_slice %arg3[%mul3A_31] : memref<320000xi32, #tpu.memory_space<hbm>> -> memref<320xi32, #tpu.memory_space<hbm>>
      %dma_wait3A_178 = tpu.memref_slice %arg3[%mul3A_31] : memref<320000xi32, #tpu.memory_space<hbm>> -> memref<320xi32, #tpu.memory_space<hbm>>
      tpu.wait_dma2 semaphore(%run_scoped3A : memref<!tpu.dma_semaphore, #tpu.memory_space<semaphore_mem>>) src(%dma_wait3A_178 : memref<320xi32, #tpu.memory_space<hbm>>) dst(%arg8 : memref<320xi32, #tpu.memory_space<vmem>>)
      tpu.yield
    }) : () -> ()
    "tpu.region"() ({
      %run_scoped3A = tpu.sem_alloc : memref<!tpu.dma_semaphore, #tpu.memory_space<semaphore_mem>>
      %dma_start3A_175 = tpu.memref_slice %arg4[%mul3A_31] : memref<320000xi32, #tpu.memory_space<hbm>> -> memref<320xi32, #tpu.memory_space<hbm>>
      %dma_start3A_176 = tpu.memref_slice %arg4[%mul3A_31] : memref<320000xi32, #tpu.memory_space<hbm>> -> memref<320xi32, #tpu.memory_space<hbm>>
      tpu.enqueue_dma source(%dma_start3A_176 : memref<320xi32, #tpu.memory_space<hbm>>) target(%arg9 : memref<320xi32, #tpu.memory_space<vmem>>) target_semaphore(%run_scoped3A : memref<!tpu.dma_semaphore, #tpu.memory_space<semaphore_mem>>)
      %dma_wait3A_177 = tpu.memref_slice %arg4[%mul3A_31] : memref<320000xi32, #tpu.memory_space<hbm>> -> memref<320xi32, #tpu.memory_space<hbm>>
      %dma_wait3A_178 = tpu.memref_slice %arg4[%mul3A_31] : memref<320000xi32, #tpu.memory_space<hbm>> -> memref<320xi32, #tpu.memory_space<hbm>>
      tpu.wait_dma2 semaphore(%run_scoped3A : memref<!tpu.dma_semaphore, #tpu.memory_space<semaphore_mem>>) src(%dma_wait3A_178 : memref<320xi32, #tpu.memory_space<hbm>>) dst(%arg9 : memref<320xi32, #tpu.memory_space<vmem>>)
      tpu.yield
    }) : () -> ()
    %dma_start3A = arith.constant 0 : i32
    %dma_start3A_32 = arith.constant 0 : i32
    %dma_start3A_33 = tpu.memref_slice %arg10[%dma_start3A, %dma_start3A_32] : memref<4x80xi32, #tpu.memory_space<vmem>> -> memref<1x80xi32, #tpu.memory_space<vmem>>
    %dma_start3A_34 = tpu.memref_squeeze %dma_start3A_33 : memref<1x80xi32, #tpu.memory_space<vmem>> -> memref<80xi32, #tpu.memory_space<vmem>>
    %dma_start3A_35 = arith.constant 0 : i32
    %dma_start3A_36 = tpu.memref_slice %arg8[%dma_start3A_35] : memref<320xi32, #tpu.memory_space<vmem>> -> memref<80xi32, #tpu.memory_space<vmem>>
    %dma_start3A_37 = arith.constant 0 : i32
    %dma_start3A_38 = tpu.memref_slice %arg5[%dma_start3A_37] : memref<10000xi32, #tpu.memory_space<hbm>> -> memref<10000xi32, #tpu.memory_space<hbm>>
    tpu.enqueue_indirect_dma source(%dma_start3A_38 : memref<10000xi32, #tpu.memory_space<hbm>>) target(%dma_start3A_34 : memref<80xi32, #tpu.memory_space<vmem>>) offsets(%dma_start3A_36 : memref<80xi32, #tpu.memory_space<vmem>>) semaphore(%arg26 : memref<!tpu.dma_semaphore, #tpu.memory_space<semaphore_mem>>)
    %dma_start3A_39 = arith.constant 1 : i32
    %dma_start3A_40 = arith.constant 0 : i32
    %dma_start3A_41 = tpu.memref_slice %arg10[%dma_start3A_39, %dma_start3A_40] : memref<4x80xi32, #tpu.memory_space<vmem>> -> memref<1x80xi32, #tpu.memory_space<vmem>>
    %dma_start3A_42 = tpu.memref_squeeze %dma_start3A_41 : memref<1x80xi32, #tpu.memory_space<vmem>> -> memref<80xi32, #tpu.memory_space<vmem>>
    %dma_start3A_43 = arith.constant 80 : i32
    %dma_start3A_44 = tpu.memref_slice %arg8[%dma_start3A_43] : memref<320xi32, #tpu.memory_space<vmem>> -> memref<80xi32, #tpu.memory_space<vmem>>
    %dma_start3A_45 = arith.constant 0 : i32
    %dma_start3A_46 = tpu.memref_slice %arg5[%dma_start3A_45] : memref<10000xi32, #tpu.memory_space<hbm>> -> memref<10000xi32, #tpu.memory_space<hbm>>
    tpu.enqueue_indirect_dma source(%dma_start3A_46 : memref<10000xi32, #tpu.memory_space<hbm>>) target(%dma_start3A_42 : memref<80xi32, #tpu.memory_space<vmem>>) offsets(%dma_start3A_44 : memref<80xi32, #tpu.memory_space<vmem>>) semaphore(%arg27 : memref<!tpu.dma_semaphore, #tpu.memory_space<semaphore_mem>>)
    %dma_start3A_47 = arith.constant 2 : i32
    %dma_start3A_48 = arith.constant 0 : i32
    %dma_start3A_49 = tpu.memref_slice %arg10[%dma_start3A_47, %dma_start3A_48] : memref<4x80xi32, #tpu.memory_space<vmem>> -> memref<1x80xi32, #tpu.memory_space<vmem>>
    %dma_start3A_50 = tpu.memref_squeeze %dma_start3A_49 : memref<1x80xi32, #tpu.memory_space<vmem>> -> memref<80xi32, #tpu.memory_space<vmem>>
    %dma_start3A_51 = arith.constant 160 : i32
    %dma_start3A_52 = tpu.memref_slice %arg8[%dma_start3A_51] : memref<320xi32, #tpu.memory_space<vmem>> -> memref<80xi32, #tpu.memory_space<vmem>>
    %dma_start3A_53 = arith.constant 0 : i32
    %dma_start3A_54 = tpu.memref_slice %arg5[%dma_start3A_53] : memref<10000xi32, #tpu.memory_space<hbm>> -> memref<10000xi32, #tpu.memory_space<hbm>>
    tpu.enqueue_indirect_dma source(%dma_start3A_54 : memref<10000xi32, #tpu.memory_space<hbm>>) target(%dma_start3A_50 : memref<80xi32, #tpu.memory_space<vmem>>) offsets(%dma_start3A_52 : memref<80xi32, #tpu.memory_space<vmem>>) semaphore(%arg28 : memref<!tpu.dma_semaphore, #tpu.memory_space<semaphore_mem>>)
    %dma_start3A_55 = arith.constant 3 : i32
    %dma_start3A_56 = arith.constant 0 : i32
    %dma_start3A_57 = tpu.memref_slice %arg10[%dma_start3A_55, %dma_start3A_56] : memref<4x80xi32, #tpu.memory_space<vmem>> -> memref<1x80xi32, #tpu.memory_space<vmem>>
    %dma_start3A_58 = tpu.memref_squeeze %dma_start3A_57 : memref<1x80xi32, #tpu.memory_space<vmem>> -> memref<80xi32, #tpu.memory_space<vmem>>
    %dma_start3A_59 = arith.constant 240 : i32
    %dma_start3A_60 = tpu.memref_slice %arg8[%dma_start3A_59] : memref<320xi32, #tpu.memory_space<vmem>> -> memref<80xi32, #tpu.memory_space<vmem>>
    %dma_start3A_61 = arith.constant 0 : i32
    %dma_start3A_62 = tpu.memref_slice %arg5[%dma_start3A_61] : memref<10000xi32, #tpu.memory_space<hbm>> -> memref<10000xi32, #tpu.memory_space<hbm>>
    tpu.enqueue_indirect_dma source(%dma_start3A_62 : memref<10000xi32, #tpu.memory_space<hbm>>) target(%dma_start3A_58 : memref<80xi32, #tpu.memory_space<vmem>>) offsets(%dma_start3A_60 : memref<80xi32, #tpu.memory_space<vmem>>) semaphore(%arg29 : memref<!tpu.dma_semaphore, #tpu.memory_space<semaphore_mem>>)
    %dma_wait3A = arith.constant 0 : i32
    %dma_wait3A_63 = arith.constant 0 : i32
    %dma_wait3A_64 = tpu.memref_slice %arg10[%dma_wait3A, %dma_wait3A_63] : memref<4x80xi32, #tpu.memory_space<vmem>> -> memref<1x80xi32, #tpu.memory_space<vmem>>
    %dma_wait3A_65 = tpu.memref_squeeze %dma_wait3A_64 : memref<1x80xi32, #tpu.memory_space<vmem>> -> memref<80xi32, #tpu.memory_space<vmem>>
    %dma_wait3A_66 = arith.constant 0 : i32
    %dma_wait3A_67 = tpu.memref_slice %arg5[%dma_wait3A_66] : memref<10000xi32, #tpu.memory_space<hbm>> -> memref<10000xi32, #tpu.memory_space<hbm>>
    tpu.wait_indirect_dma semaphore(%arg26 : memref<!tpu.dma_semaphore, #tpu.memory_space<semaphore_mem>>) src(%dma_wait3A_67 : memref<10000xi32, #tpu.memory_space<hbm>>) dst(%dma_wait3A_65 : memref<80xi32, #tpu.memory_space<vmem>>)
    %scan3A_68 = arith.constant 0 : i32
    %scan3A_69 = arith.constant 5 : i32
    %scan3A_70 = arith.addi %scan3A_68, %scan3A_69 : i32
    %scan3A_71 = arith.constant 1 : i32
    scf.for %scan3A_175 = %scan3A_68 to %scan3A_70 step %scan3A_71  : i32 {
      %mul3A_176 = arith.constant 16 : i32
      %mul3A_177 = arith.muli %scan3A_175, %mul3A_176 : i32
      %add3A_178 = arith.constant 0 : i32
      %add3A_179 = arith.addi %add3A_178, %mul3A_177 : i32
      %add3A_180 = arith.constant 0 : i32
      %add3A_181 = arith.addi %add3A_180, %add3A_179 : i32
      %get3A = arith.index_cast %add3A_181 : i32 to index
      %get3A_182 = tpu.vector_load %arg8[%get3A] {strides = array<i32>} : memref<320xi32, #tpu.memory_space<vmem>>, vector<16xi32>,
      %get3A_183 = arith.constant 0 : i32
      %get3A_184 = arith.index_cast %get3A_183 : i32 to index
      %get3A_185 = arith.index_cast %add3A_179 : i32 to index
      %get3A_186 = tpu.vector_load %arg10[%get3A_184, %get3A_185] {strides = array<i32>} : memref<4x80xi32, #tpu.memory_space<vmem>>, vector<16xi32>,
      %add3A_187 = arith.constant 0 : i32
      %add3A_188 = arith.addi %add3A_187, %add3A_179 : i32
      %get3A_189 = arith.index_cast %add3A_188 : i32 to index
      %get3A_190 = tpu.vector_load %arg9[%get3A_189] {strides = array<i32>} : memref<320xi32, #tpu.memory_space<vmem>>, vector<16xi32>,
      %sub3A_191 = arith.constant 1 : i32
      %sub3A_192 = vector.broadcast %sub3A_191 : i32 to vector<16xi32>
      %sub3A_193 = arith.subi %sub3A_192, %get3A_186 : vector<16xi32>
      %mul3A_194 = arith.constant 2000 : i32
      %mul3A_195 = vector.broadcast %mul3A_194 : i32 to vector<16xi32>
      %mul3A_196 = arith.muli %sub3A_193, %mul3A_195 : vector<16xi32>
      %add3A_197 = arith.addi %get3A_190, %mul3A_196 : vector<16xi32>
      %swap3A = arith.index_cast %add3A_179 : i32 to index
      %swap3A_198 = tpu.vector_load %arg13[%swap3A] {strides = array<i32>} : memref<80xi32, #tpu.memory_space<vmem>>, vector<16xi32>,
      tpu.vector_store %arg13[%swap3A], %add3A_197 {strides = array<i32>} : memref<80xi32, #tpu.memory_space<vmem>>, vector<16xi32>,
      %swap3A_199 = arith.index_cast %add3A_179 : i32 to index
      %swap3A_200 = tpu.vector_load %arg11[%swap3A_199] {strides = array<i32>} : memref<80xi32, #tpu.memory_space<vmem>>, vector<16xi32>,
      tpu.vector_store %arg11[%swap3A_199], %get3A_182 {strides = array<i32>} : memref<80xi32, #tpu.memory_space<vmem>>, vector<16xi32>,
    }
    %scan3A_72 = arith.constant 5 : i32
    %mul3A_73 = arith.constant 125 : i32
    %mul3A_74 = arith.muli %add3A, %mul3A_73 : i32
    %add3A_75 = arith.constant 0 : i32
    %add3A_76 = arith.addi %mul3A_74, %add3A_75 : i32
    %mul3A_77 = arith.constant 80 : i32
    %mul3A_78 = arith.muli %add3A_76, %mul3A_77 : i32
    %dma_start3A_79 = arith.constant 0 : i32
    %dma_start3A_80 = arith.constant 0 : i32
    %dma_start3A_81 = tpu.memref_slice %arg2[%dma_start3A_79, %dma_start3A_80] : memref<4000x128xf32, #tpu.memory_space<hbm>> -> memref<4000x128xf32, #tpu.memory_space<hbm>>
    tpu.enqueue_indirect_dma source(%dma_start3A_81 : memref<4000x128xf32, #tpu.memory_space<hbm>>) target(%arg15 : memref<80x128xf32, #tpu.memory_space<vmem>>) offsets(%arg13 : memref<80xi32, #tpu.memory_space<vmem>>) semaphore(%arg20 : memref<!tpu.dma_semaphore, #tpu.memory_space<semaphore_mem>>)
    %dma_start3A_82 = arith.constant 0 : i32
    %dma_start3A_83 = tpu.memref_slice %arg6[%mul3A_78, %dma_start3A_82] : memref<320000x64xi32, #tpu.memory_space<hbm>> -> memref<80x64xi32, #tpu.memory_space<hbm>>
    %dma_start3A_84 = arith.constant 0 : i32
    %dma_start3A_85 = tpu.memref_slice %arg6[%mul3A_78, %dma_start3A_84] : memref<320000x64xi32, #tpu.memory_space<hbm>> -> memref<80x64xi32, #tpu.memory_space<hbm>>
    tpu.enqueue_dma source(%dma_start3A_85 : memref<80x64xi32, #tpu.memory_space<hbm>>) target(%arg17 : memref<80x64xi32, #tpu.memory_space<vmem>>) target_semaphore(%arg22 : memref<!tpu.dma_semaphore, #tpu.memory_space<semaphore_mem>>)
    %dma_wait3A_86 = arith.constant 1 : i32
    %dma_wait3A_87 = arith.constant 0 : i32
    %dma_wait3A_88 = tpu.memref_slice %arg10[%dma_wait3A_86, %dma_wait3A_87] : memref<4x80xi32, #tpu.memory_space<vmem>> -> memref<1x80xi32, #tpu.memory_space<vmem>>
    %dma_wait3A_89 = tpu.memref_squeeze %dma_wait3A_88 : memref<1x80xi32, #tpu.memory_space<vmem>> -> memref<80xi32, #tpu.memory_space<vmem>>
    %dma_wait3A_90 = arith.constant 0 : i32
    %dma_wait3A_91 = tpu.memref_slice %arg5[%dma_wait3A_90] : memref<10000xi32, #tpu.memory_space<hbm>> -> memref<10000xi32, #tpu.memory_space<hbm>>
    tpu.wait_indirect_dma semaphore(%arg27 : memref<!tpu.dma_semaphore, #tpu.memory_space<semaphore_mem>>) src(%dma_wait3A_91 : memref<10000xi32, #tpu.memory_space<hbm>>) dst(%dma_wait3A_89 : memref<80xi32, #tpu.memory_space<vmem>>)
    %scan3A_92 = arith.constant 0 : i32
    %scan3A_93 = arith.constant 5 : i32
    %scan3A_94 = arith.addi %scan3A_92, %scan3A_93 : i32
    %scan3A_95 = arith.constant 1 : i32
    scf.for %scan3A_175 = %scan3A_92 to %scan3A_94 step %scan3A_95  : i32 {
      %mul3A_176 = arith.constant 16 : i32
      %mul3A_177 = arith.muli %scan3A_175, %mul3A_176 : i32
      %add3A_178 = arith.constant 0 : i32
      %add3A_179 = arith.addi %add3A_178, %mul3A_177 : i32
      %add3A_180 = arith.constant 80 : i32
      %add3A_181 = arith.addi %add3A_180, %add3A_179 : i32
      %get3A = arith.index_cast %add3A_181 : i32 to index
      %get3A_182 = tpu.vector_load %arg8[%get3A] {strides = array<i32>} : memref<320xi32, #tpu.memory_space<vmem>>, vector<16xi32>,
      %get3A_183 = arith.constant 1 : i32
      %get3A_184 = arith.index_cast %get3A_183 : i32 to index
      %get3A_185 = arith.index_cast %add3A_179 : i32 to index
      %get3A_186 = tpu.vector_load %arg10[%get3A_184, %get3A_185] {strides = array<i32>} : memref<4x80xi32, #tpu.memory_space<vmem>>, vector<16xi32>,
      %add3A_187 = arith.constant 80 : i32
      %add3A_188 = arith.addi %add3A_187, %add3A_179 : i32
      %get3A_189 = arith.index_cast %add3A_188 : i32 to index
      %get3A_190 = tpu.vector_load %arg9[%get3A_189] {strides = array<i32>} : memref<320xi32, #tpu.memory_space<vmem>>, vector<16xi32>,
      %sub3A_191 = arith.constant 1 : i32
      %sub3A_192 = vector.broadcast %sub3A_191 : i32 to vector<16xi32>
      %sub3A_193 = arith.subi %sub3A_192, %get3A_186 : vector<16xi32>
      %mul3A_194 = arith.constant 2000 : i32
      %mul3A_195 = vector.broadcast %mul3A_194 : i32 to vector<16xi32>
      %mul3A_196 = arith.muli %sub3A_193, %mul3A_195 : vector<16xi32>
      %add3A_197 = arith.addi %get3A_190, %mul3A_196 : vector<16xi32>
      %swap3A = arith.index_cast %add3A_179 : i32 to index
      %swap3A_198 = tpu.vector_load %arg14[%swap3A] {strides = array<i32>} : memref<80xi32, #tpu.memory_space<vmem>>, vector<16xi32>,
      tpu.vector_store %arg14[%swap3A], %add3A_197 {strides = array<i32>} : memref<80xi32, #tpu.memory_space<vmem>>, vector<16xi32>,
      %swap3A_199 = arith.index_cast %add3A_179 : i32 to index
      %swap3A_200 = tpu.vector_load %arg12[%swap3A_199] {strides = array<i32>} : memref<80xi32, #tpu.memory_space<vmem>>, vector<16xi32>,
      tpu.vector_store %arg12[%swap3A_199], %get3A_182 {strides = array<i32>} : memref<80xi32, #tpu.memory_space<vmem>>, vector<16xi32>,
    }
    %scan3A_96 = arith.constant 5 : i32
    %mul3A_97 = arith.constant 125 : i32
    %mul3A_98 = arith.muli %add3A, %mul3A_97 : i32
    %add3A_99 = arith.constant 1 : i32
    %add3A_100 = arith.addi %mul3A_98, %add3A_99 : i32
    %mul3A_101 = arith.constant 80 : i32
    %mul3A_102 = arith.muli %add3A_100, %mul3A_101 : i32
    %dma_start3A_103 = arith.constant 0 : i32
    %dma_start3A_104 = arith.constant 0 : i32
    %dma_start3A_105 = tpu.memref_slice %arg2[%dma_start3A_103, %dma_start3A_104] : memref<4000x128xf32, #tpu.memory_space<hbm>> -> memref<4000x128xf32, #tpu.memory_space<hbm>>
    tpu.enqueue_indirect_dma source(%dma_start3A_105 : memref<4000x128xf32, #tpu.memory_space<hbm>>) target(%arg16 : memref<80x128xf32, #tpu.memory_space<vmem>>) offsets(%arg14 : memref<80xi32, #tpu.memory_space<vmem>>) semaphore(%arg21 : memref<!tpu.dma_semaphore, #tpu.memory_space<semaphore_mem>>)
    %dma_start3A_106 = arith.constant 0 : i32
    %dma_start3A_107 = tpu.memref_slice %arg6[%mul3A_102, %dma_start3A_106] : memref<320000x64xi32, #tpu.memory_space<hbm>> -> memref<80x64xi32, #tpu.memory_space<hbm>>
    %dma_start3A_108 = arith.constant 0 : i32
    %dma_start3A_109 = tpu.memref_slice %arg6[%mul3A_102, %dma_start3A_108] : memref<320000x64xi32, #tpu.memory_space<hbm>> -> memref<80x64xi32, #tpu.memory_space<hbm>>
    tpu.enqueue_dma source(%dma_start3A_109 : memref<80x64xi32, #tpu.memory_space<hbm>>) target(%arg18 : memref<80x64xi32, #tpu.memory_space<vmem>>) target_semaphore(%arg23 : memref<!tpu.dma_semaphore, #tpu.memory_space<semaphore_mem>>)
    %scan3A_110 = arith.constant 0 : i32
    %scan3A_111 = arith.constant 31 : i32
    %scan3A_112 = arith.addi %scan3A_110, %scan3A_111 : i32
    %scan3A_113 = arith.constant 1 : i32
    scf.for %scan3A_175 = %scan3A_110 to %scan3A_112 step %scan3A_113  : i32 {
      %mul3A_176 = arith.constant 1 : i32
      %mul3A_177 = arith.muli %scan3A_175, %mul3A_176 : i32
      %add3A_178 = arith.constant 0 : i32
      %add3A_179 = arith.addi %add3A_178, %mul3A_177 : i32
      %mul3A_180 = arith.constant 4 : i32
      %mul3A_181 = arith.muli %mul3A_180, %add3A_179 : i32
      %dma_wait3A_182 = arith.constant 0 : i32
      %dma_wait3A_183 = arith.constant 0 : i32
      %dma_wait3A_184 = tpu.memref_slice %arg2[%dma_wait3A_182, %dma_wait3A_183] : memref<4000x128xf32, #tpu.memory_space<hbm>> -> memref<4000x128xf32, #tpu.memory_space<hbm>>
      tpu.wait_indirect_dma semaphore(%arg20 : memref<!tpu.dma_semaphore, #tpu.memory_space<semaphore_mem>>) src(%dma_wait3A_184 : memref<4000x128xf32, #tpu.memory_space<hbm>>) dst(%arg15 : memref<80x128xf32, #tpu.memory_space<vmem>>)
      %dma_wait3A_185 = arith.constant 0 : i32
      %dma_wait3A_186 = arith.constant 0 : i32
      %dma_wait3A_187 = tpu.memref_slice %arg6[%dma_wait3A_185, %dma_wait3A_186] : memref<320000x64xi32, #tpu.memory_space<hbm>> -> memref<80x64xi32, #tpu.memory_space<hbm>>
      %dma_wait3A_188 = arith.constant 0 : i32
      %dma_wait3A_189 = arith.constant 0 : i32
      %dma_wait3A_190 = tpu.memref_slice %arg6[%dma_wait3A_188, %dma_wait3A_189] : memref<320000x64xi32, #tpu.memory_space<hbm>> -> memref<80x64xi32, #tpu.memory_space<hbm>>
      tpu.wait_dma2 semaphore(%arg22 : memref<!tpu.dma_semaphore, #tpu.memory_space<semaphore_mem>>) src(%dma_wait3A_190 : memref<80x64xi32, #tpu.memory_space<hbm>>) dst(%arg17 : memref<80x64xi32, #tpu.memory_space<vmem>>)
      %parallel_loop3A_191 = arith.constant 0 : i32
      %parallel_loop3A_192 = arith.constant 80 : i32
      %parallel_loop3A_193 = arith.constant 1 : i32
      scf.for %parallel_loop3A_307 = %parallel_loop3A_191 to %parallel_loop3A_192 step %parallel_loop3A_193  : i32 {
        %parallel_loop3A_308 = arith.index_cast %parallel_loop3A_307 : i32 to index
        %parallel_loop3A_309 = arith.constant 0 : index
        %parallel_loop3A_310 = tpu.vector_load %arg17[%parallel_loop3A_308, %parallel_loop3A_309] {strides = array<i32>} : memref<80x64xi32, #tpu.memory_space<vmem>>, vector<16xi32>,
        %parallel_loop3A_311 = arith.constant 16 : i32
        %parallel_loop3A_312 = vector.broadcast %parallel_loop3A_311 : i32 to vector<16xi32>
        %parallel_loop3A_313 = arith.shli %parallel_loop3A_310, %parallel_loop3A_312 : vector<16xi32>
        %parallel_loop3A_314 = vector.bitcast %parallel_loop3A_313 : vector<16xi32> to vector<16xf32>
        %parallel_loop3A_315 = arith.constant -65536 : i32
        %parallel_loop3A_316 = vector.broadcast %parallel_loop3A_315 : i32 to vector<16xi32>
        %parallel_loop3A_317 = arith.andi %parallel_loop3A_310, %parallel_loop3A_316 : vector<16xi32>
        %parallel_loop3A_318 = vector.bitcast %parallel_loop3A_317 : vector<16xi32> to vector<16xf32>
        %parallel_loop3A_319 = arith.index_cast %parallel_loop3A_307 : i32 to index
        %parallel_loop3A_320 = arith.constant 0 : index
        %parallel_loop3A_321 = tpu.vector_load %arg15[%parallel_loop3A_319, %parallel_loop3A_320] {strides = array<i32>} : memref<80x128xf32, #tpu.memory_space<vmem>>, vector<16xf32>,
        %parallel_loop3A_322 = arith.mulf %parallel_loop3A_321, %parallel_loop3A_314 : vector<16xf32>
        %parallel_loop3A_323 = arith.index_cast %parallel_loop3A_307 : i32 to index
        %parallel_loop3A_324 = arith.constant 0 : index
        %parallel_loop3A_325 = tpu.vector_load %arg15[%parallel_loop3A_323, %parallel_loop3A_324] {strides = array<i32>} : memref<80x128xf32, #tpu.memory_space<vmem>>, vector<16xf32>,
        tpu.vector_store %arg15[%parallel_loop3A_323, %parallel_loop3A_324], %parallel_loop3A_322 {strides = array<i32>} : memref<80x128xf32, #tpu.memory_space<vmem>>, vector<16xf32>,
        %parallel_loop3A_326 = arith.index_cast %parallel_loop3A_307 : i32 to index
        %parallel_loop3A_327 = arith.constant 16 : index
        %parallel_loop3A_328 = tpu.vector_load %arg15[%parallel_loop3A_326, %parallel_loop3A_327] {strides = array<i32>} : memref<80x128xf32, #tpu.memory_space<vmem>>, vector<16xf32>,
        %parallel_loop3A_329 = arith.mulf %parallel_loop3A_328, %parallel_loop3A_318 : vector<16xf32>
        %parallel_loop3A_330 = arith.index_cast %parallel_loop3A_307 : i32 to index
        %parallel_loop3A_331 = arith.constant 16 : index
        %parallel_loop3A_332 = tpu.vector_load %arg15[%parallel_loop3A_330, %parallel_loop3A_331] {strides = array<i32>} : memref<80x128xf32, #tpu.memory_space<vmem>>, vector<16xf32>,
        tpu.vector_store %arg15[%parallel_loop3A_330, %parallel_loop3A_331], %parallel_loop3A_329 {strides = array<i32>} : memref<80x128xf32, #tpu.memory_space<vmem>>, vector<16xf32>,
        %parallel_loop3A_333 = arith.index_cast %parallel_loop3A_307 : i32 to index
        %parallel_loop3A_334 = arith.constant 16 : index
        %parallel_loop3A_335 = tpu.vector_load %arg17[%parallel_loop3A_333, %parallel_loop3A_334] {strides = array<i32>} : memref<80x64xi32, #tpu.memory_space<vmem>>, vector<16xi32>,
        %parallel_loop3A_336 = arith.constant 16 : i32
        %parallel_loop3A_337 = vector.broadcast %parallel_loop3A_336 : i32 to vector<16xi32>
        %parallel_loop3A_338 = arith.shli %parallel_loop3A_335, %parallel_loop3A_337 : vector<16xi32>
        %parallel_loop3A_339 = vector.bitcast %parallel_loop3A_338 : vector<16xi32> to vector<16xf32>
        %parallel_loop3A_340 = arith.constant -65536 : i32
        %parallel_loop3A_341 = vector.broadcast %parallel_loop3A_340 : i32 to vector<16xi32>
        %parallel_loop3A_342 = arith.andi %parallel_loop3A_335, %parallel_loop3A_341 : vector<16xi32>
        %parallel_loop3A_343 = vector.bitcast %parallel_loop3A_342 : vector<16xi32> to vector<16xf32>
        %parallel_loop3A_344 = arith.index_cast %parallel_loop3A_307 : i32 to index
        %parallel_loop3A_345 = arith.constant 32 : index
        %parallel_loop3A_346 = tpu.vector_load %arg15[%parallel_loop3A_344, %parallel_loop3A_345] {strides = array<i32>} : memref<80x128xf32, #tpu.memory_space<vmem>>, vector<16xf32>,
        %parallel_loop3A_347 = arith.mulf %parallel_loop3A_346, %parallel_loop3A_339 : vector<16xf32>
        %parallel_loop3A_348 = arith.index_cast %parallel_loop3A_307 : i32 to index
        %parallel_loop3A_349 = arith.constant 32 : index
        %parallel_loop3A_350 = tpu.vector_load %arg15[%parallel_loop3A_348, %parallel_loop3A_349] {strides = array<i32>} : memref<80x128xf32, #tpu.memory_space<vmem>>, vector<16xf32>,
        tpu.vector_store %arg15[%parallel_loop3A_348, %parallel_loop3A_349], %parallel_loop3A_347 {strides = array<i32>} : memref<80x128xf32, #tpu.memory_space<vmem>>, vector<16xf32>,
        %parallel_loop3A_351 = arith.index_cast %parallel_loop3A_307 : i32 to index
        %parallel_loop3A_352 = arith.constant 48 : index
        %parallel_loop3A_353 = tpu.vector_load %arg15[%parallel_loop3A_351, %parallel_loop3A_352] {strides = array<i32>} : memref<80x128xf32, #tpu.memory_space<vmem>>, vector<16xf32>,
        %parallel_loop3A_354 = arith.mulf %parallel_loop3A_353, %parallel_loop3A_343 : vector<16xf32>
        %parallel_loop3A_355 = arith.index_cast %parallel_loop3A_307 : i32 to index
        %parallel_loop3A_356 = arith.constant 48 : index
        %parallel_loop3A_357 = tpu.vector_load %arg15[%parallel_loop3A_355, %parallel_loop3A_356] {strides = array<i32>} : memref<80x128xf32, #tpu.memory_space<vmem>>, vector<16xf32>,
        tpu.vector_store %arg15[%parallel_loop3A_355, %parallel_loop3A_356], %parallel_loop3A_354 {strides = array<i32>} : memref<80x128xf32, #tpu.memory_space<vmem>>, vector<16xf32>,
        %parallel_loop3A_358 = arith.index_cast %parallel_loop3A_307 : i32 to index
        %parallel_loop3A_359 = arith.constant 32 : index
        %parallel_loop3A_360 = tpu.vector_load %arg17[%parallel_loop3A_358, %parallel_loop3A_359] {strides = array<i32>} : memref<80x64xi32, #tpu.memory_space<vmem>>, vector<16xi32>,
        %parallel_loop3A_361 = arith.constant 16 : i32
        %parallel_loop3A_362 = vector.broadcast %parallel_loop3A_361 : i32 to vector<16xi32>
        %parallel_loop3A_363 = arith.shli %parallel_loop3A_360, %parallel_loop3A_362 : vector<16xi32>
        %parallel_loop3A_364 = vector.bitcast %parallel_loop3A_363 : vector<16xi32> to vector<16xf32>
        %parallel_loop3A_365 = arith.constant -65536 : i32
        %parallel_loop3A_366 = vector.broadcast %parallel_loop3A_365 : i32 to vector<16xi32>
        %parallel_loop3A_367 = arith.andi %parallel_loop3A_360, %parallel_loop3A_366 : vector<16xi32>
        %parallel_loop3A_368 = vector.bitcast %parallel_loop3A_367 : vector<16xi32> to vector<16xf32>
        %parallel_loop3A_369 = arith.index_cast %parallel_loop3A_307 : i32 to index
        %parallel_loop3A_370 = arith.constant 64 : index
        %parallel_loop3A_371 = tpu.vector_load %arg15[%parallel_loop3A_369, %parallel_loop3A_370] {strides = array<i32>} : memref<80x128xf32, #tpu.memory_space<vmem>>, vector<16xf32>,
        %parallel_loop3A_372 = arith.mulf %parallel_loop3A_371, %parallel_loop3A_364 : vector<16xf32>
        %parallel_loop3A_373 = arith.index_cast %parallel_loop3A_307 : i32 to index
        %parallel_loop3A_374 = arith.constant 64 : index
        %parallel_loop3A_375 = tpu.vector_load %arg15[%parallel_loop3A_373, %parallel_loop3A_374] {strides = array<i32>} : memref<80x128xf32, #tpu.memory_space<vmem>>, vector<16xf32>,
        tpu.vector_store %arg15[%parallel_loop3A_373, %parallel_loop3A_374], %parallel_loop3A_372 {strides = array<i32>} : memref<80x128xf32, #tpu.memory_space<vmem>>, vector<16xf32>,
        %parallel_loop3A_376 = arith.index_cast %parallel_loop3A_307 : i32 to index
        %parallel_loop3A_377 = arith.constant 80 : index
        %parallel_loop3A_378 = tpu.vector_load %arg15[%parallel_loop3A_376, %parallel_loop3A_377] {strides = array<i32>} : memref<80x128xf32, #tpu.memory_space<vmem>>, vector<16xf32>,
        %parallel_loop3A_379 = arith.mulf %parallel_loop3A_378, %parallel_loop3A_368 : vector<16xf32>
        %parallel_loop3A_380 = arith.index_cast %parallel_loop3A_307 : i32 to index
        %parallel_loop3A_381 = arith.constant 80 : index
        %parallel_loop3A_382 = tpu.vector_load %arg15[%parallel_loop3A_380, %parallel_loop3A_381] {strides = array<i32>} : memref<80x128xf32, #tpu.memory_space<vmem>>, vector<16xf32>,
        tpu.vector_store %arg15[%parallel_loop3A_380, %parallel_loop3A_381], %parallel_loop3A_379 {strides = array<i32>} : memref<80x128xf32, #tpu.memory_space<vmem>>, vector<16xf32>,
        %parallel_loop3A_383 = arith.index_cast %parallel_loop3A_307 : i32 to index
        %parallel_loop3A_384 = arith.constant 48 : index
        %parallel_loop3A_385 = tpu.vector_load %arg17[%parallel_loop3A_383, %parallel_loop3A_384] {strides = array<i32>} : memref<80x64xi32, #tpu.memory_space<vmem>>, vector<16xi32>,
        %parallel_loop3A_386 = arith.constant 16 : i32
        %parallel_loop3A_387 = vector.broadcast %parallel_loop3A_386 : i32 to vector<16xi32>
        %parallel_loop3A_388 = arith.shli %parallel_loop3A_385, %parallel_loop3A_387 : vector<16xi32>
        %parallel_loop3A_389 = vector.bitcast %parallel_loop3A_388 : vector<16xi32> to vector<16xf32>
        %parallel_loop3A_390 = arith.constant -65536 : i32
        %parallel_loop3A_391 = vector.broadcast %parallel_loop3A_390 : i32 to vector<16xi32>
        %parallel_loop3A_392 = arith.andi %parallel_loop3A_385, %parallel_loop3A_391 : vector<16xi32>
        %parallel_loop3A_393 = vector.bitcast %parallel_loop3A_392 : vector<16xi32> to vector<16xf32>
        %parallel_loop3A_394 = arith.index_cast %parallel_loop3A_307 : i32 to index
        %parallel_loop3A_395 = arith.constant 96 : index
        %parallel_loop3A_396 = tpu.vector_load %arg15[%parallel_loop3A_394, %parallel_loop3A_395] {strides = array<i32>} : memref<80x128xf32, #tpu.memory_space<vmem>>, vector<16xf32>,
        %parallel_loop3A_397 = arith.mulf %parallel_loop3A_396, %parallel_loop3A_389 : vector<16xf32>
        %parallel_loop3A_398 = arith.index_cast %parallel_loop3A_307 : i32 to index
        %parallel_loop3A_399 = arith.constant 96 : index
        %parallel_loop3A_400 = tpu.vector_load %arg15[%parallel_loop3A_398, %parallel_loop3A_399] {strides = array<i32>} : memref<80x128xf32, #tpu.memory_space<vmem>>, vector<16xf32>,
        tpu.vector_store %arg15[%parallel_loop3A_398, %parallel_loop3A_399], %parallel_loop3A_397 {strides = array<i32>} : memref<80x128xf32, #tpu.memory_space<vmem>>, vector<16xf32>,
        %parallel_loop3A_401 = arith.index_cast %parallel_loop3A_307 : i32 to index
        %parallel_loop3A_402 = arith.constant 112 : index
        %parallel_loop3A_403 = tpu.vector_load %arg15[%parallel_loop3A_401, %parallel_loop3A_402] {strides = array<i32>} : memref<80x128xf32, #tpu.memory_space<vmem>>, vector<16xf32>,
        %parallel_loop3A_404 = arith.mulf %parallel_loop3A_403, %parallel_loop3A_393 : vector<16xf32>
        %parallel_loop3A_405 = arith.index_cast %parallel_loop3A_307 : i32 to index
        %parallel_loop3A_406 = arith.constant 112 : index
        %parallel_loop3A_407 = tpu.vector_load %arg15[%parallel_loop3A_405, %parallel_loop3A_406] {strides = array<i32>} : memref<80x128xf32, #tpu.memory_space<vmem>>, vector<16xf32>,
        tpu.vector_store %arg15[%parallel_loop3A_405, %parallel_loop3A_406], %parallel_loop3A_404 {strides = array<i32>} : memref<80x128xf32, #tpu.memory_space<vmem>>, vector<16xf32>,
      } {sc.loop_unroll_factor = 1 : i64, sc.parallel_access}
      %dma_start3A_194 = arith.constant 0 : i32
      %dma_start3A_195 = arith.constant 0 : i32
      %dma_start3A_196 = tpu.memref_slice %arg19[%dma_start3A_194, %dma_start3A_195] : memref<10000x128xf32, #tpu.memory_space<vmem_shared>> -> memref<10000x128xf32, #tpu.memory_space<vmem_shared>>
      tpu.enqueue_indirect_dma source(%arg15 : memref<80x128xf32, #tpu.memory_space<vmem>>) target(%dma_start3A_196 : memref<10000x128xf32, #tpu.memory_space<vmem_shared>>) offsets(%arg11 : memref<80xi32, #tpu.memory_space<vmem>>) semaphore(%arg24 : memref<!tpu.dma_semaphore, #tpu.memory_space<semaphore_mem>>) {add = true}
      %dma_wait3A_197 = arith.constant 0 : i32
      %dma_wait3A_198 = arith.constant 0 : i32
      %dma_wait3A_199 = tpu.memref_slice %arg2[%dma_wait3A_197, %dma_wait3A_198] : memref<4000x128xf32, #tpu.memory_space<hbm>> -> memref<4000x128xf32, #tpu.memory_space<hbm>>
      tpu.wait_indirect_dma semaphore(%arg21 : memref<!tpu.dma_semaphore, #tpu.memory_space<semaphore_mem>>) src(%dma_wait3A_199 : memref<4000x128xf32, #tpu.memory_space<hbm>>) dst(%arg16 : memref<80x128xf32, #tpu.memory_space<vmem>>)
      %dma_wait3A_200 = arith.constant 0 : i32
      %dma_wait3A_201 = arith.constant 0 : i32
      %dma_wait3A_202 = tpu.memref_slice %arg6[%dma_wait3A_200, %dma_wait3A_201] : memref<320000x64xi32, #tpu.memory_space<hbm>> -> memref<80x64xi32, #tpu.memory_space<hbm>>
      %dma_wait3A_203 = arith.constant 0 : i32
      %dma_wait3A_204 = arith.constant 0 : i32
      %dma_wait3A_205 = tpu.memref_slice %arg6[%dma_wait3A_203, %dma_wait3A_204] : memref<320000x64xi32, #tpu.memory_space<hbm>> -> memref<80x64xi32, #tpu.memory_space<hbm>>
      tpu.wait_dma2 semaphore(%arg23 : memref<!tpu.dma_semaphore, #tpu.memory_space<semaphore_mem>>) src(%dma_wait3A_205 : memref<80x64xi32, #tpu.memory_space<hbm>>) dst(%arg18 : memref<80x64xi32, #tpu.memory_space<vmem>>)
      %parallel_loop3A_206 = arith.constant 0 : i32
      %parallel_loop3A_207 = arith.constant 80 : i32
      %parallel_loop3A_208 = arith.constant 1 : i32
      scf.for %parallel_loop3A_307 = %parallel_loop3A_206 to %parallel_loop3A_207 step %parallel_loop3A_208  : i32 {
        %parallel_loop3A_308 = arith.index_cast %parallel_loop3A_307 : i32 to index
        %parallel_loop3A_309 = arith.constant 0 : index
        %parallel_loop3A_310 = tpu.vector_load %arg18[%parallel_loop3A_308, %parallel_loop3A_309] {strides = array<i32>} : memref<80x64xi32, #tpu.memory_space<vmem>>, vector<16xi32>,
        %parallel_loop3A_311 = arith.constant 16 : i32
        %parallel_loop3A_312 = vector.broadcast %parallel_loop3A_311 : i32 to vector<16xi32>
        %parallel_loop3A_313 = arith.shli %parallel_loop3A_310, %parallel_loop3A_312 : vector<16xi32>
        %parallel_loop3A_314 = vector.bitcast %parallel_loop3A_313 : vector<16xi32> to vector<16xf32>
        %parallel_loop3A_315 = arith.constant -65536 : i32
        %parallel_loop3A_316 = vector.broadcast %parallel_loop3A_315 : i32 to vector<16xi32>
        %parallel_loop3A_317 = arith.andi %parallel_loop3A_310, %parallel_loop3A_316 : vector<16xi32>
        %parallel_loop3A_318 = vector.bitcast %parallel_loop3A_317 : vector<16xi32> to vector<16xf32>
        %parallel_loop3A_319 = arith.index_cast %parallel_loop3A_307 : i32 to index
        %parallel_loop3A_320 = arith.constant 0 : index
        %parallel_loop3A_321 = tpu.vector_load %arg16[%parallel_loop3A_319, %parallel_loop3A_320] {strides = array<i32>} : memref<80x128xf32, #tpu.memory_space<vmem>>, vector<16xf32>,
        %parallel_loop3A_322 = arith.mulf %parallel_loop3A_321, %parallel_loop3A_314 : vector<16xf32>
        %parallel_loop3A_323 = arith.index_cast %parallel_loop3A_307 : i32 to index
        %parallel_loop3A_324 = arith.constant 0 : index
        %parallel_loop3A_325 = tpu.vector_load %arg16[%parallel_loop3A_323, %parallel_loop3A_324] {strides = array<i32>} : memref<80x128xf32, #tpu.memory_space<vmem>>, vector<16xf32>,
        tpu.vector_store %arg16[%parallel_loop3A_323, %parallel_loop3A_324], %parallel_loop3A_322 {strides = array<i32>} : memref<80x128xf32, #tpu.memory_space<vmem>>, vector<16xf32>,
        %parallel_loop3A_326 = arith.index_cast %parallel_loop3A_307 : i32 to index
        %parallel_loop3A_327 = arith.constant 16 : index
        %parallel_loop3A_328 = tpu.vector_load %arg16[%parallel_loop3A_326, %parallel_loop3A_327] {strides = array<i32>} : memref<80x128xf32, #tpu.memory_space<vmem>>, vector<16xf32>,
        %parallel_loop3A_329 = arith.mulf %parallel_loop3A_328, %parallel_loop3A_318 : vector<16xf32>
        %parallel_loop3A_330 = arith.index_cast %parallel_loop3A_307 : i32 to index
        %parallel_loop3A_331 = arith.constant 16 : index
        %parallel_loop3A_332 = tpu.vector_load %arg16[%parallel_loop3A_330, %parallel_loop3A_331] {strides = array<i32>} : memref<80x128xf32, #tpu.memory_space<vmem>>, vector<16xf32>,
        tpu.vector_store %arg16[%parallel_loop3A_330, %parallel_loop3A_331], %parallel_loop3A_329 {strides = array<i32>} : memref<80x128xf32, #tpu.memory_space<vmem>>, vector<16xf32>,
        %parallel_loop3A_333 = arith.index_cast %parallel_loop3A_307 : i32 to index
        %parallel_loop3A_334 = arith.constant 16 : index
        %parallel_loop3A_335 = tpu.vector_load %arg18[%parallel_loop3A_333, %parallel_loop3A_334] {strides = array<i32>} : memref<80x64xi32, #tpu.memory_space<vmem>>, vector<16xi32>,
        %parallel_loop3A_336 = arith.constant 16 : i32
        %parallel_loop3A_337 = vector.broadcast %parallel_loop3A_336 : i32 to vector<16xi32>
        %parallel_loop3A_338 = arith.shli %parallel_loop3A_335, %parallel_loop3A_337 : vector<16xi32>
        %parallel_loop3A_339 = vector.bitcast %parallel_loop3A_338 : vector<16xi32> to vector<16xf32>
        %parallel_loop3A_340 = arith.constant -65536 : i32
        %parallel_loop3A_341 = vector.broadcast %parallel_loop3A_340 : i32 to vector<16xi32>
        %parallel_loop3A_342 = arith.andi %parallel_loop3A_335, %parallel_loop3A_341 : vector<16xi32>
        %parallel_loop3A_343 = vector.bitcast %parallel_loop3A_342 : vector<16xi32> to vector<16xf32>
        %parallel_loop3A_344 = arith.index_cast %parallel_loop3A_307 : i32 to index
        %parallel_loop3A_345 = arith.constant 32 : index
        %parallel_loop3A_346 = tpu.vector_load %arg16[%parallel_loop3A_344, %parallel_loop3A_345] {strides = array<i32>} : memref<80x128xf32, #tpu.memory_space<vmem>>, vector<16xf32>,
        %parallel_loop3A_347 = arith.mulf %parallel_loop3A_346, %parallel_loop3A_339 : vector<16xf32>
        %parallel_loop3A_348 = arith.index_cast %parallel_loop3A_307 : i32 to index
        %parallel_loop3A_349 = arith.constant 32 : index
        %parallel_loop3A_350 = tpu.vector_load %arg16[%parallel_loop3A_348, %parallel_loop3A_349] {strides = array<i32>} : memref<80x128xf32, #tpu.memory_space<vmem>>, vector<16xf32>,
        tpu.vector_store %arg16[%parallel_loop3A_348, %parallel_loop3A_349], %parallel_loop3A_347 {strides = array<i32>} : memref<80x128xf32, #tpu.memory_space<vmem>>, vector<16xf32>,
        %parallel_loop3A_351 = arith.index_cast %parallel_loop3A_307 : i32 to index
        %parallel_loop3A_352 = arith.constant 48 : index
        %parallel_loop3A_353 = tpu.vector_load %arg16[%parallel_loop3A_351, %parallel_loop3A_352] {strides = array<i32>} : memref<80x128xf32, #tpu.memory_space<vmem>>, vector<16xf32>,
        %parallel_loop3A_354 = arith.mulf %parallel_loop3A_353, %parallel_loop3A_343 : vector<16xf32>
        %parallel_loop3A_355 = arith.index_cast %parallel_loop3A_307 : i32 to index
        %parallel_loop3A_356 = arith.constant 48 : index
        %parallel_loop3A_357 = tpu.vector_load %arg16[%parallel_loop3A_355, %parallel_loop3A_356] {strides = array<i32>} : memref<80x128xf32, #tpu.memory_space<vmem>>, vector<16xf32>,
        tpu.vector_store %arg16[%parallel_loop3A_355, %parallel_loop3A_356], %parallel_loop3A_354 {strides = array<i32>} : memref<80x128xf32, #tpu.memory_space<vmem>>, vector<16xf32>,
        %parallel_loop3A_358 = arith.index_cast %parallel_loop3A_307 : i32 to index
        %parallel_loop3A_359 = arith.constant 32 : index
        %parallel_loop3A_360 = tpu.vector_load %arg18[%parallel_loop3A_358, %parallel_loop3A_359] {strides = array<i32>} : memref<80x64xi32, #tpu.memory_space<vmem>>, vector<16xi32>,
        %parallel_loop3A_361 = arith.constant 16 : i32
        %parallel_loop3A_362 = vector.broadcast %parallel_loop3A_361 : i32 to vector<16xi32>
        %parallel_loop3A_363 = arith.shli %parallel_loop3A_360, %parallel_loop3A_362 : vector<16xi32>
        %parallel_loop3A_364 = vector.bitcast %parallel_loop3A_363 : vector<16xi32> to vector<16xf32>
        %parallel_loop3A_365 = arith.constant -65536 : i32
        %parallel_loop3A_366 = vector.broadcast %parallel_loop3A_365 : i32 to vector<16xi32>
        %parallel_loop3A_367 = arith.andi %parallel_loop3A_360, %parallel_loop3A_366 : vector<16xi32>
        %parallel_loop3A_368 = vector.bitcast %parallel_loop3A_367 : vector<16xi32> to vector<16xf32>
        %parallel_loop3A_369 = arith.index_cast %parallel_loop3A_307 : i32 to index
        %parallel_loop3A_370 = arith.constant 64 : index
        %parallel_loop3A_371 = tpu.vector_load %arg16[%parallel_loop3A_369, %parallel_loop3A_370] {strides = array<i32>} : memref<80x128xf32, #tpu.memory_space<vmem>>, vector<16xf32>,
        %parallel_loop3A_372 = arith.mulf %parallel_loop3A_371, %parallel_loop3A_364 : vector<16xf32>
        %parallel_loop3A_373 = arith.index_cast %parallel_loop3A_307 : i32 to index
        %parallel_loop3A_374 = arith.constant 64 : index
        %parallel_loop3A_375 = tpu.vector_load %arg16[%parallel_loop3A_373, %parallel_loop3A_374] {strides = array<i32>} : memref<80x128xf32, #tpu.memory_space<vmem>>, vector<16xf32>,
        tpu.vector_store %arg16[%parallel_loop3A_373, %parallel_loop3A_374], %parallel_loop3A_372 {strides = array<i32>} : memref<80x128xf32, #tpu.memory_space<vmem>>, vector<16xf32>,
        %parallel_loop3A_376 = arith.index_cast %parallel_loop3A_307 : i32 to index
        %parallel_loop3A_377 = arith.constant 80 : index
        %parallel_loop3A_378 = tpu.vector_load %arg16[%parallel_loop3A_376, %parallel_loop3A_377] {strides = array<i32>} : memref<80x128xf32, #tpu.memory_space<vmem>>, vector<16xf32>,
        %parallel_loop3A_379 = arith.mulf %parallel_loop3A_378, %parallel_loop3A_368 : vector<16xf32>
        %parallel_loop3A_380 = arith.index_cast %parallel_loop3A_307 : i32 to index
        %parallel_loop3A_381 = arith.constant 80 : index
        %parallel_loop3A_382 = tpu.vector_load %arg16[%parallel_loop3A_380, %parallel_loop3A_381] {strides = array<i32>} : memref<80x128xf32, #tpu.memory_space<vmem>>, vector<16xf32>,
        tpu.vector_store %arg16[%parallel_loop3A_380, %parallel_loop3A_381], %parallel_loop3A_379 {strides = array<i32>} : memref<80x128xf32, #tpu.memory_space<vmem>>, vector<16xf32>,
        %parallel_loop3A_383 = arith.index_cast %parallel_loop3A_307 : i32 to index
        %parallel_loop3A_384 = arith.constant 48 : index
        %parallel_loop3A_385 = tpu.vector_load %arg18[%parallel_loop3A_383, %parallel_loop3A_384] {strides = array<i32>} : memref<80x64xi32, #tpu.memory_space<vmem>>, vector<16xi32>,
        %parallel_loop3A_386 = arith.constant 16 : i32
        %parallel_loop3A_387 = vector.broadcast %parallel_loop3A_386 : i32 to vector<16xi32>
        %parallel_loop3A_388 = arith.shli %parallel_loop3A_385, %parallel_loop3A_387 : vector<16xi32>
        %parallel_loop3A_389 = vector.bitcast %parallel_loop3A_388 : vector<16xi32> to vector<16xf32>
        %parallel_loop3A_390 = arith.constant -65536 : i32
        %parallel_loop3A_391 = vector.broadcast %parallel_loop3A_390 : i32 to vector<16xi32>
        %parallel_loop3A_392 = arith.andi %parallel_loop3A_385, %parallel_loop3A_391 : vector<16xi32>
        %parallel_loop3A_393 = vector.bitcast %parallel_loop3A_392 : vector<16xi32> to vector<16xf32>
        %parallel_loop3A_394 = arith.index_cast %parallel_loop3A_307 : i32 to index
        %parallel_loop3A_395 = arith.constant 96 : index
        %parallel_loop3A_396 = tpu.vector_load %arg16[%parallel_loop3A_394, %parallel_loop3A_395] {strides = array<i32>} : memref<80x128xf32, #tpu.memory_space<vmem>>, vector<16xf32>,
        %parallel_loop3A_397 = arith.mulf %parallel_loop3A_396, %parallel_loop3A_389 : vector<16xf32>
        %parallel_loop3A_398 = arith.index_cast %parallel_loop3A_307 : i32 to index
        %parallel_loop3A_399 = arith.constant 96 : index
        %parallel_loop3A_400 = tpu.vector_load %arg16[%parallel_loop3A_398, %parallel_loop3A_399] {strides = array<i32>} : memref<80x128xf32, #tpu.memory_space<vmem>>, vector<16xf32>,
        tpu.vector_store %arg16[%parallel_loop3A_398, %parallel_loop3A_399], %parallel_loop3A_397 {strides = array<i32>} : memref<80x128xf32, #tpu.memory_space<vmem>>, vector<16xf32>,
        %parallel_loop3A_401 = arith.index_cast %parallel_loop3A_307 : i32 to index
        %parallel_loop3A_402 = arith.constant 112 : index
        %parallel_loop3A_403 = tpu.vector_load %arg16[%parallel_loop3A_401, %parallel_loop3A_402] {strides = array<i32>} : memref<80x128xf32, #tpu.memory_space<vmem>>, vector<16xf32>,
        %parallel_loop3A_404 = arith.mulf %parallel_loop3A_403, %parallel_loop3A_393 : vector<16xf32>
        %parallel_loop3A_405 = arith.index_cast %parallel_loop3A_307 : i32 to index
        %parallel_loop3A_406 = arith.constant 112 : index
        %parallel_loop3A_407 = tpu.vector_load %arg16[%parallel_loop3A_405, %parallel_loop3A_406] {strides = array<i32>} : memref<80x128xf32, #tpu.memory_space<vmem>>, vector<16xf32>,
        tpu.vector_store %arg16[%parallel_loop3A_405, %parallel_loop3A_406], %parallel_loop3A_404 {strides = array<i32>} : memref<80x128xf32, #tpu.memory_space<vmem>>, vector<16xf32>,
      } {sc.loop_unroll_factor = 1 : i64, sc.parallel_access}
      %dma_start3A_209 = arith.constant 0 : i32
      %dma_start3A_210 = arith.constant 0 : i32
      %dma_start3A_211 = tpu.memref_slice %arg19[%dma_start3A_209, %dma_start3A_210] : memref<10000x128xf32, #tpu.memory_space<vmem_shared>> -> memref<10000x128xf32, #tpu.memory_space<vmem_shared>>
      tpu.enqueue_indirect_dma source(%arg16 : memref<80x128xf32, #tpu.memory_space<vmem>>) target(%dma_start3A_211 : memref<10000x128xf32, #tpu.memory_space<vmem_shared>>) offsets(%arg12 : memref<80xi32, #tpu.memory_space<vmem>>) semaphore(%arg25 : memref<!tpu.dma_semaphore, #tpu.memory_space<semaphore_mem>>) {add = true}
      %dma_wait3A_212 = arith.constant 0 : i32
      %dma_wait3A_213 = arith.constant 0 : i32
      %dma_wait3A_214 = tpu.memref_slice %arg19[%dma_wait3A_212, %dma_wait3A_213] : memref<10000x128xf32, #tpu.memory_space<vmem_shared>> -> memref<10000x128xf32, #tpu.memory_space<vmem_shared>>
      tpu.wait_indirect_dma semaphore(%arg24 : memref<!tpu.dma_semaphore, #tpu.memory_space<semaphore_mem>>) src(%arg15 : memref<80x128xf32, #tpu.memory_space<vmem>>) dst(%dma_wait3A_214 : memref<10000x128xf32, #tpu.memory_space<vmem_shared>>)
      %add3A_215 = arith.constant 2 : i32
      %add3A_216 = arith.addi %mul3A_181, %add3A_215 : i32
      %dma_wait3A_217 = arith.constant 2 : i32
      %dma_wait3A_218 = arith.constant 0 : i32
      %dma_wait3A_219 = tpu.memref_slice %arg10[%dma_wait3A_217, %dma_wait3A_218] : memref<4x80xi32, #tpu.memory_space<vmem>> -> memref<1x80xi32, #tpu.memory_space<vmem>>
      %dma_wait3A_220 = tpu.memref_squeeze %dma_wait3A_219 : memref<1x80xi32, #tpu.memory_space<vmem>> -> memref<80xi32, #tpu.memory_space<vmem>>
      %dma_wait3A_221 = arith.constant 0 : i32
      %dma_wait3A_222 = tpu.memref_slice %arg5[%dma_wait3A_221] : memref<10000xi32, #tpu.memory_space<hbm>> -> memref<10000xi32, #tpu.memory_space<hbm>>
      tpu.wait_indirect_dma semaphore(%arg28 : memref<!tpu.dma_semaphore, #tpu.memory_space<semaphore_mem>>) src(%dma_wait3A_222 : memref<10000xi32, #tpu.memory_space<hbm>>) dst(%dma_wait3A_220 : memref<80xi32, #tpu.memory_space<vmem>>)
      %scan3A_223 = arith.constant 0 : i32
      %scan3A_224 = arith.constant 5 : i32
      %scan3A_225 = arith.addi %scan3A_223, %scan3A_224 : i32
      %scan3A_226 = arith.constant 1 : i32
      scf.for %scan3A_307 = %scan3A_223 to %scan3A_225 step %scan3A_226  : i32 {
        %mul3A_308 = arith.constant 16 : i32
        %mul3A_309 = arith.muli %scan3A_307, %mul3A_308 : i32
        %add3A_310 = arith.constant 0 : i32
        %add3A_311 = arith.addi %add3A_310, %mul3A_309 : i32
        %add3A_312 = arith.constant 160 : i32
        %add3A_313 = arith.addi %add3A_312, %add3A_311 : i32
        %get3A = arith.index_cast %add3A_313 : i32 to index
        %get3A_314 = tpu.vector_load %arg8[%get3A] {strides = array<i32>} : memref<320xi32, #tpu.memory_space<vmem>>, vector<16xi32>,
        %get3A_315 = arith.constant 2 : i32
        %get3A_316 = arith.index_cast %get3A_315 : i32 to index
        %get3A_317 = arith.index_cast %add3A_311 : i32 to index
        %get3A_318 = tpu.vector_load %arg10[%get3A_316, %get3A_317] {strides = array<i32>} : memref<4x80xi32, #tpu.memory_space<vmem>>, vector<16xi32>,
        %add3A_319 = arith.constant 160 : i32
        %add3A_320 = arith.addi %add3A_319, %add3A_311 : i32
        %get3A_321 = arith.index_cast %add3A_320 : i32 to index
        %get3A_322 = tpu.vector_load %arg9[%get3A_321] {strides = array<i32>} : memref<320xi32, #tpu.memory_space<vmem>>, vector<16xi32>,
        %sub3A_323 = arith.constant 1 : i32
        %sub3A_324 = vector.broadcast %sub3A_323 : i32 to vector<16xi32>
        %sub3A_325 = arith.subi %sub3A_324, %get3A_318 : vector<16xi32>
        %mul3A_326 = arith.constant 2000 : i32
        %mul3A_327 = vector.broadcast %mul3A_326 : i32 to vector<16xi32>
        %mul3A_328 = arith.muli %sub3A_325, %mul3A_327 : vector<16xi32>
        %add3A_329 = arith.addi %get3A_322, %mul3A_328 : vector<16xi32>
        %swap3A = arith.index_cast %add3A_311 : i32 to index
        %swap3A_330 = tpu.vector_load %arg13[%swap3A] {strides = array<i32>} : memref<80xi32, #tpu.memory_space<vmem>>, vector<16xi32>,
        tpu.vector_store %arg13[%swap3A], %add3A_329 {strides = array<i32>} : memref<80xi32, #tpu.memory_space<vmem>>, vector<16xi32>,
        %swap3A_331 = arith.index_cast %add3A_311 : i32 to index
        %swap3A_332 = tpu.vector_load %arg11[%swap3A_331] {strides = array<i32>} : memref<80xi32, #tpu.memory_space<vmem>>, vector<16xi32>,
        tpu.vector_store %arg11[%swap3A_331], %get3A_314 {strides = array<i32>} : memref<80xi32, #tpu.memory_space<vmem>>, vector<16xi32>,
      }
      %scan3A_227 = arith.constant 5 : i32
      %mul3A_228 = arith.constant 125 : i32
      %mul3A_229 = arith.muli %add3A, %mul3A_228 : i32
      %add3A_230 = arith.addi %mul3A_229, %add3A_216 : i32
      %mul3A_231 = arith.constant 80 : i32
      %mul3A_232 = arith.muli %add3A_230, %mul3A_231 : i32
      %dma_start3A_233 = arith.constant 0 : i32
      %dma_start3A_234 = arith.constant 0 : i32
      %dma_start3A_235 = tpu.memref_slice %arg2[%dma_start3A_233, %dma_start3A_234] : memref<4000x128xf32, #tpu.memory_space<hbm>> -> memref<4000x128xf32, #tpu.memory_space<hbm>>
      tpu.enqueue_indirect_dma source(%dma_start3A_235 : memref<4000x128xf32, #tpu.memory_space<hbm>>) target(%arg15 : memref<80x128xf32, #tpu.memory_space<vmem>>) offsets(%arg13 : memref<80xi32, #tpu.memory_space<vmem>>) semaphore(%arg20 : memref<!tpu.dma_semaphore, #tpu.memory_space<semaphore_mem>>)
      %dma_start3A_236 = arith.constant 0 : i32
      %dma_start3A_237 = tpu.memref_slice %arg6[%mul3A_232, %dma_start3A_236] : memref<320000x64xi32, #tpu.memory_space<hbm>> -> memref<80x64xi32, #tpu.memory_space<hbm>>
      %dma_start3A_238 = arith.constant 0 : i32
      %dma_start3A_239 = tpu.memref_slice %arg6[%mul3A_232, %dma_start3A_238] : memref<320000x64xi32, #tpu.memory_space<hbm>> -> memref<80x64xi32, #tpu.memory_space<hbm>>
      tpu.enqueue_dma source(%dma_start3A_239 : memref<80x64xi32, #tpu.memory_space<hbm>>) target(%arg17 : memref<80x64xi32, #tpu.memory_space<vmem>>) target_semaphore(%arg22 : memref<!tpu.dma_semaphore, #tpu.memory_space<semaphore_mem>>)
      %dma_wait3A_240 = arith.constant 0 : i32
      %dma_wait3A_241 = arith.constant 0 : i32
      %dma_wait3A_242 = tpu.memref_slice %arg19[%dma_wait3A_240, %dma_wait3A_241] : memref<10000x128xf32, #tpu.memory_space<vmem_shared>> -> memref<10000x128xf32, #tpu.memory_space<vmem_shared>>
      tpu.wait_indirect_dma semaphore(%arg25 : memref<!tpu.dma_semaphore, #tpu.memory_space<semaphore_mem>>) src(%arg16 : memref<80x128xf32, #tpu.memory_space<vmem>>) dst(%dma_wait3A_242 : memref<10000x128xf32, #tpu.memory_space<vmem_shared>>)
      %add3A_243 = arith.constant 3 : i32
      %add3A_244 = arith.addi %mul3A_181, %add3A_243 : i32
      %dma_wait3A_245 = arith.constant 3 : i32
      %dma_wait3A_246 = arith.constant 0 : i32
      %dma_wait3A_247 = tpu.memref_slice %arg10[%dma_wait3A_245, %dma_wait3A_246] : memref<4x80xi32, #tpu.memory_space<vmem>> -> memref<1x80xi32, #tpu.memory_space<vmem>>
      %dma_wait3A_248 = tpu.memref_squeeze %dma_wait3A_247 : memref<1x80xi32, #tpu.memory_space<vmem>> -> memref<80xi32, #tpu.memory_space<vmem>>
      %dma_wait3A_249 = arith.constant 0 : i32
      %dma_wait3A_250 = tpu.memref_slice %arg5[%dma_wait3A_249] : memref<10000xi32, #tpu.memory_space<hbm>> -> memref<10000xi32, #tpu.memory_space<hbm>>
      tpu.wait_indirect_dma semaphore(%arg29 : memref<!tpu.dma_semaphore, #tpu.memory_space<semaphore_mem>>) src(%dma_wait3A_250 : memref<10000xi32, #tpu.memory_space<hbm>>) dst(%dma_wait3A_248 : memref<80xi32, #tpu.memory_space<vmem>>)
      %scan3A_251 = arith.constant 0 : i32
      %scan3A_252 = arith.constant 5 : i32
      %scan3A_253 = arith.addi %scan3A_251, %scan3A_252 : i32
      %scan3A_254 = arith.constant 1 : i32
      scf.for %scan3A_307 = %scan3A_251 to %scan3A_253 step %scan3A_254  : i32 {
        %mul3A_308 = arith.constant 16 : i32
        %mul3A_309 = arith.muli %scan3A_307, %mul3A_308 : i32
        %add3A_310 = arith.constant 0 : i32
        %add3A_311 = arith.addi %add3A_310, %mul3A_309 : i32
        %add3A_312 = arith.constant 240 : i32
        %add3A_313 = arith.addi %add3A_312, %add3A_311 : i32
        %get3A = arith.index_cast %add3A_313 : i32 to index
        %get3A_314 = tpu.vector_load %arg8[%get3A] {strides = array<i32>} : memref<320xi32, #tpu.memory_space<vmem>>, vector<16xi32>,
        %get3A_315 = arith.constant 3 : i32
        %get3A_316 = arith.index_cast %get3A_315 : i32 to index
        %get3A_317 = arith.index_cast %add3A_311 : i32 to index
        %get3A_318 = tpu.vector_load %arg10[%get3A_316, %get3A_317] {strides = array<i32>} : memref<4x80xi32, #tpu.memory_space<vmem>>, vector<16xi32>,
        %add3A_319 = arith.constant 240 : i32
        %add3A_320 = arith.addi %add3A_319, %add3A_311 : i32
        %get3A_321 = arith.index_cast %add3A_320 : i32 to index
        %get3A_322 = tpu.vector_load %arg9[%get3A_321] {strides = array<i32>} : memref<320xi32, #tpu.memory_space<vmem>>, vector<16xi32>,
        %sub3A_323 = arith.constant 1 : i32
        %sub3A_324 = vector.broadcast %sub3A_323 : i32 to vector<16xi32>
        %sub3A_325 = arith.subi %sub3A_324, %get3A_318 : vector<16xi32>
        %mul3A_326 = arith.constant 2000 : i32
        %mul3A_327 = vector.broadcast %mul3A_326 : i32 to vector<16xi32>
        %mul3A_328 = arith.muli %sub3A_325, %mul3A_327 : vector<16xi32>
        %add3A_329 = arith.addi %get3A_322, %mul3A_328 : vector<16xi32>
        %swap3A = arith.index_cast %add3A_311 : i32 to index
        %swap3A_330 = tpu.vector_load %arg14[%swap3A] {strides = array<i32>} : memref<80xi32, #tpu.memory_space<vmem>>, vector<16xi32>,
        tpu.vector_store %arg14[%swap3A], %add3A_329 {strides = array<i32>} : memref<80xi32, #tpu.memory_space<vmem>>, vector<16xi32>,
        %swap3A_331 = arith.index_cast %add3A_311 : i32 to index
        %swap3A_332 = tpu.vector_load %arg12[%swap3A_331] {strides = array<i32>} : memref<80xi32, #tpu.memory_space<vmem>>, vector<16xi32>,
        tpu.vector_store %arg12[%swap3A_331], %get3A_314 {strides = array<i32>} : memref<80xi32, #tpu.memory_space<vmem>>, vector<16xi32>,
      }
      %scan3A_255 = arith.constant 5 : i32
      %mul3A_256 = arith.constant 125 : i32
      %mul3A_257 = arith.muli %add3A, %mul3A_256 : i32
      %add3A_258 = arith.addi %mul3A_257, %add3A_244 : i32
      %mul3A_259 = arith.constant 80 : i32
      %mul3A_260 = arith.muli %add3A_258, %mul3A_259 : i32
      %dma_start3A_261 = arith.constant 0 : i32
      %dma_start3A_262 = arith.constant 0 : i32
      %dma_start3A_263 = tpu.memref_slice %arg2[%dma_start3A_261, %dma_start3A_262] : memref<4000x128xf32, #tpu.memory_space<hbm>> -> memref<4000x128xf32, #tpu.memory_space<hbm>>
      tpu.enqueue_indirect_dma source(%dma_start3A_263 : memref<4000x128xf32, #tpu.memory_space<hbm>>) target(%arg16 : memref<80x128xf32, #tpu.memory_space<vmem>>) offsets(%arg14 : memref<80xi32, #tpu.memory_space<vmem>>) semaphore(%arg21 : memref<!tpu.dma_semaphore, #tpu.memory_space<semaphore_mem>>)
      %dma_start3A_264 = arith.constant 0 : i32
      %dma_start3A_265 = tpu.memref_slice %arg6[%mul3A_260, %dma_start3A_264] : memref<320000x64xi32, #tpu.memory_space<hbm>> -> memref<80x64xi32, #tpu.memory_space<hbm>>
      %dma_start3A_266 = arith.constant 0 : i32
      %dma_start3A_267 = tpu.memref_slice %arg6[%mul3A_260, %dma_start3A_266] : memref<320000x64xi32, #tpu.memory_space<hbm>> -> memref<80x64xi32, #tpu.memory_space<hbm>>
      tpu.enqueue_dma source(%dma_start3A_267 : memref<80x64xi32, #tpu.memory_space<hbm>>) target(%arg18 : memref<80x64xi32, #tpu.memory_space<vmem>>) target_semaphore(%arg23 : memref<!tpu.dma_semaphore, #tpu.memory_space<semaphore_mem>>)
      %lt3A = arith.constant 30 : i32
      %lt3A_268 = arith.cmpi slt, %add3A_179, %lt3A : i32
      %convert_element_type3A_269 = arith.extui %lt3A_268 : i1 to i32
      %cond3A_270 = arith.constant 0 : i32
      %cond3A_271 = arith.cmpi ne, %convert_element_type3A_269, %cond3A_270 : i32
      scf.if %cond3A_271 {
        %add3A_307 = arith.constant 1 : i32
        %add3A_308 = arith.addi %add3A_179, %add3A_307 : i32
        %mul3A_309 = arith.constant 125 : i32
        %mul3A_310 = arith.muli %add3A, %mul3A_309 : i32
        %mul3A_311 = arith.constant 4 : i32
        %mul3A_312 = arith.muli %mul3A_311, %add3A_308 : i32
        %add3A_313 = arith.addi %mul3A_310, %mul3A_312 : i32
        %mul3A_314 = arith.constant 80 : i32
        %mul3A_315 = arith.muli %add3A_313, %mul3A_314 : i32
        "tpu.region"() ({
          %run_scoped3A = tpu.sem_alloc : memref<!tpu.dma_semaphore, #tpu.memory_space<semaphore_mem>>
          %dma_start3A_348 = tpu.memref_slice %arg3[%mul3A_315] : memref<320000xi32, #tpu.memory_space<hbm>> -> memref<320xi32, #tpu.memory_space<hbm>>
          %dma_start3A_349 = tpu.memref_slice %arg3[%mul3A_315] : memref<320000xi32, #tpu.memory_space<hbm>> -> memref<320xi32, #tpu.memory_space<hbm>>
          tpu.enqueue_dma source(%dma_start3A_349 : memref<320xi32, #tpu.memory_space<hbm>>) target(%arg8 : memref<320xi32, #tpu.memory_space<vmem>>) target_semaphore(%run_scoped3A : memref<!tpu.dma_semaphore, #tpu.memory_space<semaphore_mem>>)
          %dma_wait3A_350 = tpu.memref_slice %arg3[%mul3A_315] : memref<320000xi32, #tpu.memory_space<hbm>> -> memref<320xi32, #tpu.memory_space<hbm>>
          %dma_wait3A_351 = tpu.memref_slice %arg3[%mul3A_315] : memref<320000xi32, #tpu.memory_space<hbm>> -> memref<320xi32, #tpu.memory_space<hbm>>
          tpu.wait_dma2 semaphore(%run_scoped3A : memref<!tpu.dma_semaphore, #tpu.memory_space<semaphore_mem>>) src(%dma_wait3A_351 : memref<320xi32, #tpu.memory_space<hbm>>) dst(%arg8 : memref<320xi32, #tpu.memory_space<vmem>>)
          tpu.yield
        }) : () -> ()
        "tpu.region"() ({
          %run_scoped3A = tpu.sem_alloc : memref<!tpu.dma_semaphore, #tpu.memory_space<semaphore_mem>>
          %dma_start3A_348 = tpu.memref_slice %arg4[%mul3A_315] : memref<320000xi32, #tpu.memory_space<hbm>> -> memref<320xi32, #tpu.memory_space<hbm>>
          %dma_start3A_349 = tpu.memref_slice %arg4[%mul3A_315] : memref<320000xi32, #tpu.memory_space<hbm>> -> memref<320xi32, #tpu.memory_space<hbm>>
          tpu.enqueue_dma source(%dma_start3A_349 : memref<320xi32, #tpu.memory_space<hbm>>) target(%arg9 : memref<320xi32, #tpu.memory_space<vmem>>) target_semaphore(%run_scoped3A : memref<!tpu.dma_semaphore, #tpu.memory_space<semaphore_mem>>)
          %dma_wait3A_350 = tpu.memref_slice %arg4[%mul3A_315] : memref<320000xi32, #tpu.memory_space<hbm>> -> memref<320xi32, #tpu.memory_space<hbm>>
          %dma_wait3A_351 = tpu.memref_slice %arg4[%mul3A_315] : memref<320000xi32, #tpu.memory_space<hbm>> -> memref<320xi32, #tpu.memory_space<hbm>>
          tpu.wait_dma2 semaphore(%run_scoped3A : memref<!tpu.dma_semaphore, #tpu.memory_space<semaphore_mem>>) src(%dma_wait3A_351 : memref<320xi32, #tpu.memory_space<hbm>>) dst(%arg9 : memref<320xi32, #tpu.memory_space<vmem>>)
          tpu.yield
        }) : () -> ()
        %dma_start3A_316 = arith.constant 0 : i32
        %dma_start3A_317 = arith.constant 0 : i32
        %dma_start3A_318 = tpu.memref_slice %arg10[%dma_start3A_316, %dma_start3A_317] : memref<4x80xi32, #tpu.memory_space<vmem>> -> memref<1x80xi32, #tpu.memory_space<vmem>>
        %dma_start3A_319 = tpu.memref_squeeze %dma_start3A_318 : memref<1x80xi32, #tpu.memory_space<vmem>> -> memref<80xi32, #tpu.memory_space<vmem>>
        %dma_start3A_320 = arith.constant 0 : i32
        %dma_start3A_321 = tpu.memref_slice %arg8[%dma_start3A_320] : memref<320xi32, #tpu.memory_space<vmem>> -> memref<80xi32, #tpu.memory_space<vmem>>
        %dma_start3A_322 = arith.constant 0 : i32
        %dma_start3A_323 = tpu.memref_slice %arg5[%dma_start3A_322] : memref<10000xi32, #tpu.memory_space<hbm>> -> memref<10000xi32, #tpu.memory_space<hbm>>
        tpu.enqueue_indirect_dma source(%dma_start3A_323 : memref<10000xi32, #tpu.memory_space<hbm>>) target(%dma_start3A_319 : memref<80xi32, #tpu.memory_space<vmem>>) offsets(%dma_start3A_321 : memref<80xi32, #tpu.memory_space<vmem>>) semaphore(%arg26 : memref<!tpu.dma_semaphore, #tpu.memory_space<semaphore_mem>>)
        %dma_start3A_324 = arith.constant 1 : i32
        %dma_start3A_325 = arith.constant 0 : i32
        %dma_start3A_326 = tpu.memref_slice %arg10[%dma_start3A_324, %dma_start3A_325] : memref<4x80xi32, #tpu.memory_space<vmem>> -> memref<1x80xi32, #tpu.memory_space<vmem>>
        %dma_start3A_327 = tpu.memref_squeeze %dma_start3A_326 : memref<1x80xi32, #tpu.memory_space<vmem>> -> memref<80xi32, #tpu.memory_space<vmem>>
        %dma_start3A_328 = arith.constant 80 : i32
        %dma_start3A_329 = tpu.memref_slice %arg8[%dma_start3A_328] : memref<320xi32, #tpu.memory_space<vmem>> -> memref<80xi32, #tpu.memory_space<vmem>>
        %dma_start3A_330 = arith.constant 0 : i32
        %dma_start3A_331 = tpu.memref_slice %arg5[%dma_start3A_330] : memref<10000xi32, #tpu.memory_space<hbm>> -> memref<10000xi32, #tpu.memory_space<hbm>>
        tpu.enqueue_indirect_dma source(%dma_start3A_331 : memref<10000xi32, #tpu.memory_space<hbm>>) target(%dma_start3A_327 : memref<80xi32, #tpu.memory_space<vmem>>) offsets(%dma_start3A_329 : memref<80xi32, #tpu.memory_space<vmem>>) semaphore(%arg27 : memref<!tpu.dma_semaphore, #tpu.memory_space<semaphore_mem>>)
        %dma_start3A_332 = arith.constant 2 : i32
        %dma_start3A_333 = arith.constant 0 : i32
        %dma_start3A_334 = tpu.memref_slice %arg10[%dma_start3A_332, %dma_start3A_333] : memref<4x80xi32, #tpu.memory_space<vmem>> -> memref<1x80xi32, #tpu.memory_space<vmem>>
        %dma_start3A_335 = tpu.memref_squeeze %dma_start3A_334 : memref<1x80xi32, #tpu.memory_space<vmem>> -> memref<80xi32, #tpu.memory_space<vmem>>
        %dma_start3A_336 = arith.constant 160 : i32
        %dma_start3A_337 = tpu.memref_slice %arg8[%dma_start3A_336] : memref<320xi32, #tpu.memory_space<vmem>> -> memref<80xi32, #tpu.memory_space<vmem>>
        %dma_start3A_338 = arith.constant 0 : i32
        %dma_start3A_339 = tpu.memref_slice %arg5[%dma_start3A_338] : memref<10000xi32, #tpu.memory_space<hbm>> -> memref<10000xi32, #tpu.memory_space<hbm>>
        tpu.enqueue_indirect_dma source(%dma_start3A_339 : memref<10000xi32, #tpu.memory_space<hbm>>) target(%dma_start3A_335 : memref<80xi32, #tpu.memory_space<vmem>>) offsets(%dma_start3A_337 : memref<80xi32, #tpu.memory_space<vmem>>) semaphore(%arg28 : memref<!tpu.dma_semaphore, #tpu.memory_space<semaphore_mem>>)
        %dma_start3A_340 = arith.constant 3 : i32
        %dma_start3A_341 = arith.constant 0 : i32
        %dma_start3A_342 = tpu.memref_slice %arg10[%dma_start3A_340, %dma_start3A_341] : memref<4x80xi32, #tpu.memory_space<vmem>> -> memref<1x80xi32, #tpu.memory_space<vmem>>
        %dma_start3A_343 = tpu.memref_squeeze %dma_start3A_342 : memref<1x80xi32, #tpu.memory_space<vmem>> -> memref<80xi32, #tpu.memory_space<vmem>>
        %dma_start3A_344 = arith.constant 240 : i32
        %dma_start3A_345 = tpu.memref_slice %arg8[%dma_start3A_344] : memref<320xi32, #tpu.memory_space<vmem>> -> memref<80xi32, #tpu.memory_space<vmem>>
        %dma_start3A_346 = arith.constant 0 : i32
        %dma_start3A_347 = tpu.memref_slice %arg5[%dma_start3A_346] : memref<10000xi32, #tpu.memory_space<hbm>> -> memref<10000xi32, #tpu.memory_space<hbm>>
        tpu.enqueue_indirect_dma source(%dma_start3A_347 : memref<10000xi32, #tpu.memory_space<hbm>>) target(%dma_start3A_343 : memref<80xi32, #tpu.memory_space<vmem>>) offsets(%dma_start3A_345 : memref<80xi32, #tpu.memory_space<vmem>>) semaphore(%arg29 : memref<!tpu.dma_semaphore, #tpu.memory_space<semaphore_mem>>)
      } else {
      }
      %dma_wait3A_272 = arith.constant 0 : i32
      %dma_wait3A_273 = arith.constant 0 : i32
      %dma_wait3A_274 = tpu.memref_slice %arg2[%dma_wait3A_272, %dma_wait3A_273] : memref<4000x128xf32, #tpu.memory_space<hbm>> -> memref<4000x128xf32, #tpu.memory_space<hbm>>
      tpu.wait_indirect_dma semaphore(%arg20 : memref<!tpu.dma_semaphore, #tpu.memory_space<semaphore_mem>>) src(%dma_wait3A_274 : memref<4000x128xf32, #tpu.memory_space<hbm>>) dst(%arg15 : memref<80x128xf32, #tpu.memory_space<vmem>>)
      %dma_wait3A_275 = arith.constant 0 : i32
      %dma_wait3A_276 = arith.constant 0 : i32
      %dma_wait3A_277 = tpu.memref_slice %arg6[%dma_wait3A_275, %dma_wait3A_276] : memref<320000x64xi32, #tpu.memory_space<hbm>> -> memref<80x64xi32, #tpu.memory_space<hbm>>
      %dma_wait3A_278 = arith.constant 0 : i32
      %dma_wait3A_279 = arith.constant 0 : i32
      %dma_wait3A_280 = tpu.memref_slice %arg6[%dma_wait3A_278, %dma_wait3A_279] : memref<320000x64xi32, #tpu.memory_space<hbm>> -> memref<80x64xi32, #tpu.memory_space<hbm>>
      tpu.wait_dma2 semaphore(%arg22 : memref<!tpu.dma_semaphore, #tpu.memory_space<semaphore_mem>>) src(%dma_wait3A_280 : memref<80x64xi32, #tpu.memory_space<hbm>>) dst(%arg17 : memref<80x64xi32, #tpu.memory_space<vmem>>)
      %parallel_loop3A_281 = arith.constant 0 : i32
      %parallel_loop3A_282 = arith.constant 80 : i32
      %parallel_loop3A_283 = arith.constant 1 : i32
      scf.for %parallel_loop3A_307 = %parallel_loop3A_281 to %parallel_loop3A_282 step %parallel_loop3A_283  : i32 {
        %parallel_loop3A_308 = arith.index_cast %parallel_loop3A_307 : i32 to index
        %parallel_loop3A_309 = arith.constant 0 : index
        %parallel_loop3A_310 = tpu.vector_load %arg17[%parallel_loop3A_308, %parallel_loop3A_309] {strides = array<i32>} : memref<80x64xi32, #tpu.memory_space<vmem>>, vector<16xi32>,
        %parallel_loop3A_311 = arith.constant 16 : i32
        %parallel_loop3A_312 = vector.broadcast %parallel_loop3A_311 : i32 to vector<16xi32>
        %parallel_loop3A_313 = arith.shli %parallel_loop3A_310, %parallel_loop3A_312 : vector<16xi32>
        %parallel_loop3A_314 = vector.bitcast %parallel_loop3A_313 : vector<16xi32> to vector<16xf32>
        %parallel_loop3A_315 = arith.constant -65536 : i32
        %parallel_loop3A_316 = vector.broadcast %parallel_loop3A_315 : i32 to vector<16xi32>
        %parallel_loop3A_317 = arith.andi %parallel_loop3A_310, %parallel_loop3A_316 : vector<16xi32>
        %parallel_loop3A_318 = vector.bitcast %parallel_loop3A_317 : vector<16xi32> to vector<16xf32>
        %parallel_loop3A_319 = arith.index_cast %parallel_loop3A_307 : i32 to index
        %parallel_loop3A_320 = arith.constant 0 : index
        %parallel_loop3A_321 = tpu.vector_load %arg15[%parallel_loop3A_319, %parallel_loop3A_320] {strides = array<i32>} : memref<80x128xf32, #tpu.memory_space<vmem>>, vector<16xf32>,
        %parallel_loop3A_322 = arith.mulf %parallel_loop3A_321, %parallel_loop3A_314 : vector<16xf32>
        %parallel_loop3A_323 = arith.index_cast %parallel_loop3A_307 : i32 to index
        %parallel_loop3A_324 = arith.constant 0 : index
        %parallel_loop3A_325 = tpu.vector_load %arg15[%parallel_loop3A_323, %parallel_loop3A_324] {strides = array<i32>} : memref<80x128xf32, #tpu.memory_space<vmem>>, vector<16xf32>,
        tpu.vector_store %arg15[%parallel_loop3A_323, %parallel_loop3A_324], %parallel_loop3A_322 {strides = array<i32>} : memref<80x128xf32, #tpu.memory_space<vmem>>, vector<16xf32>,
        %parallel_loop3A_326 = arith.index_cast %parallel_loop3A_307 : i32 to index
        %parallel_loop3A_327 = arith.constant 16 : index
        %parallel_loop3A_328 = tpu.vector_load %arg15[%parallel_loop3A_326, %parallel_loop3A_327] {strides = array<i32>} : memref<80x128xf32, #tpu.memory_space<vmem>>, vector<16xf32>,
        %parallel_loop3A_329 = arith.mulf %parallel_loop3A_328, %parallel_loop3A_318 : vector<16xf32>
        %parallel_loop3A_330 = arith.index_cast %parallel_loop3A_307 : i32 to index
        %parallel_loop3A_331 = arith.constant 16 : index
        %parallel_loop3A_332 = tpu.vector_load %arg15[%parallel_loop3A_330, %parallel_loop3A_331] {strides = array<i32>} : memref<80x128xf32, #tpu.memory_space<vmem>>, vector<16xf32>,
        tpu.vector_store %arg15[%parallel_loop3A_330, %parallel_loop3A_331], %parallel_loop3A_329 {strides = array<i32>} : memref<80x128xf32, #tpu.memory_space<vmem>>, vector<16xf32>,
        %parallel_loop3A_333 = arith.index_cast %parallel_loop3A_307 : i32 to index
        %parallel_loop3A_334 = arith.constant 16 : index
        %parallel_loop3A_335 = tpu.vector_load %arg17[%parallel_loop3A_333, %parallel_loop3A_334] {strides = array<i32>} : memref<80x64xi32, #tpu.memory_space<vmem>>, vector<16xi32>,
        %parallel_loop3A_336 = arith.constant 16 : i32
        %parallel_loop3A_337 = vector.broadcast %parallel_loop3A_336 : i32 to vector<16xi32>
        %parallel_loop3A_338 = arith.shli %parallel_loop3A_335, %parallel_loop3A_337 : vector<16xi32>
        %parallel_loop3A_339 = vector.bitcast %parallel_loop3A_338 : vector<16xi32> to vector<16xf32>
        %parallel_loop3A_340 = arith.constant -65536 : i32
        %parallel_loop3A_341 = vector.broadcast %parallel_loop3A_340 : i32 to vector<16xi32>
        %parallel_loop3A_342 = arith.andi %parallel_loop3A_335, %parallel_loop3A_341 : vector<16xi32>
        %parallel_loop3A_343 = vector.bitcast %parallel_loop3A_342 : vector<16xi32> to vector<16xf32>
        %parallel_loop3A_344 = arith.index_cast %parallel_loop3A_307 : i32 to index
        %parallel_loop3A_345 = arith.constant 32 : index
        %parallel_loop3A_346 = tpu.vector_load %arg15[%parallel_loop3A_344, %parallel_loop3A_345] {strides = array<i32>} : memref<80x128xf32, #tpu.memory_space<vmem>>, vector<16xf32>,
        %parallel_loop3A_347 = arith.mulf %parallel_loop3A_346, %parallel_loop3A_339 : vector<16xf32>
        %parallel_loop3A_348 = arith.index_cast %parallel_loop3A_307 : i32 to index
        %parallel_loop3A_349 = arith.constant 32 : index
        %parallel_loop3A_350 = tpu.vector_load %arg15[%parallel_loop3A_348, %parallel_loop3A_349] {strides = array<i32>} : memref<80x128xf32, #tpu.memory_space<vmem>>, vector<16xf32>,
        tpu.vector_store %arg15[%parallel_loop3A_348, %parallel_loop3A_349], %parallel_loop3A_347 {strides = array<i32>} : memref<80x128xf32, #tpu.memory_space<vmem>>, vector<16xf32>,
        %parallel_loop3A_351 = arith.index_cast %parallel_loop3A_307 : i32 to index
        %parallel_loop3A_352 = arith.constant 48 : index
        %parallel_loop3A_353 = tpu.vector_load %arg15[%parallel_loop3A_351, %parallel_loop3A_352] {strides = array<i32>} : memref<80x128xf32, #tpu.memory_space<vmem>>, vector<16xf32>,
        %parallel_loop3A_354 = arith.mulf %parallel_loop3A_353, %parallel_loop3A_343 : vector<16xf32>
        %parallel_loop3A_355 = arith.index_cast %parallel_loop3A_307 : i32 to index
        %parallel_loop3A_356 = arith.constant 48 : index
        %parallel_loop3A_357 = tpu.vector_load %arg15[%parallel_loop3A_355, %parallel_loop3A_356] {strides = array<i32>} : memref<80x128xf32, #tpu.memory_space<vmem>>, vector<16xf32>,
        tpu.vector_store %arg15[%parallel_loop3A_355, %parallel_loop3A_356], %parallel_loop3A_354 {strides = array<i32>} : memref<80x128xf32, #tpu.memory_space<vmem>>, vector<16xf32>,
        %parallel_loop3A_358 = arith.index_cast %parallel_loop3A_307 : i32 to index
        %parallel_loop3A_359 = arith.constant 32 : index
        %parallel_loop3A_360 = tpu.vector_load %arg17[%parallel_loop3A_358, %parallel_loop3A_359] {strides = array<i32>} : memref<80x64xi32, #tpu.memory_space<vmem>>, vector<16xi32>,
        %parallel_loop3A_361 = arith.constant 16 : i32
        %parallel_loop3A_362 = vector.broadcast %parallel_loop3A_361 : i32 to vector<16xi32>
        %parallel_loop3A_363 = arith.shli %parallel_loop3A_360, %parallel_loop3A_362 : vector<16xi32>
        %parallel_loop3A_364 = vector.bitcast %parallel_loop3A_363 : vector<16xi32> to vector<16xf32>
        %parallel_loop3A_365 = arith.constant -65536 : i32
        %parallel_loop3A_366 = vector.broadcast %parallel_loop3A_365 : i32 to vector<16xi32>
        %parallel_loop3A_367 = arith.andi %parallel_loop3A_360, %parallel_loop3A_366 : vector<16xi32>
        %parallel_loop3A_368 = vector.bitcast %parallel_loop3A_367 : vector<16xi32> to vector<16xf32>
        %parallel_loop3A_369 = arith.index_cast %parallel_loop3A_307 : i32 to index
        %parallel_loop3A_370 = arith.constant 64 : index
        %parallel_loop3A_371 = tpu.vector_load %arg15[%parallel_loop3A_369, %parallel_loop3A_370] {strides = array<i32>} : memref<80x128xf32, #tpu.memory_space<vmem>>, vector<16xf32>,
        %parallel_loop3A_372 = arith.mulf %parallel_loop3A_371, %parallel_loop3A_364 : vector<16xf32>
        %parallel_loop3A_373 = arith.index_cast %parallel_loop3A_307 : i32 to index
        %parallel_loop3A_374 = arith.constant 64 : index
        %parallel_loop3A_375 = tpu.vector_load %arg15[%parallel_loop3A_373, %parallel_loop3A_374] {strides = array<i32>} : memref<80x128xf32, #tpu.memory_space<vmem>>, vector<16xf32>,
        tpu.vector_store %arg15[%parallel_loop3A_373, %parallel_loop3A_374], %parallel_loop3A_372 {strides = array<i32>} : memref<80x128xf32, #tpu.memory_space<vmem>>, vector<16xf32>,
        %parallel_loop3A_376 = arith.index_cast %parallel_loop3A_307 : i32 to index
        %parallel_loop3A_377 = arith.constant 80 : index
        %parallel_loop3A_378 = tpu.vector_load %arg15[%parallel_loop3A_376, %parallel_loop3A_377] {strides = array<i32>} : memref<80x128xf32, #tpu.memory_space<vmem>>, vector<16xf32>,
        %parallel_loop3A_379 = arith.mulf %parallel_loop3A_378, %parallel_loop3A_368 : vector<16xf32>
        %parallel_loop3A_380 = arith.index_cast %parallel_loop3A_307 : i32 to index
        %parallel_loop3A_381 = arith.constant 80 : index
        %parallel_loop3A_382 = tpu.vector_load %arg15[%parallel_loop3A_380, %parallel_loop3A_381] {strides = array<i32>} : memref<80x128xf32, #tpu.memory_space<vmem>>, vector<16xf32>,
        tpu.vector_store %arg15[%parallel_loop3A_380, %parallel_loop3A_381], %parallel_loop3A_379 {strides = array<i32>} : memref<80x128xf32, #tpu.memory_space<vmem>>, vector<16xf32>,
        %parallel_loop3A_383 = arith.index_cast %parallel_loop3A_307 : i32 to index
        %parallel_loop3A_384 = arith.constant 48 : index
        %parallel_loop3A_385 = tpu.vector_load %arg17[%parallel_loop3A_383, %parallel_loop3A_384] {strides = array<i32>} : memref<80x64xi32, #tpu.memory_space<vmem>>, vector<16xi32>,
        %parallel_loop3A_386 = arith.constant 16 : i32
        %parallel_loop3A_387 = vector.broadcast %parallel_loop3A_386 : i32 to vector<16xi32>
        %parallel_loop3A_388 = arith.shli %parallel_loop3A_385, %parallel_loop3A_387 : vector<16xi32>
        %parallel_loop3A_389 = vector.bitcast %parallel_loop3A_388 : vector<16xi32> to vector<16xf32>
        %parallel_loop3A_390 = arith.constant -65536 : i32
        %parallel_loop3A_391 = vector.broadcast %parallel_loop3A_390 : i32 to vector<16xi32>
        %parallel_loop3A_392 = arith.andi %parallel_loop3A_385, %parallel_loop3A_391 : vector<16xi32>
        %parallel_loop3A_393 = vector.bitcast %parallel_loop3A_392 : vector<16xi32> to vector<16xf32>
        %parallel_loop3A_394 = arith.index_cast %parallel_loop3A_307 : i32 to index
        %parallel_loop3A_395 = arith.constant 96 : index
        %parallel_loop3A_396 = tpu.vector_load %arg15[%parallel_loop3A_394, %parallel_loop3A_395] {strides = array<i32>} : memref<80x128xf32, #tpu.memory_space<vmem>>, vector<16xf32>,
        %parallel_loop3A_397 = arith.mulf %parallel_loop3A_396, %parallel_loop3A_389 : vector<16xf32>
        %parallel_loop3A_398 = arith.index_cast %parallel_loop3A_307 : i32 to index
        %parallel_loop3A_399 = arith.constant 96 : index
        %parallel_loop3A_400 = tpu.vector_load %arg15[%parallel_loop3A_398, %parallel_loop3A_399] {strides = array<i32>} : memref<80x128xf32, #tpu.memory_space<vmem>>, vector<16xf32>,
        tpu.vector_store %arg15[%parallel_loop3A_398, %parallel_loop3A_399], %parallel_loop3A_397 {strides = array<i32>} : memref<80x128xf32, #tpu.memory_space<vmem>>, vector<16xf32>,
        %parallel_loop3A_401 = arith.index_cast %parallel_loop3A_307 : i32 to index
        %parallel_loop3A_402 = arith.constant 112 : index
        %parallel_loop3A_403 = tpu.vector_load %arg15[%parallel_loop3A_401, %parallel_loop3A_402] {strides = array<i32>} : memref<80x128xf32, #tpu.memory_space<vmem>>, vector<16xf32>,
        %parallel_loop3A_404 = arith.mulf %parallel_loop3A_403, %parallel_loop3A_393 : vector<16xf32>
        %parallel_loop3A_405 = arith.index_cast %parallel_loop3A_307 : i32 to index
        %parallel_loop3A_406 = arith.constant 112 : index
        %parallel_loop3A_407 = tpu.vector_load %arg15[%parallel_loop3A_405, %parallel_loop3A_406] {strides = array<i32>} : memref<80x128xf32, #tpu.memory_space<vmem>>, vector<16xf32>,
        tpu.vector_store %arg15[%parallel_loop3A_405, %parallel_loop3A_406], %parallel_loop3A_404 {strides = array<i32>} : memref<80x128xf32, #tpu.memory_space<vmem>>, vector<16xf32>,
      } {sc.loop_unroll_factor = 1 : i64, sc.parallel_access}
      %dma_start3A_284 = arith.constant 0 : i32
      %dma_start3A_285 = arith.constant 0 : i32
      %dma_start3A_286 = tpu.memref_slice %arg19[%dma_start3A_284, %dma_start3A_285] : memref<10000x128xf32, #tpu.memory_space<vmem_shared>> -> memref<10000x128xf32, #tpu.memory_space<vmem_shared>>
      tpu.enqueue_indirect_dma source(%arg15 : memref<80x128xf32, #tpu.memory_space<vmem>>) target(%dma_start3A_286 : memref<10000x128xf32, #tpu.memory_space<vmem_shared>>) offsets(%arg11 : memref<80xi32, #tpu.memory_space<vmem>>) semaphore(%arg24 : memref<!tpu.dma_semaphore, #tpu.memory_space<semaphore_mem>>) {add = true}
      %dma_wait3A_287 = arith.constant 0 : i32
      %dma_wait3A_288 = arith.constant 0 : i32
      %dma_wait3A_289 = tpu.memref_slice %arg2[%dma_wait3A_287, %dma_wait3A_288] : memref<4000x128xf32, #tpu.memory_space<hbm>> -> memref<4000x128xf32, #tpu.memory_space<hbm>>
      tpu.wait_indirect_dma semaphore(%arg21 : memref<!tpu.dma_semaphore, #tpu.memory_space<semaphore_mem>>) src(%dma_wait3A_289 : memref<4000x128xf32, #tpu.memory_space<hbm>>) dst(%arg16 : memref<80x128xf32, #tpu.memory_space<vmem>>)
      %dma_wait3A_290 = arith.constant 0 : i32
      %dma_wait3A_291 = arith.constant 0 : i32
      %dma_wait3A_292 = tpu.memref_slice %arg6[%dma_wait3A_290, %dma_wait3A_291] : memref<320000x64xi32, #tpu.memory_space<hbm>> -> memref<80x64xi32, #tpu.memory_space<hbm>>
      %dma_wait3A_293 = arith.constant 0 : i32
      %dma_wait3A_294 = arith.constant 0 : i32
      %dma_wait3A_295 = tpu.memref_slice %arg6[%dma_wait3A_293, %dma_wait3A_294] : memref<320000x64xi32, #tpu.memory_space<hbm>> -> memref<80x64xi32, #tpu.memory_space<hbm>>
      tpu.wait_dma2 semaphore(%arg23 : memref<!tpu.dma_semaphore, #tpu.memory_space<semaphore_mem>>) src(%dma_wait3A_295 : memref<80x64xi32, #tpu.memory_space<hbm>>) dst(%arg18 : memref<80x64xi32, #tpu.memory_space<vmem>>)
      %parallel_loop3A_296 = arith.constant 0 : i32
      %parallel_loop3A_297 = arith.constant 80 : i32
      %parallel_loop3A_298 = arith.constant 1 : i32
      scf.for %parallel_loop3A_307 = %parallel_loop3A_296 to %parallel_loop3A_297 step %parallel_loop3A_298  : i32 {
        %parallel_loop3A_308 = arith.index_cast %parallel_loop3A_307 : i32 to index
        %parallel_loop3A_309 = arith.constant 0 : index
        %parallel_loop3A_310 = tpu.vector_load %arg18[%parallel_loop3A_308, %parallel_loop3A_309] {strides = array<i32>} : memref<80x64xi32, #tpu.memory_space<vmem>>, vector<16xi32>,
        %parallel_loop3A_311 = arith.constant 16 : i32
        %parallel_loop3A_312 = vector.broadcast %parallel_loop3A_311 : i32 to vector<16xi32>
        %parallel_loop3A_313 = arith.shli %parallel_loop3A_310, %parallel_loop3A_312 : vector<16xi32>
        %parallel_loop3A_314 = vector.bitcast %parallel_loop3A_313 : vector<16xi32> to vector<16xf32>
        %parallel_loop3A_315 = arith.constant -65536 : i32
        %parallel_loop3A_316 = vector.broadcast %parallel_loop3A_315 : i32 to vector<16xi32>
        %parallel_loop3A_317 = arith.andi %parallel_loop3A_310, %parallel_loop3A_316 : vector<16xi32>
        %parallel_loop3A_318 = vector.bitcast %parallel_loop3A_317 : vector<16xi32> to vector<16xf32>
        %parallel_loop3A_319 = arith.index_cast %parallel_loop3A_307 : i32 to index
        %parallel_loop3A_320 = arith.constant 0 : index
        %parallel_loop3A_321 = tpu.vector_load %arg16[%parallel_loop3A_319, %parallel_loop3A_320] {strides = array<i32>} : memref<80x128xf32, #tpu.memory_space<vmem>>, vector<16xf32>,
        %parallel_loop3A_322 = arith.mulf %parallel_loop3A_321, %parallel_loop3A_314 : vector<16xf32>
        %parallel_loop3A_323 = arith.index_cast %parallel_loop3A_307 : i32 to index
        %parallel_loop3A_324 = arith.constant 0 : index
        %parallel_loop3A_325 = tpu.vector_load %arg16[%parallel_loop3A_323, %parallel_loop3A_324] {strides = array<i32>} : memref<80x128xf32, #tpu.memory_space<vmem>>, vector<16xf32>,
        tpu.vector_store %arg16[%parallel_loop3A_323, %parallel_loop3A_324], %parallel_loop3A_322 {strides = array<i32>} : memref<80x128xf32, #tpu.memory_space<vmem>>, vector<16xf32>,
        %parallel_loop3A_326 = arith.index_cast %parallel_loop3A_307 : i32 to index
        %parallel_loop3A_327 = arith.constant 16 : index
        %parallel_loop3A_328 = tpu.vector_load %arg16[%parallel_loop3A_326, %parallel_loop3A_327] {strides = array<i32>} : memref<80x128xf32, #tpu.memory_space<vmem>>, vector<16xf32>,
        %parallel_loop3A_329 = arith.mulf %parallel_loop3A_328, %parallel_loop3A_318 : vector<16xf32>
        %parallel_loop3A_330 = arith.index_cast %parallel_loop3A_307 : i32 to index
        %parallel_loop3A_331 = arith.constant 16 : index
        %parallel_loop3A_332 = tpu.vector_load %arg16[%parallel_loop3A_330, %parallel_loop3A_331] {strides = array<i32>} : memref<80x128xf32, #tpu.memory_space<vmem>>, vector<16xf32>,
        tpu.vector_store %arg16[%parallel_loop3A_330, %parallel_loop3A_331], %parallel_loop3A_329 {strides = array<i32>} : memref<80x128xf32, #tpu.memory_space<vmem>>, vector<16xf32>,
        %parallel_loop3A_333 = arith.index_cast %parallel_loop3A_307 : i32 to index
        %parallel_loop3A_334 = arith.constant 16 : index
        %parallel_loop3A_335 = tpu.vector_load %arg18[%parallel_loop3A_333, %parallel_loop3A_334] {strides = array<i32>} : memref<80x64xi32, #tpu.memory_space<vmem>>, vector<16xi32>,
        %parallel_loop3A_336 = arith.constant 16 : i32
        %parallel_loop3A_337 = vector.broadcast %parallel_loop3A_336 : i32 to vector<16xi32>
        %parallel_loop3A_338 = arith.shli %parallel_loop3A_335, %parallel_loop3A_337 : vector<16xi32>
        %parallel_loop3A_339 = vector.bitcast %parallel_loop3A_338 : vector<16xi32> to vector<16xf32>
        %parallel_loop3A_340 = arith.constant -65536 : i32
        %parallel_loop3A_341 = vector.broadcast %parallel_loop3A_340 : i32 to vector<16xi32>
        %parallel_loop3A_342 = arith.andi %parallel_loop3A_335, %parallel_loop3A_341 : vector<16xi32>
        %parallel_loop3A_343 = vector.bitcast %parallel_loop3A_342 : vector<16xi32> to vector<16xf32>
        %parallel_loop3A_344 = arith.index_cast %parallel_loop3A_307 : i32 to index
        %parallel_loop3A_345 = arith.constant 32 : index
        %parallel_loop3A_346 = tpu.vector_load %arg16[%parallel_loop3A_344, %parallel_loop3A_345] {strides = array<i32>} : memref<80x128xf32, #tpu.memory_space<vmem>>, vector<16xf32>,
        %parallel_loop3A_347 = arith.mulf %parallel_loop3A_346, %parallel_loop3A_339 : vector<16xf32>
        %parallel_loop3A_348 = arith.index_cast %parallel_loop3A_307 : i32 to index
        %parallel_loop3A_349 = arith.constant 32 : index
        %parallel_loop3A_350 = tpu.vector_load %arg16[%parallel_loop3A_348, %parallel_loop3A_349] {strides = array<i32>} : memref<80x128xf32, #tpu.memory_space<vmem>>, vector<16xf32>,
        tpu.vector_store %arg16[%parallel_loop3A_348, %parallel_loop3A_349], %parallel_loop3A_347 {strides = array<i32>} : memref<80x128xf32, #tpu.memory_space<vmem>>, vector<16xf32>,
        %parallel_loop3A_351 = arith.index_cast %parallel_loop3A_307 : i32 to index
        %parallel_loop3A_352 = arith.constant 48 : index
        %parallel_loop3A_353 = tpu.vector_load %arg16[%parallel_loop3A_351, %parallel_loop3A_352] {strides = array<i32>} : memref<80x128xf32, #tpu.memory_space<vmem>>, vector<16xf32>,
        %parallel_loop3A_354 = arith.mulf %parallel_loop3A_353, %parallel_loop3A_343 : vector<16xf32>
        %parallel_loop3A_355 = arith.index_cast %parallel_loop3A_307 : i32 to index
        %parallel_loop3A_356 = arith.constant 48 : index
        %parallel_loop3A_357 = tpu.vector_load %arg16[%parallel_loop3A_355, %parallel_loop3A_356] {strides = array<i32>} : memref<80x128xf32, #tpu.memory_space<vmem>>, vector<16xf32>,
        tpu.vector_store %arg16[%parallel_loop3A_355, %parallel_loop3A_356], %parallel_loop3A_354 {strides = array<i32>} : memref<80x128xf32, #tpu.memory_space<vmem>>, vector<16xf32>,
        %parallel_loop3A_358 = arith.index_cast %parallel_loop3A_307 : i32 to index
        %parallel_loop3A_359 = arith.constant 32 : index
        %parallel_loop3A_360 = tpu.vector_load %arg18[%parallel_loop3A_358, %parallel_loop3A_359] {strides = array<i32>} : memref<80x64xi32, #tpu.memory_space<vmem>>, vector<16xi32>,
        %parallel_loop3A_361 = arith.constant 16 : i32
        %parallel_loop3A_362 = vector.broadcast %parallel_loop3A_361 : i32 to vector<16xi32>
        %parallel_loop3A_363 = arith.shli %parallel_loop3A_360, %parallel_loop3A_362 : vector<16xi32>
        %parallel_loop3A_364 = vector.bitcast %parallel_loop3A_363 : vector<16xi32> to vector<16xf32>
        %parallel_loop3A_365 = arith.constant -65536 : i32
        %parallel_loop3A_366 = vector.broadcast %parallel_loop3A_365 : i32 to vector<16xi32>
        %parallel_loop3A_367 = arith.andi %parallel_loop3A_360, %parallel_loop3A_366 : vector<16xi32>
        %parallel_loop3A_368 = vector.bitcast %parallel_loop3A_367 : vector<16xi32> to vector<16xf32>
        %parallel_loop3A_369 = arith.index_cast %parallel_loop3A_307 : i32 to index
        %parallel_loop3A_370 = arith.constant 64 : index
        %parallel_loop3A_371 = tpu.vector_load %arg16[%parallel_loop3A_369, %parallel_loop3A_370] {strides = array<i32>} : memref<80x128xf32, #tpu.memory_space<vmem>>, vector<16xf32>,
        %parallel_loop3A_372 = arith.mulf %parallel_loop3A_371, %parallel_loop3A_364 : vector<16xf32>
        %parallel_loop3A_373 = arith.index_cast %parallel_loop3A_307 : i32 to index
        %parallel_loop3A_374 = arith.constant 64 : index
        %parallel_loop3A_375 = tpu.vector_load %arg16[%parallel_loop3A_373, %parallel_loop3A_374] {strides = array<i32>} : memref<80x128xf32, #tpu.memory_space<vmem>>, vector<16xf32>,
        tpu.vector_store %arg16[%parallel_loop3A_373, %parallel_loop3A_374], %parallel_loop3A_372 {strides = array<i32>} : memref<80x128xf32, #tpu.memory_space<vmem>>, vector<16xf32>,
        %parallel_loop3A_376 = arith.index_cast %parallel_loop3A_307 : i32 to index
        %parallel_loop3A_377 = arith.constant 80 : index
        %parallel_loop3A_378 = tpu.vector_load %arg16[%parallel_loop3A_376, %parallel_loop3A_377] {strides = array<i32>} : memref<80x128xf32, #tpu.memory_space<vmem>>, vector<16xf32>,
        %parallel_loop3A_379 = arith.mulf %parallel_loop3A_378, %parallel_loop3A_368 : vector<16xf32>
        %parallel_loop3A_380 = arith.index_cast %parallel_loop3A_307 : i32 to index
        %parallel_loop3A_381 = arith.constant 80 : index
        %parallel_loop3A_382 = tpu.vector_load %arg16[%parallel_loop3A_380, %parallel_loop3A_381] {strides = array<i32>} : memref<80x128xf32, #tpu.memory_space<vmem>>, vector<16xf32>,
        tpu.vector_store %arg16[%parallel_loop3A_380, %parallel_loop3A_381], %parallel_loop3A_379 {strides = array<i32>} : memref<80x128xf32, #tpu.memory_space<vmem>>, vector<16xf32>,
        %parallel_loop3A_383 = arith.index_cast %parallel_loop3A_307 : i32 to index
        %parallel_loop3A_384 = arith.constant 48 : index
        %parallel_loop3A_385 = tpu.vector_load %arg18[%parallel_loop3A_383, %parallel_loop3A_384] {strides = array<i32>} : memref<80x64xi32, #tpu.memory_space<vmem>>, vector<16xi32>,
        %parallel_loop3A_386 = arith.constant 16 : i32
        %parallel_loop3A_387 = vector.broadcast %parallel_loop3A_386 : i32 to vector<16xi32>
        %parallel_loop3A_388 = arith.shli %parallel_loop3A_385, %parallel_loop3A_387 : vector<16xi32>
        %parallel_loop3A_389 = vector.bitcast %parallel_loop3A_388 : vector<16xi32> to vector<16xf32>
        %parallel_loop3A_390 = arith.constant -65536 : i32
        %parallel_loop3A_391 = vector.broadcast %parallel_loop3A_390 : i32 to vector<16xi32>
        %parallel_loop3A_392 = arith.andi %parallel_loop3A_385, %parallel_loop3A_391 : vector<16xi32>
        %parallel_loop3A_393 = vector.bitcast %parallel_loop3A_392 : vector<16xi32> to vector<16xf32>
        %parallel_loop3A_394 = arith.index_cast %parallel_loop3A_307 : i32 to index
        %parallel_loop3A_395 = arith.constant 96 : index
        %parallel_loop3A_396 = tpu.vector_load %arg16[%parallel_loop3A_394, %parallel_loop3A_395] {strides = array<i32>} : memref<80x128xf32, #tpu.memory_space<vmem>>, vector<16xf32>,
        %parallel_loop3A_397 = arith.mulf %parallel_loop3A_396, %parallel_loop3A_389 : vector<16xf32>
        %parallel_loop3A_398 = arith.index_cast %parallel_loop3A_307 : i32 to index
        %parallel_loop3A_399 = arith.constant 96 : index
        %parallel_loop3A_400 = tpu.vector_load %arg16[%parallel_loop3A_398, %parallel_loop3A_399] {strides = array<i32>} : memref<80x128xf32, #tpu.memory_space<vmem>>, vector<16xf32>,
        tpu.vector_store %arg16[%parallel_loop3A_398, %parallel_loop3A_399], %parallel_loop3A_397 {strides = array<i32>} : memref<80x128xf32, #tpu.memory_space<vmem>>, vector<16xf32>,
        %parallel_loop3A_401 = arith.index_cast %parallel_loop3A_307 : i32 to index
        %parallel_loop3A_402 = arith.constant 112 : index
        %parallel_loop3A_403 = tpu.vector_load %arg16[%parallel_loop3A_401, %parallel_loop3A_402] {strides = array<i32>} : memref<80x128xf32, #tpu.memory_space<vmem>>, vector<16xf32>,
        %parallel_loop3A_404 = arith.mulf %parallel_loop3A_403, %parallel_loop3A_393 : vector<16xf32>
        %parallel_loop3A_405 = arith.index_cast %parallel_loop3A_307 : i32 to index
        %parallel_loop3A_406 = arith.constant 112 : index
        %parallel_loop3A_407 = tpu.vector_load %arg16[%parallel_loop3A_405, %parallel_loop3A_406] {strides = array<i32>} : memref<80x128xf32, #tpu.memory_space<vmem>>, vector<16xf32>,
        tpu.vector_store %arg16[%parallel_loop3A_405, %parallel_loop3A_406], %parallel_loop3A_404 {strides = array<i32>} : memref<80x128xf32, #tpu.memory_space<vmem>>, vector<16xf32>,
      } {sc.loop_unroll_factor = 1 : i64, sc.parallel_access}
      %dma_start3A_299 = arith.constant 0 : i32
      %dma_start3A_300 = arith.constant 0 : i32
      %dma_start3A_301 = tpu.memref_slice %arg19[%dma_start3A_299, %dma_start3A_300] : memref<10000x128xf32, #tpu.memory_space<vmem_shared>> -> memref<10000x128xf32, #tpu.memory_space<vmem_shared>>
      tpu.enqueue_indirect_dma source(%arg16 : memref<80x128xf32, #tpu.memory_space<vmem>>) target(%dma_start3A_301 : memref<10000x128xf32, #tpu.memory_space<vmem_shared>>) offsets(%arg12 : memref<80xi32, #tpu.memory_space<vmem>>) semaphore(%arg25 : memref<!tpu.dma_semaphore, #tpu.memory_space<semaphore_mem>>) {add = true}
      %lt3A_302 = arith.constant 30 : i32
      %lt3A_303 = arith.cmpi slt, %add3A_179, %lt3A_302 : i32
      %convert_element_type3A_304 = arith.extui %lt3A_303 : i1 to i32
      %cond3A_305 = arith.constant 0 : i32
      %cond3A_306 = arith.cmpi ne, %convert_element_type3A_304, %cond3A_305 : i32
      scf.if %cond3A_306 {
        %dma_wait3A_307 = arith.constant 0 : i32
        %dma_wait3A_308 = arith.constant 0 : i32
        %dma_wait3A_309 = tpu.memref_slice %arg19[%dma_wait3A_307, %dma_wait3A_308] : memref<10000x128xf32, #tpu.memory_space<vmem_shared>> -> memref<10000x128xf32, #tpu.memory_space<vmem_shared>>
        tpu.wait_indirect_dma semaphore(%arg24 : memref<!tpu.dma_semaphore, #tpu.memory_space<semaphore_mem>>) src(%arg15 : memref<80x128xf32, #tpu.memory_space<vmem>>) dst(%dma_wait3A_309 : memref<10000x128xf32, #tpu.memory_space<vmem_shared>>)
        %add3A_310 = arith.constant 4 : i32
        %add3A_311 = arith.addi %mul3A_181, %add3A_310 : i32
        %dma_wait3A_312 = arith.constant 0 : i32
        %dma_wait3A_313 = arith.constant 0 : i32
        %dma_wait3A_314 = tpu.memref_slice %arg10[%dma_wait3A_312, %dma_wait3A_313] : memref<4x80xi32, #tpu.memory_space<vmem>> -> memref<1x80xi32, #tpu.memory_space<vmem>>
        %dma_wait3A_315 = tpu.memref_squeeze %dma_wait3A_314 : memref<1x80xi32, #tpu.memory_space<vmem>> -> memref<80xi32, #tpu.memory_space<vmem>>
        %dma_wait3A_316 = arith.constant 0 : i32
        %dma_wait3A_317 = tpu.memref_slice %arg5[%dma_wait3A_316] : memref<10000xi32, #tpu.memory_space<hbm>> -> memref<10000xi32, #tpu.memory_space<hbm>>
        tpu.wait_indirect_dma semaphore(%arg26 : memref<!tpu.dma_semaphore, #tpu.memory_space<semaphore_mem>>) src(%dma_wait3A_317 : memref<10000xi32, #tpu.memory_space<hbm>>) dst(%dma_wait3A_315 : memref<80xi32, #tpu.memory_space<vmem>>)
        %scan3A_318 = arith.constant 0 : i32
        %scan3A_319 = arith.constant 5 : i32
        %scan3A_320 = arith.addi %scan3A_318, %scan3A_319 : i32
        %scan3A_321 = arith.constant 1 : i32
        scf.for %scan3A_363 = %scan3A_318 to %scan3A_320 step %scan3A_321  : i32 {
          %mul3A_364 = arith.constant 16 : i32
          %mul3A_365 = arith.muli %scan3A_363, %mul3A_364 : i32
          %add3A_366 = arith.constant 0 : i32
          %add3A_367 = arith.addi %add3A_366, %mul3A_365 : i32
          %add3A_368 = arith.constant 0 : i32
          %add3A_369 = arith.addi %add3A_368, %add3A_367 : i32
          %get3A = arith.index_cast %add3A_369 : i32 to index
          %get3A_370 = tpu.vector_load %arg8[%get3A] {strides = array<i32>} : memref<320xi32, #tpu.memory_space<vmem>>, vector<16xi32>,
          %get3A_371 = arith.constant 0 : i32
          %get3A_372 = arith.index_cast %get3A_371 : i32 to index
          %get3A_373 = arith.index_cast %add3A_367 : i32 to index
          %get3A_374 = tpu.vector_load %arg10[%get3A_372, %get3A_373] {strides = array<i32>} : memref<4x80xi32, #tpu.memory_space<vmem>>, vector<16xi32>,
          %add3A_375 = arith.constant 0 : i32
          %add3A_376 = arith.addi %add3A_375, %add3A_367 : i32
          %get3A_377 = arith.index_cast %add3A_376 : i32 to index
          %get3A_378 = tpu.vector_load %arg9[%get3A_377] {strides = array<i32>} : memref<320xi32, #tpu.memory_space<vmem>>, vector<16xi32>,
          %sub3A_379 = arith.constant 1 : i32
          %sub3A_380 = vector.broadcast %sub3A_379 : i32 to vector<16xi32>
          %sub3A_381 = arith.subi %sub3A_380, %get3A_374 : vector<16xi32>
          %mul3A_382 = arith.constant 2000 : i32
          %mul3A_383 = vector.broadcast %mul3A_382 : i32 to vector<16xi32>
          %mul3A_384 = arith.muli %sub3A_381, %mul3A_383 : vector<16xi32>
          %add3A_385 = arith.addi %get3A_378, %mul3A_384 : vector<16xi32>
          %swap3A = arith.index_cast %add3A_367 : i32 to index
          %swap3A_386 = tpu.vector_load %arg13[%swap3A] {strides = array<i32>} : memref<80xi32, #tpu.memory_space<vmem>>, vector<16xi32>,
          tpu.vector_store %arg13[%swap3A], %add3A_385 {strides = array<i32>} : memref<80xi32, #tpu.memory_space<vmem>>, vector<16xi32>,
          %swap3A_387 = arith.index_cast %add3A_367 : i32 to index
          %swap3A_388 = tpu.vector_load %arg11[%swap3A_387] {strides = array<i32>} : memref<80xi32, #tpu.memory_space<vmem>>, vector<16xi32>,
          tpu.vector_store %arg11[%swap3A_387], %get3A_370 {strides = array<i32>} : memref<80xi32, #tpu.memory_space<vmem>>, vector<16xi32>,
        }
        %scan3A_322 = arith.constant 5 : i32
        %mul3A_323 = arith.constant 125 : i32
        %mul3A_324 = arith.muli %add3A, %mul3A_323 : i32
        %add3A_325 = arith.addi %mul3A_324, %add3A_311 : i32
        %mul3A_326 = arith.constant 80 : i32
        %mul3A_327 = arith.muli %add3A_325, %mul3A_326 : i32
        %dma_start3A_328 = arith.constant 0 : i32
        %dma_start3A_329 = arith.constant 0 : i32
        %dma_start3A_330 = tpu.memref_slice %arg2[%dma_start3A_328, %dma_start3A_329] : memref<4000x128xf32, #tpu.memory_space<hbm>> -> memref<4000x128xf32, #tpu.memory_space<hbm>>
        tpu.enqueue_indirect_dma source(%dma_start3A_330 : memref<4000x128xf32, #tpu.memory_space<hbm>>) target(%arg15 : memref<80x128xf32, #tpu.memory_space<vmem>>) offsets(%arg13 : memref<80xi32, #tpu.memory_space<vmem>>) semaphore(%arg20 : memref<!tpu.dma_semaphore, #tpu.memory_space<semaphore_mem>>)
        %dma_start3A_331 = arith.constant 0 : i32
        %dma_start3A_332 = tpu.memref_slice %arg6[%mul3A_327, %dma_start3A_331] : memref<320000x64xi32, #tpu.memory_space<hbm>> -> memref<80x64xi32, #tpu.memory_space<hbm>>
        %dma_start3A_333 = arith.constant 0 : i32
        %dma_start3A_334 = tpu.memref_slice %arg6[%mul3A_327, %dma_start3A_333] : memref<320000x64xi32, #tpu.memory_space<hbm>> -> memref<80x64xi32, #tpu.memory_space<hbm>>
        tpu.enqueue_dma source(%dma_start3A_334 : memref<80x64xi32, #tpu.memory_space<hbm>>) target(%arg17 : memref<80x64xi32, #tpu.memory_space<vmem>>) target_semaphore(%arg22 : memref<!tpu.dma_semaphore, #tpu.memory_space<semaphore_mem>>)
        %dma_wait3A_335 = arith.constant 0 : i32
        %dma_wait3A_336 = arith.constant 0 : i32
        %dma_wait3A_337 = tpu.memref_slice %arg19[%dma_wait3A_335, %dma_wait3A_336] : memref<10000x128xf32, #tpu.memory_space<vmem_shared>> -> memref<10000x128xf32, #tpu.memory_space<vmem_shared>>
        tpu.wait_indirect_dma semaphore(%arg25 : memref<!tpu.dma_semaphore, #tpu.memory_space<semaphore_mem>>) src(%arg16 : memref<80x128xf32, #tpu.memory_space<vmem>>) dst(%dma_wait3A_337 : memref<10000x128xf32, #tpu.memory_space<vmem_shared>>)
        %add3A_338 = arith.constant 5 : i32
        %add3A_339 = arith.addi %mul3A_181, %add3A_338 : i32
        %dma_wait3A_340 = arith.constant 1 : i32
        %dma_wait3A_341 = arith.constant 0 : i32
        %dma_wait3A_342 = tpu.memref_slice %arg10[%dma_wait3A_340, %dma_wait3A_341] : memref<4x80xi32, #tpu.memory_space<vmem>> -> memref<1x80xi32, #tpu.memory_space<vmem>>
        %dma_wait3A_343 = tpu.memref_squeeze %dma_wait3A_342 : memref<1x80xi32, #tpu.memory_space<vmem>> -> memref<80xi32, #tpu.memory_space<vmem>>
        %dma_wait3A_344 = arith.constant 0 : i32
        %dma_wait3A_345 = tpu.memref_slice %arg5[%dma_wait3A_344] : memref<10000xi32, #tpu.memory_space<hbm>> -> memref<10000xi32, #tpu.memory_space<hbm>>
        tpu.wait_indirect_dma semaphore(%arg27 : memref<!tpu.dma_semaphore, #tpu.memory_space<semaphore_mem>>) src(%dma_wait3A_345 : memref<10000xi32, #tpu.memory_space<hbm>>) dst(%dma_wait3A_343 : memref<80xi32, #tpu.memory_space<vmem>>)
        %scan3A_346 = arith.constant 0 : i32
        %scan3A_347 = arith.constant 5 : i32
        %scan3A_348 = arith.addi %scan3A_346, %scan3A_347 : i32
        %scan3A_349 = arith.constant 1 : i32
        scf.for %scan3A_363 = %scan3A_346 to %scan3A_348 step %scan3A_349  : i32 {
          %mul3A_364 = arith.constant 16 : i32
          %mul3A_365 = arith.muli %scan3A_363, %mul3A_364 : i32
          %add3A_366 = arith.constant 0 : i32
          %add3A_367 = arith.addi %add3A_366, %mul3A_365 : i32
          %add3A_368 = arith.constant 80 : i32
          %add3A_369 = arith.addi %add3A_368, %add3A_367 : i32
          %get3A = arith.index_cast %add3A_369 : i32 to index
          %get3A_370 = tpu.vector_load %arg8[%get3A] {strides = array<i32>} : memref<320xi32, #tpu.memory_space<vmem>>, vector<16xi32>,
          %get3A_371 = arith.constant 1 : i32
          %get3A_372 = arith.index_cast %get3A_371 : i32 to index
          %get3A_373 = arith.index_cast %add3A_367 : i32 to index
          %get3A_374 = tpu.vector_load %arg10[%get3A_372, %get3A_373] {strides = array<i32>} : memref<4x80xi32, #tpu.memory_space<vmem>>, vector<16xi32>,
          %add3A_375 = arith.constant 80 : i32
          %add3A_376 = arith.addi %add3A_375, %add3A_367 : i32
          %get3A_377 = arith.index_cast %add3A_376 : i32 to index
          %get3A_378 = tpu.vector_load %arg9[%get3A_377] {strides = array<i32>} : memref<320xi32, #tpu.memory_space<vmem>>, vector<16xi32>,
          %sub3A_379 = arith.constant 1 : i32
          %sub3A_380 = vector.broadcast %sub3A_379 : i32 to vector<16xi32>
          %sub3A_381 = arith.subi %sub3A_380, %get3A_374 : vector<16xi32>
          %mul3A_382 = arith.constant 2000 : i32
          %mul3A_383 = vector.broadcast %mul3A_382 : i32 to vector<16xi32>
          %mul3A_384 = arith.muli %sub3A_381, %mul3A_383 : vector<16xi32>
          %add3A_385 = arith.addi %get3A_378, %mul3A_384 : vector<16xi32>
          %swap3A = arith.index_cast %add3A_367 : i32 to index
          %swap3A_386 = tpu.vector_load %arg14[%swap3A] {strides = array<i32>} : memref<80xi32, #tpu.memory_space<vmem>>, vector<16xi32>,
          tpu.vector_store %arg14[%swap3A], %add3A_385 {strides = array<i32>} : memref<80xi32, #tpu.memory_space<vmem>>, vector<16xi32>,
          %swap3A_387 = arith.index_cast %add3A_367 : i32 to index
          %swap3A_388 = tpu.vector_load %arg12[%swap3A_387] {strides = array<i32>} : memref<80xi32, #tpu.memory_space<vmem>>, vector<16xi32>,
          tpu.vector_store %arg12[%swap3A_387], %get3A_370 {strides = array<i32>} : memref<80xi32, #tpu.memory_space<vmem>>, vector<16xi32>,
        }
        %scan3A_350 = arith.constant 5 : i32
        %mul3A_351 = arith.constant 125 : i32
        %mul3A_352 = arith.muli %add3A, %mul3A_351 : i32
        %add3A_353 = arith.addi %mul3A_352, %add3A_339 : i32
        %mul3A_354 = arith.constant 80 : i32
        %mul3A_355 = arith.muli %add3A_353, %mul3A_354 : i32
        %dma_start3A_356 = arith.constant 0 : i32
        %dma_start3A_357 = arith.constant 0 : i32
        %dma_start3A_358 = tpu.memref_slice %arg2[%dma_start3A_356, %dma_start3A_357] : memref<4000x128xf32, #tpu.memory_space<hbm>> -> memref<4000x128xf32, #tpu.memory_space<hbm>>
        tpu.enqueue_indirect_dma source(%dma_start3A_358 : memref<4000x128xf32, #tpu.memory_space<hbm>>) target(%arg16 : memref<80x128xf32, #tpu.memory_space<vmem>>) offsets(%arg14 : memref<80xi32, #tpu.memory_space<vmem>>) semaphore(%arg21 : memref<!tpu.dma_semaphore, #tpu.memory_space<semaphore_mem>>)
        %dma_start3A_359 = arith.constant 0 : i32
        %dma_start3A_360 = tpu.memref_slice %arg6[%mul3A_355, %dma_start3A_359] : memref<320000x64xi32, #tpu.memory_space<hbm>> -> memref<80x64xi32, #tpu.memory_space<hbm>>
        %dma_start3A_361 = arith.constant 0 : i32
        %dma_start3A_362 = tpu.memref_slice %arg6[%mul3A_355, %dma_start3A_361] : memref<320000x64xi32, #tpu.memory_space<hbm>> -> memref<80x64xi32, #tpu.memory_space<hbm>>
        tpu.enqueue_dma source(%dma_start3A_362 : memref<80x64xi32, #tpu.memory_space<hbm>>) target(%arg18 : memref<80x64xi32, #tpu.memory_space<vmem>>) target_semaphore(%arg23 : memref<!tpu.dma_semaphore, #tpu.memory_space<semaphore_mem>>)
      } else {
      }
    }
    %scan3A_114 = arith.constant 31 : i32
    %dma_wait3A_115 = arith.constant 0 : i32
    %dma_wait3A_116 = arith.constant 0 : i32
    %dma_wait3A_117 = tpu.memref_slice %arg19[%dma_wait3A_115, %dma_wait3A_116] : memref<10000x128xf32, #tpu.memory_space<vmem_shared>> -> memref<10000x128xf32, #tpu.memory_space<vmem_shared>>
    tpu.wait_indirect_dma semaphore(%arg24 : memref<!tpu.dma_semaphore, #tpu.memory_space<semaphore_mem>>) src(%arg15 : memref<80x128xf32, #tpu.memory_space<vmem>>) dst(%dma_wait3A_117 : memref<10000x128xf32, #tpu.memory_space<vmem_shared>>)
    %mul3A_118 = arith.constant 125 : i32
    %mul3A_119 = arith.muli %add3A, %mul3A_118 : i32
    %add3A_120 = arith.constant 125 : i32
    %add3A_121 = arith.addi %mul3A_119, %add3A_120 : i32
    %sub3A = arith.constant 1 : i32
    %sub3A_122 = arith.subi %add3A_121, %sub3A : i32
    %mul3A_123 = arith.constant 80 : i32
    %mul3A_124 = arith.muli %sub3A_122, %mul3A_123 : i32
    "tpu.region"() ({
      %run_scoped3A = tpu.sem_alloc : memref<!tpu.dma_semaphore, #tpu.memory_space<semaphore_mem>>
      %dma_start3A_175 = tpu.memref_slice %arg3[%mul3A_124] : memref<320000xi32, #tpu.memory_space<hbm>> -> memref<80xi32, #tpu.memory_space<hbm>>
      %dma_start3A_176 = tpu.memref_slice %arg3[%mul3A_124] : memref<320000xi32, #tpu.memory_space<hbm>> -> memref<80xi32, #tpu.memory_space<hbm>>
      tpu.enqueue_dma source(%dma_start3A_176 : memref<80xi32, #tpu.memory_space<hbm>>) target(%arg11 : memref<80xi32, #tpu.memory_space<vmem>>) target_semaphore(%run_scoped3A : memref<!tpu.dma_semaphore, #tpu.memory_space<semaphore_mem>>)
      %dma_wait3A_177 = tpu.memref_slice %arg3[%mul3A_124] : memref<320000xi32, #tpu.memory_space<hbm>> -> memref<80xi32, #tpu.memory_space<hbm>>
      %dma_wait3A_178 = tpu.memref_slice %arg3[%mul3A_124] : memref<320000xi32, #tpu.memory_space<hbm>> -> memref<80xi32, #tpu.memory_space<hbm>>
      tpu.wait_dma2 semaphore(%run_scoped3A : memref<!tpu.dma_semaphore, #tpu.memory_space<semaphore_mem>>) src(%dma_wait3A_178 : memref<80xi32, #tpu.memory_space<hbm>>) dst(%arg11 : memref<80xi32, #tpu.memory_space<vmem>>)
      tpu.yield
    }) : () -> ()
    "tpu.region"() ({
      %run_scoped3A = tpu.sem_alloc : memref<!tpu.dma_semaphore, #tpu.memory_space<semaphore_mem>>
      %dma_start3A_175 = tpu.memref_slice %arg4[%mul3A_124] : memref<320000xi32, #tpu.memory_space<hbm>> -> memref<80xi32, #tpu.memory_space<hbm>>
      %dma_start3A_176 = tpu.memref_slice %arg4[%mul3A_124] : memref<320000xi32, #tpu.memory_space<hbm>> -> memref<80xi32, #tpu.memory_space<hbm>>
      tpu.enqueue_dma source(%dma_start3A_176 : memref<80xi32, #tpu.memory_space<hbm>>) target(%arg13 : memref<80xi32, #tpu.memory_space<vmem>>) target_semaphore(%run_scoped3A : memref<!tpu.dma_semaphore, #tpu.memory_space<semaphore_mem>>)
      %dma_wait3A_177 = tpu.memref_slice %arg4[%mul3A_124] : memref<320000xi32, #tpu.memory_space<hbm>> -> memref<80xi32, #tpu.memory_space<hbm>>
      %dma_wait3A_178 = tpu.memref_slice %arg4[%mul3A_124] : memref<320000xi32, #tpu.memory_space<hbm>> -> memref<80xi32, #tpu.memory_space<hbm>>
      tpu.wait_dma2 semaphore(%run_scoped3A : memref<!tpu.dma_semaphore, #tpu.memory_space<semaphore_mem>>) src(%dma_wait3A_178 : memref<80xi32, #tpu.memory_space<hbm>>) dst(%arg13 : memref<80xi32, #tpu.memory_space<vmem>>)
      tpu.yield
    }) : () -> ()
    %dma_start3A_125 = arith.constant 0 : i32
    %dma_start3A_126 = arith.constant 0 : i32
    %dma_start3A_127 = tpu.memref_slice %arg10[%dma_start3A_125, %dma_start3A_126] : memref<4x80xi32, #tpu.memory_space<vmem>> -> memref<1x80xi32, #tpu.memory_space<vmem>>
    %dma_start3A_128 = tpu.memref_squeeze %dma_start3A_127 : memref<1x80xi32, #tpu.memory_space<vmem>> -> memref<80xi32, #tpu.memory_space<vmem>>
    %dma_start3A_129 = arith.constant 0 : i32
    %dma_start3A_130 = tpu.memref_slice %arg5[%dma_start3A_129] : memref<10000xi32, #tpu.memory_space<hbm>> -> memref<10000xi32, #tpu.memory_space<hbm>>
    tpu.enqueue_indirect_dma source(%dma_start3A_130 : memref<10000xi32, #tpu.memory_space<hbm>>) target(%dma_start3A_128 : memref<80xi32, #tpu.memory_space<vmem>>) offsets(%arg11 : memref<80xi32, #tpu.memory_space<vmem>>) semaphore(%arg26 : memref<!tpu.dma_semaphore, #tpu.memory_space<semaphore_mem>>)
    %dma_wait3A_131 = arith.constant 0 : i32
    %dma_wait3A_132 = arith.constant 0 : i32
    %dma_wait3A_133 = tpu.memref_slice %arg10[%dma_wait3A_131, %dma_wait3A_132] : memref<4x80xi32, #tpu.memory_space<vmem>> -> memref<1x80xi32, #tpu.memory_space<vmem>>
    %dma_wait3A_134 = tpu.memref_squeeze %dma_wait3A_133 : memref<1x80xi32, #tpu.memory_space<vmem>> -> memref<80xi32, #tpu.memory_space<vmem>>
    %dma_wait3A_135 = arith.constant 0 : i32
    %dma_wait3A_136 = tpu.memref_slice %arg5[%dma_wait3A_135] : memref<10000xi32, #tpu.memory_space<hbm>> -> memref<10000xi32, #tpu.memory_space<hbm>>
    tpu.wait_indirect_dma semaphore(%arg26 : memref<!tpu.dma_semaphore, #tpu.memory_space<semaphore_mem>>) src(%dma_wait3A_136 : memref<10000xi32, #tpu.memory_space<hbm>>) dst(%dma_wait3A_134 : memref<80xi32, #tpu.memory_space<vmem>>)
    %scan3A_137 = arith.constant 0 : i32
    %scan3A_138 = arith.constant 5 : i32
    %scan3A_139 = arith.addi %scan3A_137, %scan3A_138 : i32
    %scan3A_140 = arith.constant 1 : i32
    scf.for %scan3A_175 = %scan3A_137 to %scan3A_139 step %scan3A_140  : i32 {
      %mul3A_176 = arith.constant 16 : i32
      %mul3A_177 = arith.muli %scan3A_175, %mul3A_176 : i32
      %add3A_178 = arith.constant 0 : i32
      %add3A_179 = arith.addi %add3A_178, %mul3A_177 : i32
      %get3A = arith.constant 0 : i32
      %get3A_180 = arith.index_cast %get3A : i32 to index
      %get3A_181 = arith.index_cast %add3A_179 : i32 to index
      %get3A_182 = tpu.vector_load %arg10[%get3A_180, %get3A_181] {strides = array<i32>} : memref<4x80xi32, #tpu.memory_space<vmem>>, vector<16xi32>,
      %get3A_183 = arith.index_cast %add3A_179 : i32 to index
      %get3A_184 = tpu.vector_load %arg13[%get3A_183] {strides = array<i32>} : memref<80xi32, #tpu.memory_space<vmem>>, vector<16xi32>,
      %sub3A_185 = arith.constant 1 : i32
      %sub3A_186 = vector.broadcast %sub3A_185 : i32 to vector<16xi32>
      %sub3A_187 = arith.subi %sub3A_186, %get3A_182 : vector<16xi32>
      %mul3A_188 = arith.constant 2000 : i32
      %mul3A_189 = vector.broadcast %mul3A_188 : i32 to vector<16xi32>
      %mul3A_190 = arith.muli %sub3A_187, %mul3A_189 : vector<16xi32>
      %add3A_191 = arith.addi %get3A_184, %mul3A_190 : vector<16xi32>
      %swap3A = arith.index_cast %add3A_179 : i32 to index
      %swap3A_192 = tpu.vector_load %arg13[%swap3A] {strides = array<i32>} : memref<80xi32, #tpu.memory_space<vmem>>, vector<16xi32>,
      tpu.vector_store %arg13[%swap3A], %add3A_191 {strides = array<i32>} : memref<80xi32, #tpu.memory_space<vmem>>, vector<16xi32>,
    }
    %scan3A_141 = arith.constant 5 : i32
    %dma_start3A_142 = arith.constant 0 : i32
    %dma_start3A_143 = arith.constant 0 : i32
    %dma_start3A_144 = tpu.memref_slice %arg2[%dma_start3A_142, %dma_start3A_143] : memref<4000x128xf32, #tpu.memory_space<hbm>> -> memref<4000x128xf32, #tpu.memory_space<hbm>>
    tpu.enqueue_indirect_dma source(%dma_start3A_144 : memref<4000x128xf32, #tpu.memory_space<hbm>>) target(%arg15 : memref<80x128xf32, #tpu.memory_space<vmem>>) offsets(%arg13 : memref<80xi32, #tpu.memory_space<vmem>>) semaphore(%arg20 : memref<!tpu.dma_semaphore, #tpu.memory_space<semaphore_mem>>)
    %dma_start3A_145 = arith.constant 0 : i32
    %dma_start3A_146 = tpu.memref_slice %arg6[%mul3A_124, %dma_start3A_145] : memref<320000x64xi32, #tpu.memory_space<hbm>> -> memref<80x64xi32, #tpu.memory_space<hbm>>
    %dma_start3A_147 = arith.constant 0 : i32
    %dma_start3A_148 = tpu.memref_slice %arg6[%mul3A_124, %dma_start3A_147] : memref<320000x64xi32, #tpu.memory_space<hbm>> -> memref<80x64xi32, #tpu.memory_space<hbm>>
    tpu.enqueue_dma source(%dma_start3A_148 : memref<80x64xi32, #tpu.memory_space<hbm>>) target(%arg17 : memref<80x64xi32, #tpu.memory_space<vmem>>) target_semaphore(%arg22 : memref<!tpu.dma_semaphore, #tpu.memory_space<semaphore_mem>>)
    %dma_wait3A_149 = arith.constant 0 : i32
    %dma_wait3A_150 = arith.constant 0 : i32
    %dma_wait3A_151 = tpu.memref_slice %arg2[%dma_wait3A_149, %dma_wait3A_150] : memref<4000x128xf32, #tpu.memory_space<hbm>> -> memref<4000x128xf32, #tpu.memory_space<hbm>>
    tpu.wait_indirect_dma semaphore(%arg20 : memref<!tpu.dma_semaphore, #tpu.memory_space<semaphore_mem>>) src(%dma_wait3A_151 : memref<4000x128xf32, #tpu.memory_space<hbm>>) dst(%arg15 : memref<80x128xf32, #tpu.memory_space<vmem>>)
    %dma_wait3A_152 = arith.constant 0 : i32
    %dma_wait3A_153 = arith.constant 0 : i32
    %dma_wait3A_154 = tpu.memref_slice %arg6[%dma_wait3A_152, %dma_wait3A_153] : memref<320000x64xi32, #tpu.memory_space<hbm>> -> memref<80x64xi32, #tpu.memory_space<hbm>>
    %dma_wait3A_155 = arith.constant 0 : i32
    %dma_wait3A_156 = arith.constant 0 : i32
    %dma_wait3A_157 = tpu.memref_slice %arg6[%dma_wait3A_155, %dma_wait3A_156] : memref<320000x64xi32, #tpu.memory_space<hbm>> -> memref<80x64xi32, #tpu.memory_space<hbm>>
    tpu.wait_dma2 semaphore(%arg22 : memref<!tpu.dma_semaphore, #tpu.memory_space<semaphore_mem>>) src(%dma_wait3A_157 : memref<80x64xi32, #tpu.memory_space<hbm>>) dst(%arg17 : memref<80x64xi32, #tpu.memory_space<vmem>>)
    %parallel_loop3A = arith.constant 0 : i32
    %parallel_loop3A_158 = arith.constant 80 : i32
    %parallel_loop3A_159 = arith.constant 1 : i32
    scf.for %parallel_loop3A_175 = %parallel_loop3A to %parallel_loop3A_158 step %parallel_loop3A_159  : i32 {
      %parallel_loop3A_176 = arith.index_cast %parallel_loop3A_175 : i32 to index
      %parallel_loop3A_177 = arith.constant 0 : index
      %parallel_loop3A_178 = tpu.vector_load %arg17[%parallel_loop3A_176, %parallel_loop3A_177] {strides = array<i32>} : memref<80x64xi32, #tpu.memory_space<vmem>>, vector<16xi32>,
      %parallel_loop3A_179 = arith.constant 16 : i32
      %parallel_loop3A_180 = vector.broadcast %parallel_loop3A_179 : i32 to vector<16xi32>
      %parallel_loop3A_181 = arith.shli %parallel_loop3A_178, %parallel_loop3A_180 : vector<16xi32>
      %parallel_loop3A_182 = vector.bitcast %parallel_loop3A_181 : vector<16xi32> to vector<16xf32>
      %parallel_loop3A_183 = arith.constant -65536 : i32
      %parallel_loop3A_184 = vector.broadcast %parallel_loop3A_183 : i32 to vector<16xi32>
      %parallel_loop3A_185 = arith.andi %parallel_loop3A_178, %parallel_loop3A_184 : vector<16xi32>
      %parallel_loop3A_186 = vector.bitcast %parallel_loop3A_185 : vector<16xi32> to vector<16xf32>
      %parallel_loop3A_187 = arith.index_cast %parallel_loop3A_175 : i32 to index
      %parallel_loop3A_188 = arith.constant 0 : index
      %parallel_loop3A_189 = tpu.vector_load %arg15[%parallel_loop3A_187, %parallel_loop3A_188] {strides = array<i32>} : memref<80x128xf32, #tpu.memory_space<vmem>>, vector<16xf32>,
      %parallel_loop3A_190 = arith.mulf %parallel_loop3A_189, %parallel_loop3A_182 : vector<16xf32>
      %parallel_loop3A_191 = arith.index_cast %parallel_loop3A_175 : i32 to index
      %parallel_loop3A_192 = arith.constant 0 : index
      %parallel_loop3A_193 = tpu.vector_load %arg15[%parallel_loop3A_191, %parallel_loop3A_192] {strides = array<i32>} : memref<80x128xf32, #tpu.memory_space<vmem>>, vector<16xf32>,
      tpu.vector_store %arg15[%parallel_loop3A_191, %parallel_loop3A_192], %parallel_loop3A_190 {strides = array<i32>} : memref<80x128xf32, #tpu.memory_space<vmem>>, vector<16xf32>,
      %parallel_loop3A_194 = arith.index_cast %parallel_loop3A_175 : i32 to index
      %parallel_loop3A_195 = arith.constant 16 : index
      %parallel_loop3A_196 = tpu.vector_load %arg15[%parallel_loop3A_194, %parallel_loop3A_195] {strides = array<i32>} : memref<80x128xf32, #tpu.memory_space<vmem>>, vector<16xf32>,
      %parallel_loop3A_197 = arith.mulf %parallel_loop3A_196, %parallel_loop3A_186 : vector<16xf32>
      %parallel_loop3A_198 = arith.index_cast %parallel_loop3A_175 : i32 to index
      %parallel_loop3A_199 = arith.constant 16 : index
      %parallel_loop3A_200 = tpu.vector_load %arg15[%parallel_loop3A_198, %parallel_loop3A_199] {strides = array<i32>} : memref<80x128xf32, #tpu.memory_space<vmem>>, vector<16xf32>,
      tpu.vector_store %arg15[%parallel_loop3A_198, %parallel_loop3A_199], %parallel_loop3A_197 {strides = array<i32>} : memref<80x128xf32, #tpu.memory_space<vmem>>, vector<16xf32>,
      %parallel_loop3A_201 = arith.index_cast %parallel_loop3A_175 : i32 to index
      %parallel_loop3A_202 = arith.constant 16 : index
      %parallel_loop3A_203 = tpu.vector_load %arg17[%parallel_loop3A_201, %parallel_loop3A_202] {strides = array<i32>} : memref<80x64xi32, #tpu.memory_space<vmem>>, vector<16xi32>,
      %parallel_loop3A_204 = arith.constant 16 : i32
      %parallel_loop3A_205 = vector.broadcast %parallel_loop3A_204 : i32 to vector<16xi32>
      %parallel_loop3A_206 = arith.shli %parallel_loop3A_203, %parallel_loop3A_205 : vector<16xi32>
      %parallel_loop3A_207 = vector.bitcast %parallel_loop3A_206 : vector<16xi32> to vector<16xf32>
      %parallel_loop3A_208 = arith.constant -65536 : i32
      %parallel_loop3A_209 = vector.broadcast %parallel_loop3A_208 : i32 to vector<16xi32>
      %parallel_loop3A_210 = arith.andi %parallel_loop3A_203, %parallel_loop3A_209 : vector<16xi32>
      %parallel_loop3A_211 = vector.bitcast %parallel_loop3A_210 : vector<16xi32> to vector<16xf32>
      %parallel_loop3A_212 = arith.index_cast %parallel_loop3A_175 : i32 to index
      %parallel_loop3A_213 = arith.constant 32 : index
      %parallel_loop3A_214 = tpu.vector_load %arg15[%parallel_loop3A_212, %parallel_loop3A_213] {strides = array<i32>} : memref<80x128xf32, #tpu.memory_space<vmem>>, vector<16xf32>,
      %parallel_loop3A_215 = arith.mulf %parallel_loop3A_214, %parallel_loop3A_207 : vector<16xf32>
      %parallel_loop3A_216 = arith.index_cast %parallel_loop3A_175 : i32 to index
      %parallel_loop3A_217 = arith.constant 32 : index
      %parallel_loop3A_218 = tpu.vector_load %arg15[%parallel_loop3A_216, %parallel_loop3A_217] {strides = array<i32>} : memref<80x128xf32, #tpu.memory_space<vmem>>, vector<16xf32>,
      tpu.vector_store %arg15[%parallel_loop3A_216, %parallel_loop3A_217], %parallel_loop3A_215 {strides = array<i32>} : memref<80x128xf32, #tpu.memory_space<vmem>>, vector<16xf32>,
      %parallel_loop3A_219 = arith.index_cast %parallel_loop3A_175 : i32 to index
      %parallel_loop3A_220 = arith.constant 48 : index
      %parallel_loop3A_221 = tpu.vector_load %arg15[%parallel_loop3A_219, %parallel_loop3A_220] {strides = array<i32>} : memref<80x128xf32, #tpu.memory_space<vmem>>, vector<16xf32>,
      %parallel_loop3A_222 = arith.mulf %parallel_loop3A_221, %parallel_loop3A_211 : vector<16xf32>
      %parallel_loop3A_223 = arith.index_cast %parallel_loop3A_175 : i32 to index
      %parallel_loop3A_224 = arith.constant 48 : index
      %parallel_loop3A_225 = tpu.vector_load %arg15[%parallel_loop3A_223, %parallel_loop3A_224] {strides = array<i32>} : memref<80x128xf32, #tpu.memory_space<vmem>>, vector<16xf32>,
      tpu.vector_store %arg15[%parallel_loop3A_223, %parallel_loop3A_224], %parallel_loop3A_222 {strides = array<i32>} : memref<80x128xf32, #tpu.memory_space<vmem>>, vector<16xf32>,
      %parallel_loop3A_226 = arith.index_cast %parallel_loop3A_175 : i32 to index
      %parallel_loop3A_227 = arith.constant 32 : index
      %parallel_loop3A_228 = tpu.vector_load %arg17[%parallel_loop3A_226, %parallel_loop3A_227] {strides = array<i32>} : memref<80x64xi32, #tpu.memory_space<vmem>>, vector<16xi32>,
      %parallel_loop3A_229 = arith.constant 16 : i32
      %parallel_loop3A_230 = vector.broadcast %parallel_loop3A_229 : i32 to vector<16xi32>
      %parallel_loop3A_231 = arith.shli %parallel_loop3A_228, %parallel_loop3A_230 : vector<16xi32>
      %parallel_loop3A_232 = vector.bitcast %parallel_loop3A_231 : vector<16xi32> to vector<16xf32>
      %parallel_loop3A_233 = arith.constant -65536 : i32
      %parallel_loop3A_234 = vector.broadcast %parallel_loop3A_233 : i32 to vector<16xi32>
      %parallel_loop3A_235 = arith.andi %parallel_loop3A_228, %parallel_loop3A_234 : vector<16xi32>
      %parallel_loop3A_236 = vector.bitcast %parallel_loop3A_235 : vector<16xi32> to vector<16xf32>
      %parallel_loop3A_237 = arith.index_cast %parallel_loop3A_175 : i32 to index
      %parallel_loop3A_238 = arith.constant 64 : index
      %parallel_loop3A_239 = tpu.vector_load %arg15[%parallel_loop3A_237, %parallel_loop3A_238] {strides = array<i32>} : memref<80x128xf32, #tpu.memory_space<vmem>>, vector<16xf32>,
      %parallel_loop3A_240 = arith.mulf %parallel_loop3A_239, %parallel_loop3A_232 : vector<16xf32>
      %parallel_loop3A_241 = arith.index_cast %parallel_loop3A_175 : i32 to index
      %parallel_loop3A_242 = arith.constant 64 : index
      %parallel_loop3A_243 = tpu.vector_load %arg15[%parallel_loop3A_241, %parallel_loop3A_242] {strides = array<i32>} : memref<80x128xf32, #tpu.memory_space<vmem>>, vector<16xf32>,
      tpu.vector_store %arg15[%parallel_loop3A_241, %parallel_loop3A_242], %parallel_loop3A_240 {strides = array<i32>} : memref<80x128xf32, #tpu.memory_space<vmem>>, vector<16xf32>,
      %parallel_loop3A_244 = arith.index_cast %parallel_loop3A_175 : i32 to index
      %parallel_loop3A_245 = arith.constant 80 : index
      %parallel_loop3A_246 = tpu.vector_load %arg15[%parallel_loop3A_244, %parallel_loop3A_245] {strides = array<i32>} : memref<80x128xf32, #tpu.memory_space<vmem>>, vector<16xf32>,
      %parallel_loop3A_247 = arith.mulf %parallel_loop3A_246, %parallel_loop3A_236 : vector<16xf32>
      %parallel_loop3A_248 = arith.index_cast %parallel_loop3A_175 : i32 to index
      %parallel_loop3A_249 = arith.constant 80 : index
      %parallel_loop3A_250 = tpu.vector_load %arg15[%parallel_loop3A_248, %parallel_loop3A_249] {strides = array<i32>} : memref<80x128xf32, #tpu.memory_space<vmem>>, vector<16xf32>,
      tpu.vector_store %arg15[%parallel_loop3A_248, %parallel_loop3A_249], %parallel_loop3A_247 {strides = array<i32>} : memref<80x128xf32, #tpu.memory_space<vmem>>, vector<16xf32>,
      %parallel_loop3A_251 = arith.index_cast %parallel_loop3A_175 : i32 to index
      %parallel_loop3A_252 = arith.constant 48 : index
      %parallel_loop3A_253 = tpu.vector_load %arg17[%parallel_loop3A_251, %parallel_loop3A_252] {strides = array<i32>} : memref<80x64xi32, #tpu.memory_space<vmem>>, vector<16xi32>,
      %parallel_loop3A_254 = arith.constant 16 : i32
      %parallel_loop3A_255 = vector.broadcast %parallel_loop3A_254 : i32 to vector<16xi32>
      %parallel_loop3A_256 = arith.shli %parallel_loop3A_253, %parallel_loop3A_255 : vector<16xi32>
      %parallel_loop3A_257 = vector.bitcast %parallel_loop3A_256 : vector<16xi32> to vector<16xf32>
      %parallel_loop3A_258 = arith.constant -65536 : i32
      %parallel_loop3A_259 = vector.broadcast %parallel_loop3A_258 : i32 to vector<16xi32>
      %parallel_loop3A_260 = arith.andi %parallel_loop3A_253, %parallel_loop3A_259 : vector<16xi32>
      %parallel_loop3A_261 = vector.bitcast %parallel_loop3A_260 : vector<16xi32> to vector<16xf32>
      %parallel_loop3A_262 = arith.index_cast %parallel_loop3A_175 : i32 to index
      %parallel_loop3A_263 = arith.constant 96 : index
      %parallel_loop3A_264 = tpu.vector_load %arg15[%parallel_loop3A_262, %parallel_loop3A_263] {strides = array<i32>} : memref<80x128xf32, #tpu.memory_space<vmem>>, vector<16xf32>,
      %parallel_loop3A_265 = arith.mulf %parallel_loop3A_264, %parallel_loop3A_257 : vector<16xf32>
      %parallel_loop3A_266 = arith.index_cast %parallel_loop3A_175 : i32 to index
      %parallel_loop3A_267 = arith.constant 96 : index
      %parallel_loop3A_268 = tpu.vector_load %arg15[%parallel_loop3A_266, %parallel_loop3A_267] {strides = array<i32>} : memref<80x128xf32, #tpu.memory_space<vmem>>, vector<16xf32>,
      tpu.vector_store %arg15[%parallel_loop3A_266, %parallel_loop3A_267], %parallel_loop3A_265 {strides = array<i32>} : memref<80x128xf32, #tpu.memory_space<vmem>>, vector<16xf32>,
      %parallel_loop3A_269 = arith.index_cast %parallel_loop3A_175 : i32 to index
      %parallel_loop3A_270 = arith.constant 112 : index
      %parallel_loop3A_271 = tpu.vector_load %arg15[%parallel_loop3A_269, %parallel_loop3A_270] {strides = array<i32>} : memref<80x128xf32, #tpu.memory_space<vmem>>, vector<16xf32>,
      %parallel_loop3A_272 = arith.mulf %parallel_loop3A_271, %parallel_loop3A_261 : vector<16xf32>
      %parallel_loop3A_273 = arith.index_cast %parallel_loop3A_175 : i32 to index
      %parallel_loop3A_274 = arith.constant 112 : index
      %parallel_loop3A_275 = tpu.vector_load %arg15[%parallel_loop3A_273, %parallel_loop3A_274] {strides = array<i32>} : memref<80x128xf32, #tpu.memory_space<vmem>>, vector<16xf32>,
      tpu.vector_store %arg15[%parallel_loop3A_273, %parallel_loop3A_274], %parallel_loop3A_272 {strides = array<i32>} : memref<80x128xf32, #tpu.memory_space<vmem>>, vector<16xf32>,
    } {sc.loop_unroll_factor = 1 : i64, sc.parallel_access}
    %dma_start3A_160 = arith.constant 0 : i32
    %dma_start3A_161 = arith.constant 0 : i32
    %dma_start3A_162 = tpu.memref_slice %arg19[%dma_start3A_160, %dma_start3A_161] : memref<10000x128xf32, #tpu.memory_space<vmem_shared>> -> memref<10000x128xf32, #tpu.memory_space<vmem_shared>>
    tpu.enqueue_indirect_dma source(%arg15 : memref<80x128xf32, #tpu.memory_space<vmem>>) target(%dma_start3A_162 : memref<10000x128xf32, #tpu.memory_space<vmem_shared>>) offsets(%arg11 : memref<80xi32, #tpu.memory_space<vmem>>) semaphore(%arg24 : memref<!tpu.dma_semaphore, #tpu.memory_space<semaphore_mem>>) {add = true}
    %dma_wait3A_163 = arith.constant 0 : i32
    %dma_wait3A_164 = arith.constant 0 : i32
    %dma_wait3A_165 = tpu.memref_slice %arg19[%dma_wait3A_163, %dma_wait3A_164] : memref<10000x128xf32, #tpu.memory_space<vmem_shared>> -> memref<10000x128xf32, #tpu.memory_space<vmem_shared>>
    tpu.wait_indirect_dma semaphore(%arg24 : memref<!tpu.dma_semaphore, #tpu.memory_space<semaphore_mem>>) src(%arg15 : memref<80x128xf32, #tpu.memory_space<vmem>>) dst(%dma_wait3A_165 : memref<10000x128xf32, #tpu.memory_space<vmem_shared>>)
    %dma_wait3A_166 = arith.constant 0 : i32
    %dma_wait3A_167 = arith.constant 0 : i32
    %dma_wait3A_168 = tpu.memref_slice %arg19[%dma_wait3A_166, %dma_wait3A_167] : memref<10000x128xf32, #tpu.memory_space<vmem_shared>> -> memref<10000x128xf32, #tpu.memory_space<vmem_shared>>
    tpu.wait_indirect_dma semaphore(%arg25 : memref<!tpu.dma_semaphore, #tpu.memory_space<semaphore_mem>>) src(%arg16 : memref<80x128xf32, #tpu.memory_space<vmem>>) dst(%dma_wait3A_168 : memref<10000x128xf32, #tpu.memory_space<vmem_shared>>)
    %barrier3A_169 = arith.constant 0 : index
    tpu.barrier barrier_id(%barrier3A_169)
    "tpu.region"() ({
      %run_scoped3A = tpu.sem_alloc : memref<!tpu.dma_semaphore, #tpu.memory_space<semaphore_mem>>
      %dma_start3A_175 = arith.constant 0 : i32
      %dma_start3A_176 = tpu.memref_slice %arg7[%arg0, %mul3A_7, %dma_start3A_175] : memref<2x10000x128xf32, #tpu.memory_space<hbm>> -> memref<1x624x128xf32, #tpu.memory_space<hbm>>
      %dma_start3A_177 = tpu.memref_squeeze %dma_start3A_176 : memref<1x624x128xf32, #tpu.memory_space<hbm>> -> memref<624x128xf32, #tpu.memory_space<hbm>>
      %dma_start3A_178 = arith.constant 0 : i32
      %dma_start3A_179 = tpu.memref_slice %arg19[%mul3A_7, %dma_start3A_178] : memref<10000x128xf32, #tpu.memory_space<vmem_shared>> -> memref<624x128xf32, #tpu.memory_space<vmem_shared>>
      tpu.enqueue_dma source(%dma_start3A_179 : memref<624x128xf32, #tpu.memory_space<vmem_shared>>) target(%dma_start3A_177 : memref<624x128xf32, #tpu.memory_space<hbm>>) target_semaphore(%run_scoped3A : memref<!tpu.dma_semaphore, #tpu.memory_space<semaphore_mem>>)
      %dma_wait3A_180 = arith.constant 0 : i32
      %dma_wait3A_181 = tpu.memref_slice %arg7[%arg0, %mul3A_7, %dma_wait3A_180] : memref<2x10000x128xf32, #tpu.memory_space<hbm>> -> memref<1x624x128xf32, #tpu.memory_space<hbm>>
      %dma_wait3A_182 = tpu.memref_squeeze %dma_wait3A_181 : memref<1x624x128xf32, #tpu.memory_space<hbm>> -> memref<624x128xf32, #tpu.memory_space<hbm>>
      %dma_wait3A_183 = arith.constant 0 : i32
      %dma_wait3A_184 = tpu.memref_slice %arg19[%mul3A_7, %dma_wait3A_183] : memref<10000x128xf32, #tpu.memory_space<vmem_shared>> -> memref<624x128xf32, #tpu.memory_space<vmem_shared>>
      tpu.wait_dma2 semaphore(%run_scoped3A : memref<!tpu.dma_semaphore, #tpu.memory_space<semaphore_mem>>) src(%dma_wait3A_184 : memref<624x128xf32, #tpu.memory_space<vmem_shared>>) dst(%dma_wait3A_182 : memref<624x128xf32, #tpu.memory_space<hbm>>)
      tpu.yield
    }) : () -> ()
    %eq3A_170 = arith.constant 15 : i32
    %eq3A_171 = arith.cmpi eq, %arg1, %eq3A_170 : i32
    %convert_element_type3A_172 = arith.extui %eq3A_171 : i1 to i32
    %cond3A_173 = arith.constant 0 : i32
    %cond3A_174 = arith.cmpi ne, %convert_element_type3A_172, %cond3A_173 : i32
    scf.if %cond3A_174 {
      "tpu.region"() ({
        %run_scoped3A = tpu.sem_alloc : memref<!tpu.dma_semaphore, #tpu.memory_space<semaphore_mem>>
        %dma_start3A_175 = arith.constant 9984 : i32
        %dma_start3A_176 = arith.constant 0 : i32
        %dma_start3A_177 = tpu.memref_slice %arg7[%arg0, %dma_start3A_175, %dma_start3A_176] : memref<2x10000x128xf32, #tpu.memory_space<hbm>> -> memref<1x16x128xf32, #tpu.memory_space<hbm>>
        %dma_start3A_178 = tpu.memref_squeeze %dma_start3A_177 : memref<1x16x128xf32, #tpu.memory_space<hbm>> -> memref<16x128xf32, #tpu.memory_space<hbm>>
        %dma_start3A_179 = arith.constant 9984 : i32
        %dma_start3A_180 = arith.constant 0 : i32
        %dma_start3A_181 = tpu.memref_slice %arg19[%dma_start3A_179, %dma_start3A_180] : memref<10000x128xf32, #tpu.memory_space<vmem_shared>> -> memref<16x128xf32, #tpu.memory_space<vmem_shared>>
        tpu.enqueue_dma source(%dma_start3A_181 : memref<16x128xf32, #tpu.memory_space<vmem_shared>>) target(%dma_start3A_178 : memref<16x128xf32, #tpu.memory_space<hbm>>) target_semaphore(%run_scoped3A : memref<!tpu.dma_semaphore, #tpu.memory_space<semaphore_mem>>)
        %dma_wait3A_182 = arith.constant 9984 : i32
        %dma_wait3A_183 = arith.constant 0 : i32
        %dma_wait3A_184 = tpu.memref_slice %arg7[%arg0, %dma_wait3A_182, %dma_wait3A_183] : memref<2x10000x128xf32, #tpu.memory_space<hbm>> -> memref<1x16x128xf32, #tpu.memory_space<hbm>>
        %dma_wait3A_185 = tpu.memref_squeeze %dma_wait3A_184 : memref<1x16x128xf32, #tpu.memory_space<hbm>> -> memref<16x128xf32, #tpu.memory_space<hbm>>
        %dma_wait3A_186 = arith.constant 9984 : i32
        %dma_wait3A_187 = arith.constant 0 : i32
        %dma_wait3A_188 = tpu.memref_slice %arg19[%dma_wait3A_186, %dma_wait3A_187] : memref<10000x128xf32, #tpu.memory_space<vmem_shared>> -> memref<16x128xf32, #tpu.memory_space<vmem_shared>>
        tpu.wait_dma2 semaphore(%run_scoped3A : memref<!tpu.dma_semaphore, #tpu.memory_space<semaphore_mem>>) src(%dma_wait3A_188 : memref<16x128xf32, #tpu.memory_space<vmem_shared>>) dst(%dma_wait3A_185 : memref<16x128xf32, #tpu.memory_space<hbm>>)
        tpu.yield
      }) : () -> ()
    } else {
    }
    return
  }
}

module attributes {stable_mosaic.version = 14 : i64} {
  func.func @_wmul_body(%arg0: i32, %arg1: memref<8000x16xbf16, #tpu.memory_space<vmem>>, %arg2: memref<16x64xbf16, #tpu.memory_space<vmem>>, %arg3: memref<16x64xbf16, #tpu.memory_space<vmem>>, %arg4: memref<8000x64xi32, #tpu.memory_space<vmem>>) attributes {dimension_semantics = [#tpu.dimension_semantics<arbitrary>], iteration_bounds = array<i64: 40>, scalar_prefetch = 0 : i64, scratch_operands = 0 : i64, tpu.core_type = #tpu.core_type<tc>, window_params = [{transform_indices = @transform_0, window_bounds = array<i64: 8000, 16>}, {pipeline_mode = #tpu.pipeline_mode<synchronous>, transform_indices = @transform_1, window_bounds = array<i64: 16, 64>}, {pipeline_mode = #tpu.pipeline_mode<synchronous>, transform_indices = @transform_2, window_bounds = array<i64: 16, 64>}, {transform_indices = @transform_3, window_bounds = array<i64: 8000, 64>}]} {
    %get3A = arith.constant 0 : index
    %get3A_0 = arith.constant 0 : index
    %get3A_1 = vector.load %arg1[%get3A, %get3A_0] : memref<8000x16xbf16, #tpu.memory_space<vmem>>, vector<8000x16xbf16>
    %get3A_2 = arith.constant 0 : index
    %get3A_3 = arith.constant 0 : index
    %get3A_4 = vector.load %arg2[%get3A_2, %get3A_3] : memref<16x64xbf16, #tpu.memory_space<vmem>>, vector<16x64xbf16>
    %dot_general3A = arith.constant dense<0.000000e+00> : vector<8000x64xf32>
    %dot_general3A_5 = tpu.matmul %get3A_1, %get3A_4, %dot_general3A {dimension_numbers = #tpu.dot_dimension_numbers<[1], [0], [0], [1], [0, 0, 1, 1], [], []>, transpose_lhs_hint = false} : vector<8000x16xbf16>, vector<16x64xbf16>, vector<8000x64xf32> -> vector<8000x64xf32>
    %get3A_6 = arith.constant 0 : index
    %get3A_7 = arith.constant 0 : index
    %get3A_8 = vector.load %arg3[%get3A_6, %get3A_7] : memref<16x64xbf16, #tpu.memory_space<vmem>>, vector<16x64xbf16>
    %dot_general3A_9 = arith.constant dense<0.000000e+00> : vector<8000x64xf32>
    %dot_general3A_10 = tpu.matmul %get3A_1, %get3A_8, %dot_general3A_9 {dimension_numbers = #tpu.dot_dimension_numbers<[1], [0], [0], [1], [0, 0, 1, 1], [], []>, transpose_lhs_hint = false} : vector<8000x16xbf16>, vector<16x64xbf16>, vector<8000x64xf32> -> vector<8000x64xf32>
    %bitcast_convert_type3A = tpu.bitcast %dot_general3A_5 : vector<8000x64xf32> -> vector<8000x64xi32>
    %add3A = arith.constant 32768 : i32
    %add3A_11 = vector.broadcast %add3A : i32 to vector<8000x64xi32>
    %add3A_12 = arith.addi %bitcast_convert_type3A, %add3A_11 : vector<8000x64xi32>
    %shift_right_arithmetic3A = arith.constant 16 : i32
    %shift_right_arithmetic3A_13 = vector.broadcast %shift_right_arithmetic3A : i32 to vector<8000x64xi32>
    %shift_right_arithmetic3A_14 = arith.shrsi %add3A_12, %shift_right_arithmetic3A_13 : vector<8000x64xi32>
    %bitcast_convert_type3A_15 = tpu.bitcast %dot_general3A_10 : vector<8000x64xf32> -> vector<8000x64xi32>
    %add3A_16 = arith.constant 32768 : i32
    %add3A_17 = vector.broadcast %add3A_16 : i32 to vector<8000x64xi32>
    %add3A_18 = arith.addi %bitcast_convert_type3A_15, %add3A_17 : vector<8000x64xi32>
    %and3A = arith.constant -65536 : i32
    %and3A_19 = vector.broadcast %and3A : i32 to vector<8000x64xi32>
    %and3A_20 = arith.andi %add3A_18, %and3A_19 : vector<8000x64xi32>
    %and3A_21 = arith.constant 65535 : i32
    %and3A_22 = vector.broadcast %and3A_21 : i32 to vector<8000x64xi32>
    %and3A_23 = arith.andi %shift_right_arithmetic3A_14, %and3A_22 : vector<8000x64xi32>
    %or3A = arith.ori %and3A_20, %and3A_23 : vector<8000x64xi32>
    %swap3A = arith.constant 0 : index
    %swap3A_24 = arith.constant 0 : index
    %swap3A_25 = vector.load %arg4[%swap3A, %swap3A_24] : memref<8000x64xi32, #tpu.memory_space<vmem>>, vector<8000x64xi32>
    tpu.vector_store %arg4[%swap3A, %swap3A_24], %or3A {strides = array<i32>} : memref<8000x64xi32, #tpu.memory_space<vmem>>, vector<8000x64xi32>,
    return
  }
  func.func @transform_0(%arg0: i32) -> (i32, i32) {
    %c0_i32 = arith.constant 0 : i32
    %c0_i32_0 = arith.constant 0 : i32
    return %arg0, %c0_i32 : i32, i32
  }
  func.func @transform_1(%arg0: i32) -> (i32, i32) {
    %c0_i32 = arith.constant 0 : i32
    %c0_i32_0 = arith.constant 0 : i32
    %c0_i32_1 = arith.constant 0 : i32
    return %c0_i32, %c0_i32_0 : i32, i32
  }
  func.func @transform_2(%arg0: i32) -> (i32, i32) {
    %c0_i32 = arith.constant 0 : i32
    %c0_i32_0 = arith.constant 0 : i32
    %c0_i32_1 = arith.constant 0 : i32
    return %c0_i32, %c0_i32_0 : i32, i32
  }
  func.func @transform_3(%arg0: i32) -> (i32, i32) {
    %c0_i32 = arith.constant 0 : i32
    %c0_i32_0 = arith.constant 0 : i32
    return %arg0, %c0_i32 : i32, i32
  }
}

module attributes {stable_mosaic.version = 14 : i64} {
  func.func @_epi_body(%arg0: i32, %arg1: memref<1000x128xf32, #tpu.memory_space<vmem>>, %arg2: memref<2x1000x128xf32, #tpu.memory_space<vmem>>, %arg3: memref<1000x1xf32, #tpu.memory_space<vmem>>, %arg4: memref<128x128xf32, #tpu.memory_space<vmem>>, %arg5: memref<1x128xf32, #tpu.memory_space<vmem>>, %arg6: memref<128x128xf32, #tpu.memory_space<vmem>>, %arg7: memref<1x128xf32, #tpu.memory_space<vmem>>, %arg8: memref<1000x128xf32, #tpu.memory_space<vmem>>) attributes {dimension_semantics = [#tpu.dimension_semantics<arbitrary>], iteration_bounds = array<i64: 10>, scalar_prefetch = 0 : i64, scratch_operands = 0 : i64, tpu.core_type = #tpu.core_type<tc>, window_params = [{transform_indices = @transform_0, window_bounds = array<i64: 1000, 128>}, {transform_indices = @transform_1, window_bounds = array<i64: 2, 1000, 128>}, {transform_indices = @transform_2, window_bounds = array<i64: 1000, 1>}, {pipeline_mode = #tpu.pipeline_mode<synchronous>, transform_indices = @transform_3, window_bounds = array<i64: 128, 128>}, {pipeline_mode = #tpu.pipeline_mode<synchronous>, transform_indices = @transform_4, window_bounds = array<i64: 1, 128>}, {pipeline_mode = #tpu.pipeline_mode<synchronous>, transform_indices = @transform_5, window_bounds = array<i64: 128, 128>}, {pipeline_mode = #tpu.pipeline_mode<synchronous>, transform_indices = @transform_6, window_bounds = array<i64: 1, 128>}, {transform_indices = @transform_7, window_bounds = array<i64: 1000, 128>}]} {
    %get3A = arith.constant 0 : index
    %get3A_0 = arith.constant 0 : index
    %get3A_1 = vector.load %arg1[%get3A, %get3A_0] : memref<1000x128xf32, #tpu.memory_space<vmem>>, vector<1000x128xf32>
    %get3A_2 = arith.constant 0 : index
    %get3A_3 = arith.constant 0 : index
    %get3A_4 = vector.load %arg4[%get3A_2, %get3A_3] : memref<128x128xf32, #tpu.memory_space<vmem>>, vector<128x128xf32>
    %dot_general3A = arith.constant dense<0.000000e+00> : vector<1000x128xf32>
    %dot_general3A_5 = tpu.matmul %get3A_1, %get3A_4, %dot_general3A {dimension_numbers = #tpu.dot_dimension_numbers<[1], [0], [0], [1], [0, 0, 1, 1], [], []>, transpose_lhs_hint = false} : vector<1000x128xf32>, vector<128x128xf32>, vector<1000x128xf32> -> vector<1000x128xf32>
    %get3A_6 = arith.constant 0 : index
    %get3A_7 = arith.constant 0 : index
    %get3A_8 = vector.load %arg5[%get3A_6, %get3A_7] : memref<1x128xf32, #tpu.memory_space<vmem>>, vector<1x128xf32>
    %add3A = vector.broadcast %get3A_8 : vector<1x128xf32> to vector<1000x128xf32>
    %add3A_9 = arith.addf %dot_general3A_5, %add3A : vector<1000x128xf32>
    %get3A_10 = arith.constant 0 : index
    %get3A_11 = arith.constant 0 : index
    %get3A_12 = arith.constant 0 : index
    %get3A_13 = vector.load %arg2[%get3A_10, %get3A_11, %get3A_12] : memref<2x1000x128xf32, #tpu.memory_space<vmem>>, vector<1x1000x128xf32>
    %get3A_14 = vector.shape_cast %get3A_13 : vector<1x1000x128xf32> to vector<1000x128xf32>
    %get3A_15 = arith.constant 1 : index
    %get3A_16 = arith.constant 0 : index
    %get3A_17 = arith.constant 0 : index
    %get3A_18 = vector.load %arg2[%get3A_15, %get3A_16, %get3A_17] : memref<2x1000x128xf32, #tpu.memory_space<vmem>>, vector<1x1000x128xf32>
    %get3A_19 = vector.shape_cast %get3A_18 : vector<1x1000x128xf32> to vector<1000x128xf32>
    %add3A_20 = arith.addf %get3A_14, %get3A_19 : vector<1000x128xf32>
    %get3A_21 = arith.constant 0 : index
    %get3A_22 = arith.constant 0 : index
    %get3A_23 = vector.load %arg3[%get3A_21, %get3A_22] : memref<1000x1xf32, #tpu.memory_space<vmem>>, vector<1000x1xf32>
    %mul3A = vector.broadcast %get3A_23 : vector<1000x1xf32> to vector<1000x128xf32>
    %mul3A_24 = arith.mulf %add3A_20, %mul3A : vector<1000x128xf32>
    %add3A_25 = arith.addf %add3A_9, %mul3A_24 : vector<1000x128xf32>
    %logistic3A = arith.negf %add3A_25 : vector<1000x128xf32>
    %logistic3A_26 = math.exp %logistic3A : vector<1000x128xf32>
    %logistic3A_27 = arith.constant 1.000000e+00 : f32
    %logistic3A_28 = vector.broadcast %logistic3A_27 : f32 to vector<1000x128xf32>
    %logistic3A_29 = arith.addf %logistic3A_28, %logistic3A_26 : vector<1000x128xf32>
    %logistic3A_30 = arith.divf %logistic3A_28, %logistic3A_29 : vector<1000x128xf32>
    %mul3A_31 = arith.mulf %add3A_25, %logistic3A_30 : vector<1000x128xf32>
    %mul3A_32 = arith.constant 1.786800e+00 : f32
    %mul3A_33 = vector.broadcast %mul3A_32 : f32 to vector<1000x128xf32>
    %mul3A_34 = arith.mulf %mul3A_31, %mul3A_33 : vector<1000x128xf32>
    %get3A_35 = arith.constant 0 : index
    %get3A_36 = arith.constant 0 : index
    %get3A_37 = vector.load %arg6[%get3A_35, %get3A_36] : memref<128x128xf32, #tpu.memory_space<vmem>>, vector<128x128xf32>
    %dot_general3A_38 = arith.constant dense<0.000000e+00> : vector<1000x128xf32>
    %dot_general3A_39 = tpu.matmul %mul3A_34, %get3A_37, %dot_general3A_38 {dimension_numbers = #tpu.dot_dimension_numbers<[1], [0], [0], [1], [0, 0, 1, 1], [], []>, transpose_lhs_hint = false} : vector<1000x128xf32>, vector<128x128xf32>, vector<1000x128xf32> -> vector<1000x128xf32>
    %get3A_40 = arith.constant 0 : index
    %get3A_41 = arith.constant 0 : index
    %get3A_42 = vector.load %arg7[%get3A_40, %get3A_41] : memref<1x128xf32, #tpu.memory_space<vmem>>, vector<1x128xf32>
    %add3A_43 = vector.broadcast %get3A_42 : vector<1x128xf32> to vector<1000x128xf32>
    %add3A_44 = arith.addf %dot_general3A_39, %add3A_43 : vector<1000x128xf32>
    %logistic3A_45 = arith.negf %add3A_44 : vector<1000x128xf32>
    %logistic3A_46 = math.exp %logistic3A_45 : vector<1000x128xf32>
    %logistic3A_47 = arith.constant 1.000000e+00 : f32
    %logistic3A_48 = vector.broadcast %logistic3A_47 : f32 to vector<1000x128xf32>
    %logistic3A_49 = arith.addf %logistic3A_48, %logistic3A_46 : vector<1000x128xf32>
    %logistic3A_50 = arith.divf %logistic3A_48, %logistic3A_49 : vector<1000x128xf32>
    %mul3A_51 = arith.mulf %add3A_44, %logistic3A_50 : vector<1000x128xf32>
    %mul3A_52 = arith.constant 1.786800e+00 : f32
    %mul3A_53 = vector.broadcast %mul3A_52 : f32 to vector<1000x128xf32>
    %mul3A_54 = arith.mulf %mul3A_51, %mul3A_53 : vector<1000x128xf32>
    %add3A_55 = arith.addf %get3A_1, %mul3A_54 : vector<1000x128xf32>
    %mul3A_56 = arith.constant 0.707106769 : f32
    %mul3A_57 = vector.broadcast %mul3A_56 : f32 to vector<1000x128xf32>
    %mul3A_58 = arith.mulf %add3A_55, %mul3A_57 : vector<1000x128xf32>
    %swap3A = arith.constant 0 : index
    %swap3A_59 = arith.constant 0 : index
    %swap3A_60 = vector.load %arg8[%swap3A, %swap3A_59] : memref<1000x128xf32, #tpu.memory_space<vmem>>, vector<1000x128xf32>
    tpu.vector_store %arg8[%swap3A, %swap3A_59], %mul3A_58 {strides = array<i32>} : memref<1000x128xf32, #tpu.memory_space<vmem>>, vector<1000x128xf32>,
    return
  }
  func.func @transform_0(%arg0: i32) -> (i32, i32) {
    %c0_i32 = arith.constant 0 : i32
    %c0_i32_0 = arith.constant 0 : i32
    return %arg0, %c0_i32 : i32, i32
  }
  func.func @transform_1(%arg0: i32) -> (i32, i32, i32) {
    %c0_i32 = arith.constant 0 : i32
    %c0_i32_0 = arith.constant 0 : i32
    %c0_i32_1 = arith.constant 0 : i32
    return %c0_i32, %arg0, %c0_i32_0 : i32, i32, i32
  }
  func.func @transform_2(%arg0: i32) -> (i32, i32) {
    %c0_i32 = arith.constant 0 : i32
    %c0_i32_0 = arith.constant 0 : i32
    return %arg0, %c0_i32 : i32, i32
  }
  func.func @transform_3(%arg0: i32) -> (i32, i32) {
    %c0_i32 = arith.constant 0 : i32
    %c0_i32_0 = arith.constant 0 : i32
    %c0_i32_1 = arith.constant 0 : i32
    return %c0_i32, %c0_i32_0 : i32, i32
  }
  func.func @transform_4(%arg0: i32) -> (i32, i32) {
    %c0_i32 = arith.constant 0 : i32
    %c0_i32_0 = arith.constant 0 : i32
    %c0_i32_1 = arith.constant 0 : i32
    return %c0_i32, %c0_i32_0 : i32, i32
  }
  func.func @transform_5(%arg0: i32) -> (i32, i32) {
    %c0_i32 = arith.constant 0 : i32
    %c0_i32_0 = arith.constant 0 : i32
    %c0_i32_1 = arith.constant 0 : i32
    return %c0_i32, %c0_i32_0 : i32, i32
  }
  func.func @transform_6(%arg0: i32) -> (i32, i32) {
    %c0_i32 = arith.constant 0 : i32
    %c0_i32_0 = arith.constant 0 : i32
    %c0_i32_1 = arith.constant 0 : i32
    return %c0_i32, %c0_i32_0 : i32, i32
  }
  func.func @transform_7(%arg0: i32) -> (i32, i32) {
    %c0_i32 = arith.constant 0 : i32
    %c0_i32_0 = arith.constant 0 : i32
    return %arg0, %c0_i32 : i32, i32
  }
}

</mosaic_0001>

<sc_bundles>
// kernel: kernel.5.cloned.1.call-start
scs
__scs_entry_jumppad:
0x0: {  	(pc) =	sbr.rel $0x88, $3  }
0x1: {  	(tag) =	ssettag $0x0;
	lr =	simm.s32 $0x1  }
0x2: {  	[smem:$0x3F91] =	sst lr;
	_ =	strace $0xD0000000  }
0x3: {  	_ = 	snop  }
0x4: {  	_ = 	snop  }
0x5: {  	_ = 	snop  }
0x6: {  	_ = 	snop  }
0x7: {  	_ = 	snop  }
__scs_overlays_trampoline_lowered:
0x8: {  	[smem:$0x3FA0] =	sst s0  }
0x9: {  	[smem:$0x3FA1] =	sst s1  }
0xa: {  	[smem:$0x3FA2] =	sst s2  }
0xb: {  	[smem:$0x3FA3] =	sst s3  }
0xc: {  	[smem:$0x3FA4] =	sst s4  }
0xd: {  	[smem:$0x3FA5] =	sst s5  }
0xe: {  	[smem:$0x3FA6] =	sst s6  }
0xf: {  	[smem:$0x3FA7] =	sst s7  }
0x10: {  	[smem:$0x3FA8] =	sst s8  }
0x11: {  	[smem:$0x3FA9] =	sst s9;
	s0 =	simm.s32 @!p0 $0x0  }
0x12: {  	s1 =	sld [smem:$0x3F8F];
	s0 =	simm.s32 @p0 $0x1  }
0x13: {  	[smem:$0x3FAA] =	sst s0;
	s0 =	simm.s32 @!p1 $0x0  }
0x14: {  	s2 =	sld [smem:$0x3F8E];
	s0 =	simm.s32 @p1 $0x1  }
0x15: {  	[smem:$0x3FAB] =	sst s0;
	s0 =	simm.s32 @!p2 $0x0  }
0x16: {  	s3 =	sld [smem:$0x3FDB];
	s0 =	simm.s32 @p2 $0x1  }
0x17: {  	s4 =	simm.s32 $0x1BF5;
	[smem:$0x3FAD] =	sst s0  }
0x18: {  	s0 =	sld [smem:$0x3F90];
	_ =	swait.ge [sflag:s4], $0x0  }
0x19: {  	s7 =	sld [smem:$0x3F91]  }
0x1a: {  	s8 =	sadd.s32 $0xFFFFE003, lr  }
0x1b: {  	s9 =	sadd.s32 $0xFFFFFEF7, lr;
	s5 =	simm.s32 $0xFFFFFFFF;
	p2 =	slt.u32 s8, $0xFFFFF086  }
0x1c: {  	p1 =	slt.u32 s9, $0xF7A;
	s5 =	simm.s32 @!p2 $0x0  }
0x1d: {  	s5 =	simm.s32 @p1 $0x1;
	p0 =	seq.s32 s7, s2  }
0x1e: {  	s7 =	smul.u32 @!p0 $0xF7A, s2;
	p2 =	seq.s32 @!p0 s5, $0x0  }
0x1f: {  	s9 =	smul.u32 $0xF7A, s1;
	s8 =	simm.s32 @!p0 $0x1BF5;
	p2 =	por !p2, p0  }
0x20: {  	[sflag:s8] =	ssyncset.s32 @!p0 $0xFFFFF086;
	s6 =	sadd.s32 @!p0 s3, s7;
	s7 =	simm.s32 @!p0 $0x108  }
0x21: {  	s3 =	sadd.s32 s3, s9;
	s6 =	sadd.s32 @!p0 $0x88, s6;
	s7 =	simm.s32 @p2 $0x1082  }
0x22: {  	[simem:s7], [sflag:s8] =	dma.local @!p0 [hbm:s6], $0xF7A  }
0x23: {  	s9 =	sor.u32 $0xD0000000, s2;
	s6 =	simm.s32 $0x108;
	_ =	swait.ge @!p0 [sflag:s8], $0x0  }
0x24: {  	s3 =	sadd.s32 $0x88, s3;
	s6 =	simm.s32 @!p1 $0x1082;
	[sflag:s4] =	ssyncset.s32 $0xFFFFF086  }
0x25: {  	[simem:s6], [sflag:s4] =	dma.local [hbm:s3], $0xF7A  }
0x26: {  	[smem:$0x3F91] =	sst s1;
	(tag) =	ssettag s2;
	_ =	strace s9  }
0x27: {  	s1 =	sld [smem:$0x3FA1]  }
0x28: {  	s2 =	sld [smem:$0x3FA2]  }
0x29: {  	s4 =	sld [smem:$0x3FA4]  }
0x2a: {  	p0 =	seq.s32 s5, $0x0;
	s5 =	sld [smem:$0x3FA5]  }
0x2b: {  	s6 =	sld [smem:$0x3FA6]  }
0x2c: {  	s7 =	sld [smem:$0x3FA7]  }
0x2d: {  	s3 =	simm.s32 $0x108;
	s8 =	sld [smem:$0x3FA8]  }
0x2e: {  	s3 =	simm.s32 @!p0 $0x1082;
	s9 =	sld [smem:$0x3FA9]  }
0x2f: {  	lr =	sadd.s32 s0, s3;
	s0 =	sld [smem:$0x3FA0]  }
0x30: {  	s3 =	sld [smem:$0x3FA3]  }
0x31: {  	[smem:$0x3FAC] =	sst s10  }
0x32: {  	s10 =	sld [smem:$0x3FAA];
	_ =	sdelay $0x3  }
0x33: {  	p0 =	seq.s32 s10, $0x1;
	s10 =	sld [smem:$0x3FAC];
	_ =	sdelay $0x3  }
0x34: {  	[smem:$0x3FAC] =	sst s10  }
0x35: {  	s10 =	sld [smem:$0x3FAB];
	_ =	sdelay $0x3  }
0x36: {  	p1 =	seq.s32 s10, $0x1;
	s10 =	sld [smem:$0x3FAC];
	_ =	sdelay $0x3  }
0x37: {  	[smem:$0x3FAC] =	sst s10  }
0x38: {  	s10 =	sld [smem:$0x3FAD]  }
0x39: {  	_ = 	snop;
	(pc) =	sbr.ind lr, $3  }
0x3a: {  	_ = 	snop  }
0x3b: {  	_ = 	snop  }
0x3c: {  	p2 =	seq.s32 s10, $0x1;
	s10 =	sld [smem:$0x3FAC]  }
0x3d: {  	_ =	shalt  }
0x3e: {  	_ =	shalt  }
0x3f: {  	_ =	shalt  }
0x40: {  	_ =	shalt  }
0x41: {  	_ =	shalt  }
0x42: {  	_ =	shalt  }
0x43: {  	_ =	shalt  }
0x44: {  	_ =	shalt  }
0x45: {  	_ =	shalt  }
0x46: {  	_ =	shalt  }
0x47: {  	_ =	shalt  }
0x48: {  	_ =	shalt  }
0x49: {  	_ =	shalt  }
0x4a: {  	_ =	shalt  }
0x4b: {  	_ =	shalt  }
0x4c: {  	_ =	shalt  }
0x4d: {  	_ =	shalt  }
0x4e: {  	_ =	shalt  }
0x4f: {  	_ =	shalt  }
0x50: {  	_ =	shalt  }
0x51: {  	_ =	shalt  }
0x52: {  	_ =	shalt  }
0x53: {  	_ =	shalt  }
0x54: {  	_ =	shalt  }
0x55: {  	_ =	shalt  }
0x56: {  	_ =	shalt  }
0x57: {  	_ =	shalt  }
0x58: {  	_ =	shalt  }
0x59: {  	_ =	shalt  }
0x5a: {  	_ =	shalt  }
0x5b: {  	_ =	shalt  }
0x5c: {  	_ =	shalt  }
0x5d: {  	_ =	shalt  }
0x5e: {  	_ =	shalt  }
0x5f: {  	_ =	shalt  }
0x60: {  	_ =	shalt  }
0x61: {  	_ =	shalt  }
0x62: {  	_ =	shalt  }
0x63: {  	_ =	shalt  }
0x64: {  	_ =	shalt  }
0x65: {  	_ =	shalt  }
0x66: {  	_ =	shalt  }
0x67: {  	_ =	shalt  }
0x68: {  	_ =	shalt  }
0x69: {  	_ =	shalt  }
0x6a: {  	_ =	shalt  }
0x6b: {  	_ =	shalt  }
0x6c: {  	_ =	shalt  }
0x6d: {  	_ =	shalt  }
0x6e: {  	_ =	shalt  }
0x6f: {  	_ =	shalt  }
0x70: {  	_ =	shalt  }
0x71: {  	_ =	shalt  }
0x72: {  	_ =	shalt  }
0x73: {  	_ =	shalt  }
0x74: {  	_ =	shalt  }
0x75: {  	_ =	shalt  }
0x76: {  	_ =	shalt  }
0x77: {  	_ =	shalt  }
0x78: {  	_ =	shalt  }
0x79: {  	_ =	shalt  }
0x7a: {  	_ =	shalt  }
0x7b: {  	_ =	shalt  }
0x7c: {  	_ =	shalt  }
0x7d: {  	_ =	shalt  }
0x7e: {  	_ =	shalt  }
0x7f: {  	_ =	shalt  }
0x80: {  	_ =	shalt  }
0x81: {  	_ =	shalt  }
0x82: {  	_ =	shalt  }
0x83: {  	_ =	shalt  }
0x84: {  	_ =	shalt  }
0x85: {  	_ =	shalt  }
0x86: {  	_ =	shalt  }
0x87: {  	_ =	shalt  }
.Lfunc_end0:
.L_simem_size_0:
called_computation_lowered:
.L_overlay_start_0:
0x88: {  	s2 =	sld [smem:$0x3FD9]  }
0x89: {  	s3 =	sld [smem:$0x3FFE];
	_ =	sdelay $0x1  }
0x8a: {  	s1 =	srdreg.scid  }
0x8b: {  	s0 =	sand.u32 $0x1, s1  }
0x8c: {  	s17 =	sshll.u32 s0, $0xA;
	s2 =	sadd.s32 s3, s2  }
0x8d: {  	s2 =	sadd.s32 s2, s17  }
0x8e: {  	[smem:$0x3FB8] =	sst s2  }
0x8f: {  	_ = 	snop  }
0x90: {  	s2 =	sld [smem:$0x3FC3]  }
0x91: {  	s18 =	sld [smem:$0x3FC2]  }
0x92: {  	s4 =	sld [smem:$0x3FD0];
	(tm) =	ssettm $0x1  }
0x93: {  	s5 =	sld [smem:$0x3FFB];
	_ =	sdelay $0x3  }
0x94: {  	_ =	strace s5  }
0x95: {  	s5 =	sld [smem:$0x3FFC];
	_ =	sdelay $0x3  }
0x96: {  	_ =	strace s5  }
0x97: {  	s5 =	sld [smem:$0x3FFD];
	_ =	sdelay $0x3  }
0x98: {  	_ =	strace s5  }
0x99: {  	_ =	strace $0x8FFFFFFF  }
0x9a: {  	s19 =	sld [smem:$0x3FDB];
	_ =	sdelay $0x1  }
0x9b: {  	s6 =	simm.s32 $_scs_section_size  }
0x9c: {  	s7 =	simm.s32 $_size__tile_overlayer_lowered;
	s8 =	simm.s32 $_tile_overlayer_lowered  }
0x9d: {  	s22 =	simm.s32 $0x1BFF;
	s21 =	sshll.u32 s8, $0x1;
	s5 =	sadd.s32 s6, s19  }
0x9e: {  	s9 =	simm.s32 $0x0;
	s20 =	sshll.u32 s7, $0x1;
	s7 =	sadd.s32 s21, s5  }
0x9f: {  	[timem:s9], [sflag:s22] =	dma.local [hbm:s7], s20  }
0xa0: {  	_ =	swait.ge [sflag:s22], s20  }
0xa1: {  	s6 =	ssub.s32 $0x0, s20;
	[sflag:s22] =	ssyncset.done $0x0  }
0xa2: {  	[sflag:s22] =	ssyncadd.s32 s6;
	_ =	sdelay $0x1  }
0xa3: {  	s23 =	simm.s32 $0x1B8B  }
0xa4: {  	_ =	swait.ge [sflag:s23], $0x1  }
0xa5: {  	[sflag:s23] =	ssyncset.done $0x0  }
0xa6: {  	s25 =	simm.s32 $0x1B8E;
	s24 =	sld [smem:$0x3FFE];
	[sflag:s23] =	ssyncadd.s32 $0xFFFFFFFF  }
0xa7: {  	s26 =	simm.s32 $execute0_lowered;
	[smem:$0x3FD2] =	sst s25  }
0xa8: {  	s7 =	sshll.u32 s26, $0x1;
	_ =	strace $0x80000046;
	[dreg:$0x1] =	wrdreg $0xFFFFFFFF  }
0xa9: {  	s28 =	simm.s32 $_size_execute0_lowered;
	s5 =	sadd.s32 s5, s7;
	[dreg:$0x0] =	wrdreg $0x0  }
0xaa: {  	s7 =	sshll.u32 s28, $0x1;
	[dreg:$0x2] =	wrdreg s5  }
0xab: {  	[dreg:$0x3] =	wrdreg s7  }
0xac: {  	[dreg:$0x4] =	wrdreg $0xC0  }
0xad: {  	_ =	task [dreg:s9], $0x5FFFF  }
0xae: {  	[dreg:$0x1] =	wrdreg $0xFFFFFFFF  }
0xaf: {  	[dreg:$0x0] =	wrdreg $0x60  }
0xb0: {  	[dreg:$0x2] =	wrdreg s4  }
0xb1: {  	[dreg:$0x3] =	wrdreg s2  }
0xb2: {  	[dreg:$0x4] =	wrdreg s18  }
0xb3: {  	[dreg:$0x5] =	wrdreg s24  }
0xb4: {  	[dreg:$0x6] =	wrdreg $0xA7000  }
0xb5: {  	[dreg:$0x7] =	wrdreg $0x9  }
0xb6: {  	_ =	task.clear_ibuf [dreg:s9], $0x8FFFF;
	_ =	strace $0x90000046  }
0xb7: {  	s29 =	simm.s32 $0x9;
	_ =	strace $0x80000048  }
0xb8: {  	_ =	swait.ge [sflag:s29], $0x1  }
0xb9: {  	[sflag:s29] =	ssyncadd.s32 $0xFFFFFFFF  }
0xba: {  	_ =	strace $0x90000048  }
0xbb: {  	_ =	sfence  }
0xbc: {  	s30 =	sld [smem:$0x0];
	_ =	sdelay $0x2  }
0xbd: {  	s31 =	sshll.u32 s1, $0xD;
	s1 =	sshrl.u32 s1, $0x2  }
0xbe: {  	s3 =	sand.u32 $0x4000, s31;
	s1 =	sadd.s32 s1, s30  }
0xbf: {  	s0 =	sor.u32 s3, s0;
	s1 =	sshll.u32 s1, $0x11  }
0xc0: {  	s0 =	sor.u32 s1, s0  }
0xc1: {  	s0 =	sadd.s32 $0x8F2B, s0  }
0xc2: {  	[sflag:s0] =	ssyncadd.remote.s32 $0x1  }
0xc3: {  	_ =	sfence.sel $0xFFFF  }
0xc4: {  	[dreg:$0x0] =	wrdreg $0xFFFFFFFF;
	(pc) =	sbr.abs _section_cstart, $3  }
0xc5: {  	[dreg:$0x1] =	wrdreg $0xFFFFFFFF  }
0xc6: {  	_ =	task.clear_ibuf [dreg:s9], $0x2FFFF;
	_ =	strace $0x9FFFFFFF  }
0xc7: {  	(tm) =	ssettm $0x7FFFFFFF  }
tec
execute0_lowered:
.L_overlay_start_1:
0x0: {  	(tag) =	ssettag $0x1  }
0x1: {  	s1 =	rddreg [dreg:$0x0]  }
0x2: {  	s13 =	rddreg [dreg:$0x1]  }
0x3: {  	s14 =	rddreg [dreg:$0x2]  }
0x4: {  	s0 =	rddreg [dreg:$0x3]  }
0x5: {  	s4 =	rddreg [dreg:$0x4]  }
0x6: {  	s6 =	simm.s32 $0x0;
	s2 =	srdreg.scid;
	s15 =	stileid.u32  }
0x7: {  	s28 =	simm.s32 $0x4;
	s29 =	simm.s32 $0x580;
	s30 =	simm.s32 $0x5  }
0x8: {  	s31 =	simm.s32 $0x9;
	[smem:$0x7FF] =	sst s6;
	s7 =	sadd.s32 $0x272600, s0  }
0x9: {  	s2 =	sand.u32 $0x1, s2;
	s5 =	smul.u32 $0x4E000, s15;
	s8 =	sadd.s32 $0x272C00, s0  }
0xa: {  	s0 =	sadd.s32 $0x1600, s0;
	s23 =	smul.u32 $0x13800, s15;
	p0 =	sne.s32 s15, $0xF  }
0xb: {  	_ =	strace $0x80000047;
	s3 =	sshll.u32 s2, $0x4;
	s9 =	ssub.s32 $0x2, s2  }
0xc: {  	s2 =	smul.u32 $0x138800, s2;
	s3 =	sor.u32 s15, s3;
	s5 =	sshrl.u32 s5, $0x2  }
0xd: {  	s11 =	sshrl.u32 s9, $0x1;
	s15 =	simm.s32 $0x5700;
	s10 =	smul.u32 $0x4E2, s3  }
0xe: {  	s16 =	sadd.s32 s5, s4;
	s26 =	smul.u32 $0x27100, s3;
	s9 =	ssub.s32 s9, s11  }
0xf: {  	s18 =	smul.u32 $0x138800, s3;
	s17 =	sadd.s32 $0x2800, s16;
	[dreg:$0x6] =	wrdreg s16  }
0x10: {  	s20 =	smul.u32 $0x7D, s3;
	s12 =	sadd.s32 $0x5000, s16;
	[dreg:$0x7] =	wrdreg s17  }
0x11: {  	s3 =	smul.u32 $0x2710, s3;
	[dreg:$0x8] =	wrdreg s12;
	s19 =	sadd.s32 s13, s10  }
0x12: {  	s10 =	sadd.s32 s14, s10;
	s21 =	sshrl.u32 s18, $0x3;
	[dreg:$0x9] =	wrdreg s19  }
0x13: {  	s5 =	sadd.s32 s8, s26;
	s24 =	sadd.s32 $0x2, s20;
	[dreg:$0xa] =	wrdreg s10  }
0x14: {  	s25 =	sadd.s32 $0x3, s20;
	s18 =	sadd.s32 $0x4, s20;
	[dreg:$0xb] =	wrdreg s5  }
0x15: {  	s26 =	sadd.s32 s23, s2;
	s11 =	sadd.s32 $0x5, s20;
	[dreg:$0xd] =	wrdreg s24  }
0x16: {  	s3 =	sadd.s32 $0x26C0, s3;
	s2 =	sshrl.u32 s2, $0x3;
	[dreg:$0xe] =	wrdreg s25  }
0x17: {  	s23 =	sadd.s32 $0xA000, s16;
	s22 =	sadd.s32 s8, s21;
	[dreg:$0xf] =	wrdreg s11  }
0x18: {  	s12 =	sshrl.u32 s3, $0x3;
	s19 =	sshll.u32 s3, $0x4;
	s21 =	smax.u32 s9, $0x1  }
0x19: {  	[dreg:$0x17] =	wrdreg s23;
	s24 =	sadd.s32 $0xC800, s16;
	s25 =	sadd.s32 $0xF000, s16  }
0x1a: {  	s11 =	simm.s32 $0x50;
	s23 =	simm.s32 $0x1;
	s9 =	simm.s32 $0xA  }
0x1b: {  	s10 =	simm.s32 $0x0;
	s5 =	sadd.s32 $0x500, s22;
	[dreg:$0x15] =	wrdreg s21  }
0x1c: {  	s17 =	sadd.s32 s13, s12;
	s20 =	sadd.s32 s14, s12;
	[dreg:$0x18] =	wrdreg s24  }
0x1d: {  	s22 =	sadd.s32 $0x7800, s16;
	[dreg:$0x19] =	wrdreg s25;
	s13 =	simm.s32 $0x7  }
0x1e: {  	s14 =	simm.s32 $0x600;
	s12 =	simm.s32 $0x680;
	[dreg:$0xc] =	wrdreg s5  }
0x1f: {  	s21 =	simm.s32 $0x2F00;
	s24 =	simm.s32 $0x3;
	[dreg:$0x11] =	wrdreg s17  }
0x20: {  	s25 =	simm.s32 $0x500;
	s5 =	sshrl.u32 s26, $0x3;
	[dreg:$0x12] =	wrdreg s20  }
0x21: {  	[dreg:$0x16] =	wrdreg s22;
	s26 =	sadd.s32 $0x11800, s16;
	s17 =	sadd.s32 $0x138000, s4  }
0x22: {  	s20 =	simm.s32 $0x8;
	s22 =	simm.s32 $0x7F00;
	[dreg:$0x1a] =	wrdreg s26  }
0x23: {  	s5 =	sadd.s32 s0, s5;
	s0 =	sadd.s32 s0, s2;
	[dreg:$0x1b] =	wrdreg s17  }
0x24: {  	s2 =	sadd.s32 s8, s19;
	s19 =	simm.s32 $0xB;
	[dreg:$0x10] =	wrdreg s5  }
0x25: {  	s26 =	simm.s32 $0x2;
	[dreg:$0x13] =	wrdreg s2;
	s0 =	sadd.s32 $0x27000, s0  }
0x26: {  	v0 =	vimm.f32 $0.0e+00;
	s5 =	simm.s32 $0x700;
	[dreg:$0x14] =	wrdreg s0;
	s0 =	simm.s32 $0x6  }
.LBB2_1:
0x27: {  	[dreg:$0x1c] =	wrdreg s10;
	s2 =	simm.s32 $0x0;
	s3 =	simm.s32 $0x200  }
.LBB2_2:
0x28: {  	p1 =	sne.s32 s3, $0x9E00;
	[tilespmem:s2+$0x770] =	vst v0  }
0x29: {  	[tilespmem:s2+$0x700] =	vst v0  }
0x2a: {  	[tilespmem:s2+$0x710] =	vst v0  }
.Ltmp0:
0x2b: {  	[tilespmem:s2+$0x720] =	vst v0;
	(pc) =	sbr.rel @p1 .LBB2_2-.Ltmp0, $4  }
0x2c: {  	[tilespmem:s2+$0x730] =	vst v0  }
0x2d: {  	[tilespmem:s2+$0x740] =	vst v0  }
0x2e: {  	[tilespmem:s2+$0x750] =	vst v0  }
0x2f: {  	[tilespmem:s2+$0x760] =	vst v0;
	s2 =	sshra.s32 s3, $0x2;
	s3 =	sadd.s32 $0x200, s3  }
0x30: {  	[tilespmem:s2+$0x770] =	vst v0  }
0x31: {  	[tilespmem:s2+$0x700] =	vst v0  }
0x32: {  	[tilespmem:s2+$0x710] =	vst v0  }
0x33: {  	[tilespmem:s2+$0x720] =	vst v0  }
0x34: {  	[tilespmem:s2+$0x730] =	vst v0  }
0x35: {  	[tilespmem:s2+$0x740] =	vst v0  }
0x36: {  	[tilespmem:s2+$0x750] =	vst v0  }
0x37: {  	[tilespmem:s2+$0x760] =	vst v0  }
0x38: {  	[spmem:s16] =	stream.linear.scatter [tilespmem:s5], [sflag:$0xB], $0x2800, $0x38;
	[tilespmem:$0x1DF80] =	vst v63  }
0x39: {  	_ =	swait.ge [sflag:s19], $0x2800  }
0x3a: {  	[sflag:s19] =	ssyncset.done $0x0  }
0x3b: {  	s16 =	rddreg [dreg:$0x7];
	[sflag:s19] =	ssyncadd.s32 $0xFFFFD800  }
0x3c: {  	[spmem:s16] =	stream.linear.scatter [tilespmem:s5], [sflag:$0xB], $0x2800, $0x38;
	[tilespmem:$0x1DF80] =	vst v63  }
0x3d: {  	_ =	swait.ge [sflag:s19], $0x2800  }
0x3e: {  	[sflag:s19] =	ssyncset.done $0x0  }
0x3f: {  	s3 =	rddreg [dreg:$0x8];
	[sflag:s19] =	ssyncadd.s32 $0xFFFFD800  }
0x40: {  	[spmem:s3] =	stream.linear.scatter [tilespmem:s5], [sflag:$0xB], $0x2800, $0x38;
	[tilespmem:$0x1DF80] =	vst v63  }
0x41: {  	_ =	swait.ge [sflag:s19], $0x2800  }
0x42: {  	[sflag:s19] =	ssyncset.done $0x0  }
0x43: {  	s10 =	rddreg [dreg:$0x16];
	[sflag:s19] =	ssyncadd.s32 $0xFFFFD800  }
0x44: {  	[spmem:s10] =	stream.linear.scatter [tilespmem:s5], [sflag:$0xB], $0x2800, $0x38;
	[tilespmem:$0x1DF80] =	vst v63  }
0x45: {  	_ =	swait.ge [sflag:s19], $0x2800  }
0x46: {  	[sflag:s19] =	ssyncset.done $0x0  }
0x47: {  	s16 =	rddreg [dreg:$0x17];
	[sflag:s19] =	ssyncadd.s32 $0xFFFFD800  }
0x48: {  	[spmem:s16] =	stream.linear.scatter [tilespmem:s5], [sflag:$0xB], $0x2800, $0x38;
	[tilespmem:$0x1DF80] =	vst v63  }
0x49: {  	_ =	swait.ge [sflag:s19], $0x2800  }
0x4a: {  	[sflag:s19] =	ssyncset.done $0x0  }
0x4b: {  	s3 =	rddreg [dreg:$0x18];
	[sflag:s19] =	ssyncadd.s32 $0xFFFFD800  }
0x4c: {  	[spmem:s3] =	stream.linear.scatter [tilespmem:s5], [sflag:$0xB], $0x2800, $0x38;
	[tilespmem:$0x1DF80] =	vst v63  }
0x4d: {  	_ =	swait.ge [sflag:s19], $0x2800  }
0x4e: {  	[sflag:s19] =	ssyncset.done $0x0  }
0x4f: {  	s10 =	rddreg [dreg:$0x19];
	[sflag:s19] =	ssyncadd.s32 $0xFFFFD800  }
0x50: {  	[spmem:s10] =	stream.linear.scatter [tilespmem:s5], [sflag:$0xB], $0x2800, $0x38;
	[tilespmem:$0x1DF80] =	vst v63  }
0x51: {  	_ =	swait.ge [sflag:s19], $0x2800  }
0x52: {  	[sflag:s19] =	ssyncset.done $0x0  }
0x53: {  	s16 =	rddreg [dreg:$0x1a];
	[sflag:s19] =	ssyncadd.s32 $0xFFFFD800  }
0x54: {  	[spmem:s16] =	stream.linear.scatter [tilespmem:s5], [sflag:$0xB], $0x2000, $0x38;
	[tilespmem:$0x1DF80] =	vst v63  }
0x55: {  	_ =	swait.ge [sflag:s19], $0x2000  }
0x56: {  	[sflag:s19] =	ssyncset.done $0x0  }
0x57: {  	s2 =	simm.s32 @!p0 $0x700;
	[sflag:s19] =	ssyncadd.s32 $0xFFFFE000  }
0x58: {  	[spmem:s17] =	stream.linear.scatter @!p0 [tilespmem:s2], [sflag:$0xB], $0x800, $0x38;
	[tilespmem:$0x1DF80] =	vst v63  }
0x59: {  	s2 =	simm.s32 @!p0 $0xB  }
0x5a: {  	_ =	swait.ge @!p0 [sflag:s2], $0x800  }
0x5b: {  	[sflag:s2] =	ssyncset.done @!p0 $0x0  }
0x5c: {  	[sflag:s2] =	ssyncadd.s32 @!p0 $0xFFFFF800  }
0x5d: {  	[bflag:$0x0] =	sbarrier.arrive $0xFFFF  }
0x5e: {  	s2 =	simm.s32 $0x0;
	s3 =	rddreg [dreg:$0x9]  }
0x5f: {  	[tilespmem:s2], [sflag:$0xB] =	stream.linear.gather [hbm4b:s3+s2], $0x140, $0x38;
	[tilespmem:$0x1DF80] =	vst v63  }
0x60: {  	_ =	swait.ge [sflag:s19], $0x140  }
0x61: {  	[sflag:s19] =	ssyncset.done $0x0  }
0x62: {  	s10 =	simm.s32 $0x180;
	s17 =	rddreg [dreg:$0xa];
	[sflag:s19] =	ssyncadd.s32 $0xFFFFFEC0  }
0x63: {  	[tilespmem:s10], [sflag:$0xB] =	stream.linear.gather [hbm4b:s17+s2], $0x140, $0x38;
	[tilespmem:$0x1DF80] =	vst v63  }
0x64: {  	_ =	swait.ge [sflag:s19], $0x140  }
0x65: {  	[sflag:s19] =	ssyncset.done $0x0  }
0x66: {  	s10 =	simm.s32 $0x300;
	[sflag:s19] =	ssyncadd.s32 $0xFFFFFEC0  }
0x67: {  	[tilespmem:s10], [sflag:$0x7] =	stream.indirect.gather [hbm4b:s7+s11], $0x1, s2, s11, $0xb8;
	[tilespmem:$0x1DF80] =	vst v63  }
0x68: {  	s16 =	simm.s32 $0x380  }
0x69: {  	[tilespmem:s16], [sflag:$0x8] =	stream.indirect.gather [hbm4b:s7+s11], $0x1, s11, s11, $0xb8;
	[tilespmem:$0x1DF80] =	vst v63  }
0x6a: {  	s17 =	simm.s32 $0xA0;
	s19 =	simm.s32 $0x400  }
0x6b: {  	[tilespmem:s19], [sflag:$0x9] =	stream.indirect.gather [hbm4b:s7+s11], $0x1, s17, s11, $0xb8;
	[tilespmem:$0x1DF80] =	vst v63  }
0x6c: {  	s10 =	simm.s32 $0xF0;
	s16 =	simm.s32 $0x480  }
0x6d: {  	[tilespmem:s16], [sflag:$0xA] =	stream.indirect.gather [hbm4b:s7+s11], $0x1, s10, s11, $0xb8;
	[tilespmem:$0x1DF80] =	vst v63  }
0x6e: {  	_ =	swait.ge [sflag:s13], $0x50  }
0x6f: {  	[sflag:s13] =	ssyncset.done $0x0  }
0x70: {  	[sflag:s13] =	ssyncadd.s32 $0xFFFFFFB0  }
0x71: {  	v1 =	vld [tilespmem:$0x0]  }
0x72: {  	v2 =	vld [tilespmem:$0x300]  }
0x73: {  	v3 =	vld [tilespmem:$0x180]  }
0x74: {  	v4 =	vld [tilespmem:$0x10]  }
0x75: {  	v5 =	vld [tilespmem:$0x310]  }
0x76: {  	v6 =	vld [tilespmem:$0x190]  }
0x77: {  	v7 =	vld [tilespmem:$0x320]  }
0x78: {  	v8 =	vld [tilespmem:$0x20];
	v2 =	vsub.s32 $0x1, v2  }
0x79: {  	v9 =	vld [tilespmem:$0x330];
	v2 =	vmul.u32 $0x7D0, v2  }
0x7a: {  	v10 =	vld [tilespmem:$0x1A0];
	v5 =	vsub.s32 $0x1, v5  }
0x7b: {  	v49 =	vld [tilespmem:$0x340];
	v2 =	vadd.s32 v3, v2;
	v3 =	vmul.u32 $0x7D0, v5  }
0x7c: {  	v50 =	vld [tilespmem:$0x1B0];
	[tilespmem:$0x600] =	vst v2;
	v2 =	vsub.s32 $0x1, v7  }
0x7d: {  	v51 =	vld [tilespmem:$0x1C0];
	[tilespmem:$0x500] =	vst v1;
	v1 =	vadd.s32 v6, v3;
	v2 =	vmul.u32 $0x7D0, v2  }
0x7e: {  	v3 =	vld [tilespmem:$0x30];
	[tilespmem:$0x610] =	vst v1;
	v1 =	vsub.s32 $0x1, v9  }
0x7f: {  	[tilespmem:$0x510] =	vst v4;
	v2 =	vadd.s32 v10, v2;
	v1 =	vmul.u32 $0x7D0, v1  }
0x80: {  	v52 =	vsub.s32 $0x1, v49;
	[tilespmem:$0x620] =	vst v2;
	v2 =	vld [tilespmem:$0x40]  }
0x81: {  	[tilespmem:$0x520] =	vst v8;
	v4 =	vmul.u32 $0x7D0, v52;
	v1 =	vadd.s32 v50, v1  }
0x82: {  	[tilespmem:$0x630] =	vst v1  }
0x83: {  	[tilespmem:$0x530] =	vst v3;
	v1 =	vadd.s32 v51, v4  }
0x84: {  	[tilespmem:$0x640] =	vst v1  }
0x85: {  	[tilespmem:$0x540] =	vst v2  }
0x86: {  	[tilespmem:s5], [sflag:$0x1] =	stream.indirect.gather [hbm4b:s1+s11], $0x80, s14, s11, $0xb8;
	[tilespmem:$0x1DF80] =	vst v63  }
0x87: {  	s17 =	rddreg [dreg:$0xb]  }
0x88: {  	[tilespmem:s15], [sflag:$0x3] =	stream.linear.gather [hbm4b:s17+s2], $0x2800, $0x38;
	[tilespmem:$0x1DF80] =	vst v63  }
0x89: {  	_ =	swait.ge [sflag:s20], $0x50  }
0x8a: {  	[sflag:s20] =	ssyncset.done $0x0  }
0x8b: {  	[sflag:s20] =	ssyncadd.s32 $0xFFFFFFB0  }
0x8c: {  	v1 =	vld [tilespmem:$0x50]  }
0x8d: {  	v2 =	vld [tilespmem:$0x380]  }
0x8e: {  	v3 =	vld [tilespmem:$0x1D0]  }
0x8f: {  	v53 =	vld [tilespmem:$0x60]  }
0x90: {  	v54 =	vld [tilespmem:$0x390]  }
0x91: {  	v55 =	vld [tilespmem:$0x1E0]  }
0x92: {  	v56 =	vld [tilespmem:$0x3A0]  }
0x93: {  	v57 =	vld [tilespmem:$0x70];
	v2 =	vsub.s32 $0x1, v2  }
0x94: {  	v58 =	vld [tilespmem:$0x3B0];
	v2 =	vmul.u32 $0x7D0, v2  }
0x95: {  	v59 =	vld [tilespmem:$0x1F0];
	v5 =	vsub.s32 $0x1, v54  }
0x96: {  	v60 =	vld [tilespmem:$0x3C0];
	v2 =	vadd.s32 v3, v2;
	v3 =	vmul.u32 $0x7D0, v5  }
0x97: {  	v61 =	vld [tilespmem:$0x200];
	[tilespmem:$0x680] =	vst v2;
	v2 =	vsub.s32 $0x1, v56  }
0x98: {  	v62 =	vld [tilespmem:$0x210];
	[tilespmem:$0x580] =	vst v1;
	v1 =	vadd.s32 v55, v3;
	v2 =	vmul.u32 $0x7D0, v2  }
0x99: {  	v3 =	vld [tilespmem:$0x80];
	[tilespmem:$0x690] =	vst v1;
	v1 =	vsub.s32 $0x1, v58  }
0x9a: {  	[tilespmem:$0x590] =	vst v53;
	v2 =	vadd.s32 v59, v2;
	v1 =	vmul.u32 $0x7D0, v1  }
0x9b: {  	v63 =	vsub.s32 $0x1, v60;
	[tilespmem:$0x6A0] =	vst v2;
	v2 =	vld [tilespmem:$0x90]  }
0x9c: {  	[tilespmem:$0x5A0] =	vst v57;
	v4 =	vmul.u32 $0x7D0, v63;
	v1 =	vadd.s32 v61, v1  }
0x9d: {  	[tilespmem:$0x6B0] =	vst v1  }
0x9e: {  	[tilespmem:$0x5B0] =	vst v3;
	v1 =	vadd.s32 v62, v4  }
0x9f: {  	[tilespmem:$0x6C0] =	vst v1  }
0xa0: {  	[tilespmem:$0x5C0] =	vst v2  }
0xa1: {  	[tilespmem:s21], [sflag:$0x2] =	stream.indirect.gather [hbm4b:s1+s11], $0x80, s12, s11, $0xb8;
	[tilespmem:$0x1DF80] =	vst v63  }
0xa2: {  	s19 =	rddreg [dreg:$0xc]  }
0xa3: {  	[tilespmem:s22], [sflag:$0x4] =	stream.linear.gather [hbm4b:s19+s2], $0x2800, $0x38;
	[tilespmem:$0x1DF80] =	vst v63  }
.LBB2_4:
0xa4: {  	_ =	swait.ge [sflag:s23], $0x2800  }
0xa5: {  	[sflag:s23] =	ssyncset.done $0x0  }
0xa6: {  	[sflag:s23] =	ssyncadd.s32 $0xFFFFD800  }
0xa7: {  	_ =	swait.ge [sflag:s24], $0x2800  }
0xa8: {  	[sflag:s24] =	ssyncset.done $0x0  }
0xa9: {  	s3 =	simm.s32 $0x0;
	[sflag:s24] =	ssyncadd.s32 $0xFFFFD800  }
0xaa: {  	v1 =	vld [tilespmem:s3+$0x5730]  }
0xab: {  	v2 =	vld [tilespmem:s3+$0x770]  }
0xac: {  	v4 =	vld [tilespmem:s3+$0x5700]  }
0xad: {  	v5 =	vld [tilespmem:s3+$0x5710]  }
0xae: {  	v8 =	vld [tilespmem:s3+$0x5720]  }
0xaf: {  	v7 =	vld [tilespmem:s3+$0x700]  }
0xb0: {  	v12 =	vld [tilespmem:s3+$0x710];
	v3 =	vand.u32 $0xFFFF0000, v1  }
0xb1: {  	v6 =	vld [tilespmem:s3+$0x720];
	v2 =	vmul.f32 v3, v2  }
0xb2: {  	v3 =	vld [tilespmem:s3+$0x730]  }
0xb3: {  	v1 =	vshll.u32 v1, $0x10;
	v13 =	vand.u32 $0xFFFF0000, v4;
	[tilespmem:s3+$0x770] =	vst v2;
	v2 =	vshll.u32 v4, $0x10;
	v4 =	vld [tilespmem:s3+$0x740]  }
0xb4: {  	v10 =	vshll.u32 v5, $0x10;
	v9 =	vand.u32 $0xFFFF0000, v5;
	v5 =	vld [tilespmem:s3+$0x750];
	v11 =	vmul.f32 v2, v7  }
0xb5: {  	s10 =	simm.s32 $0x80;
	s19 =	simm.s32 $0x400;
	v12 =	vmul.f32 v13, v12;
	v7 =	vshll.u32 v8, $0x10;
	v2 =	vand.u32 $0xFFFF0000, v8;
	v8 =	vld [tilespmem:s3+$0x760]  }
.LBB2_5:
0xb6: {  	p1 =	sne.s32 s19, $0x9E00;
	v13 =	vld [tilespmem:s10+$0x5730];
	[tilespmem:s3+$0x700] =	vst v11;
	v6 =	vmul.f32 v10, v6  }
0xb7: {  	v10 =	vld [tilespmem:s10+$0x770];
	[tilespmem:s3+$0x710] =	vst v12;
	v3 =	vmul.f32 v9, v3  }
0xb8: {  	v9 =	vld [tilespmem:s10+$0x5700];
	[tilespmem:s3+$0x720] =	vst v6;
	v4 =	vmul.f32 v7, v4  }
0xb9: {  	v7 =	vld [tilespmem:s10+$0x5710];
	[tilespmem:s3+$0x730] =	vst v3;
	v2 =	vmul.f32 v2, v5  }
0xba: {  	v5 =	vld [tilespmem:s10+$0x5720];
	[tilespmem:s3+$0x740] =	vst v4;
	v3 =	vmul.f32 v1, v8  }
0xbb: {  	v8 =	vld [tilespmem:s10+$0x700];
	v1 =	vshll.u32 v13, $0x10;
	v4 =	vand.u32 $0xFFFF0000, v13;
	[tilespmem:s3+$0x750] =	vst v2  }
0xbc: {  	v12 =	vld [tilespmem:s10+$0x710];
	v2 =	vmul.f32 v4, v10;
	[tilespmem:s3+$0x760] =	vst v3;
	s3 =	smov.u32 s10  }
.Ltmp1:
0xbd: {  	v11 =	vshll.u32 v9, $0x10;
	v13 =	vand.u32 $0xFFFF0000, v9;
	v6 =	vld [tilespmem:s3+$0x720];
	(pc) =	sbr.rel @p1 .LBB2_5-.Ltmp1, $4  }
0xbe: {  	v10 =	vshll.u32 v7, $0x10;
	v9 =	vand.u32 $0xFFFF0000, v7;
	v3 =	vld [tilespmem:s3+$0x730];
	[tilespmem:s3+$0x770] =	vst v2  }
0xbf: {  	v7 =	vshll.u32 v5, $0x10;
	v2 =	vand.u32 $0xFFFF0000, v5;
	v4 =	vld [tilespmem:s3+$0x740]  }
0xc0: {  	v11 =	vmul.f32 v11, v8;
	v5 =	vld [tilespmem:s3+$0x750]  }
0xc1: {  	s10 =	sshra.s32 s19, $0x2;
	s19 =	sadd.s32 $0x200, s19;
	v12 =	vmul.f32 v13, v12;
	v8 =	vld [tilespmem:s3+$0x760]  }
0xc2: {  	v13 =	vld [tilespmem:s10+$0x5730]  }
0xc3: {  	v14 =	vld [tilespmem:s10+$0x770]  }
0xc4: {  	v15 =	vld [tilespmem:s10+$0x5700]  }
0xc5: {  	v16 =	vld [tilespmem:s10+$0x5710]  }
0xc6: {  	v17 =	vld [tilespmem:s10+$0x5720];
	[tilespmem:s3+$0x700] =	vst v11;
	v6 =	vmul.f32 v10, v6  }
0xc7: {  	v10 =	vld [tilespmem:s10+$0x700];
	[tilespmem:s3+$0x710] =	vst v12;
	v3 =	vmul.f32 v9, v3  }
0xc8: {  	v11 =	vld [tilespmem:s10+$0x710];
	[tilespmem:s3+$0x720] =	vst v6;
	v4 =	vmul.f32 v7, v4;
	v9 =	vand.u32 $0xFFFF0000, v13  }
0xc9: {  	[tilespmem:s3+$0x730] =	vst v3;
	v2 =	vmul.f32 v2, v5;
	v6 =	vmul.f32 v9, v14;
	v9 =	vld [tilespmem:s10+$0x720]  }
0xca: {  	v3 =	vld [tilespmem:s10+$0x730];
	[tilespmem:s3+$0x740] =	vst v4  }
0xcb: {  	v5 =	vld [tilespmem:s10+$0x740];
	v1 =	vmul.f32 v1, v8;
	v4 =	vshll.u32 v15, $0x10;
	[tilespmem:s3+$0x750] =	vst v2  }
0xcc: {  	v2 =	vand.u32 $0xFFFF0000, v15;
	v4 =	vmul.f32 v4, v10;
	[tilespmem:s10+$0x770] =	vst v6;
	v6 =	vld [tilespmem:s10+$0x750]  }
0xcd: {  	v7 =	vld [tilespmem:s10+$0x760];
	[tilespmem:s3+$0x760] =	vst v1;
	v1 =	vshll.u32 v16, $0x10;
	v2 =	vmul.f32 v2, v11  }
0xce: {  	v8 =	vand.u32 $0xFFFF0000, v16;
	[tilespmem:s10+$0x700] =	vst v4;
	v1 =	vmul.f32 v1, v9  }
0xcf: {  	v4 =	vshll.u32 v17, $0x10;
	[tilespmem:s10+$0x710] =	vst v2;
	v2 =	vmul.f32 v8, v3  }
0xd0: {  	v3 =	vand.u32 $0xFFFF0000, v17;
	[tilespmem:s10+$0x720] =	vst v1;
	v1 =	vmul.f32 v4, v5  }
0xd1: {  	[tilespmem:s10+$0x730] =	vst v2;
	v4 =	vshll.u32 v13, $0x10;
	v2 =	vmul.f32 v3, v6  }
0xd2: {  	[tilespmem:s10+$0x740] =	vst v1;
	v1 =	vmul.f32 v4, v7  }
0xd3: {  	[tilespmem:s10+$0x750] =	vst v2  }
0xd4: {  	[tilespmem:s10+$0x760] =	vst v1  }
0xd5: {  	[spmem:s4] =	stream.indirect.scatter.add.f32 [tilespmem:s5], [sflag:$0x5], $0x80, s25, s11, $0xb8;
	[tilespmem:$0x1DF80] =	vst v63  }
0xd6: {  	_ =	swait.ge [sflag:s26], $0x2800  }
0xd7: {  	[sflag:s26] =	ssyncset.done $0x0  }
0xd8: {  	[sflag:s26] =	ssyncadd.s32 $0xFFFFD800  }
0xd9: {  	_ =	swait.ge [sflag:s28], $0x2800  }
0xda: {  	[sflag:s28] =	ssyncset.done $0x0  }
0xdb: {  	s3 =	simm.s32 $0x0;
	[sflag:s28] =	ssyncadd.s32 $0xFFFFD800  }
0xdc: {  	v1 =	vld [tilespmem:s3+$0x7F30]  }
0xdd: {  	v2 =	vld [tilespmem:s3+$0x2F70]  }
0xde: {  	v4 =	vld [tilespmem:s3+$0x7F00]  }
0xdf: {  	v5 =	vld [tilespmem:s3+$0x7F10]  }
0xe0: {  	v8 =	vld [tilespmem:s3+$0x7F20]  }
0xe1: {  	v11 =	vld [tilespmem:s3+$0x2F00]  }
0xe2: {  	v12 =	vld [tilespmem:s3+$0x2F10]  }
0xe3: {  	v7 =	vld [tilespmem:s3+$0x2F20];
	v3 =	vand.u32 $0xFFFF0000, v1  }
0xe4: {  	v2 =	vmul.f32 v3, v2;
	v3 =	vld [tilespmem:s3+$0x2F30]  }
0xe5: {  	v1 =	vshll.u32 v1, $0x10;
	v13 =	vshll.u32 v4, $0x10;
	v14 =	vand.u32 $0xFFFF0000, v4;
	v4 =	vld [tilespmem:s3+$0x2F40]  }
0xe6: {  	v10 =	vshll.u32 v5, $0x10;
	v9 =	vand.u32 $0xFFFF0000, v5;
	v5 =	vld [tilespmem:s3+$0x2F50];
	v11 =	vmul.f32 v13, v11  }
0xe7: {  	s19 =	simm.s32 $0x400;
	s10 =	simm.s32 $0x80;
	v6 =	vshll.u32 v8, $0x10;
	v12 =	vmul.f32 v14, v12;
	[tilespmem:s3+$0x2F70] =	vst v2;
	v2 =	vand.u32 $0xFFFF0000, v8;
	v8 =	vld [tilespmem:s3+$0x2F60]  }
.LBB2_7:
0xe8: {  	p1 =	sne.s32 s19, $0x9E00;
	v13 =	vld [tilespmem:s10+$0x7F30];
	[tilespmem:s3+$0x2F00] =	vst v11;
	v7 =	vmul.f32 v10, v7  }
0xe9: {  	v10 =	vld [tilespmem:s10+$0x2F70];
	[tilespmem:s3+$0x2F10] =	vst v12;
	v3 =	vmul.f32 v9, v3  }
0xea: {  	v9 =	vld [tilespmem:s10+$0x7F00];
	[tilespmem:s3+$0x2F20] =	vst v7;
	v4 =	vmul.f32 v6, v4  }
0xeb: {  	v6 =	vld [tilespmem:s10+$0x7F10];
	[tilespmem:s3+$0x2F30] =	vst v3;
	v2 =	vmul.f32 v2, v5  }
0xec: {  	v5 =	vld [tilespmem:s10+$0x7F20];
	[tilespmem:s3+$0x2F40] =	vst v4;
	v3 =	vmul.f32 v1, v8  }
0xed: {  	v8 =	vld [tilespmem:s10+$0x2F00];
	v1 =	vshll.u32 v13, $0x10;
	v4 =	vand.u32 $0xFFFF0000, v13;
	[tilespmem:s3+$0x2F50] =	vst v2  }
0xee: {  	v12 =	vld [tilespmem:s10+$0x2F10];
	v2 =	vmul.f32 v4, v10;
	[tilespmem:s3+$0x2F60] =	vst v3;
	s3 =	smov.u32 s10  }
.Ltmp2:
0xef: {  	v11 =	vshll.u32 v9, $0x10;
	v13 =	vand.u32 $0xFFFF0000, v9;
	v7 =	vld [tilespmem:s3+$0x2F20];
	(pc) =	sbr.rel @p1 .LBB2_7-.Ltmp2, $4  }
0xf0: {  	v10 =	vshll.u32 v6, $0x10;
	v9 =	vand.u32 $0xFFFF0000, v6;
	v3 =	vld [tilespmem:s3+$0x2F30];
	[tilespmem:s3+$0x2F70] =	vst v2  }
0xf1: {  	v6 =	vshll.u32 v5, $0x10;
	v2 =	vand.u32 $0xFFFF0000, v5;
	v4 =	vld [tilespmem:s3+$0x2F40]  }
0xf2: {  	v11 =	vmul.f32 v11, v8;
	v5 =	vld [tilespmem:s3+$0x2F50]  }
0xf3: {  	s10 =	sshra.s32 s19, $0x2;
	s19 =	sadd.s32 $0x200, s19;
	v12 =	vmul.f32 v13, v12;
	v8 =	vld [tilespmem:s3+$0x2F60]  }
0xf4: {  	v13 =	vld [tilespmem:s10+$0x7F30]  }
0xf5: {  	v14 =	vld [tilespmem:s10+$0x2F70]  }
0xf6: {  	v15 =	vld [tilespmem:s10+$0x7F00]  }
0xf7: {  	v16 =	vld [tilespmem:s10+$0x7F10]  }
0xf8: {  	v17 =	vld [tilespmem:s10+$0x7F20];
	[tilespmem:s3+$0x2F00] =	vst v11;
	v7 =	vmul.f32 v10, v7  }
0xf9: {  	v10 =	vld [tilespmem:s10+$0x2F00];
	[tilespmem:s3+$0x2F10] =	vst v12;
	v3 =	vmul.f32 v9, v3  }
0xfa: {  	v11 =	vld [tilespmem:s10+$0x2F10];
	[tilespmem:s3+$0x2F20] =	vst v7;
	v4 =	vmul.f32 v6, v4;
	v9 =	vand.u32 $0xFFFF0000, v13  }
0xfb: {  	[tilespmem:s3+$0x2F30] =	vst v3;
	v2 =	vmul.f32 v2, v5;
	v7 =	vmul.f32 v9, v14;
	v9 =	vld [tilespmem:s10+$0x2F20]  }
0xfc: {  	v3 =	vld [tilespmem:s10+$0x2F30];
	[tilespmem:s3+$0x2F40] =	vst v4;
	v1 =	vmul.f32 v1, v8  }
0xfd: {  	v5 =	vld [tilespmem:s10+$0x2F40];
	v4 =	vshll.u32 v15, $0x10;
	[tilespmem:s3+$0x2F50] =	vst v2  }
0xfe: {  	v6 =	vld [tilespmem:s10+$0x2F50];
	v2 =	vand.u32 $0xFFFF0000, v15;
	v4 =	vmul.f32 v4, v10;
	[tilespmem:s3+$0x2F60] =	vst v1  }
0xff: {  	v1 =	vshll.u32 v16, $0x10;
	v2 =	vmul.f32 v2, v11;
	[tilespmem:s10+$0x2F70] =	vst v7;
	v7 =	vld [tilespmem:s10+$0x2F60]  }
0x100: {  	v8 =	vand.u32 $0xFFFF0000, v16;
	[tilespmem:s10+$0x2F00] =	vst v4;
	v1 =	vmul.f32 v1, v9  }
0x101: {  	v4 =	vshll.u32 v17, $0x10;
	[tilespmem:s10+$0x2F10] =	vst v2;
	v2 =	vmul.f32 v8, v3  }
0x102: {  	v3 =	vand.u32 $0xFFFF0000, v17;
	[tilespmem:s10+$0x2F20] =	vst v1;
	v1 =	vmul.f32 v4, v5  }
0x103: {  	[tilespmem:s10+$0x2F30] =	vst v2;
	v2 =	vmul.f32 v3, v6;
	v4 =	vshll.u32 v13, $0x10  }
0x104: {  	[tilespmem:s10+$0x2F40] =	vst v1;
	v1 =	vmul.f32 v4, v7  }
0x105: {  	[tilespmem:s10+$0x2F50] =	vst v2  }
0x106: {  	[tilespmem:s10+$0x2F60] =	vst v1  }
0x107: {  	[spmem:s4] =	stream.indirect.scatter.add.f32 [tilespmem:s21], [sflag:$0x6], $0x80, s29, s11, $0xb8;
	[tilespmem:$0x1DF80] =	vst v63  }
0x108: {  	_ =	swait.ge [sflag:s30], $0x2800  }
0x109: {  	[sflag:s30] =	ssyncset.done $0x0  }
0x10a: {  	[sflag:s30] =	ssyncadd.s32 $0xFFFFD800  }
0x10b: {  	_ =	swait.ge [sflag:s31], $0x50  }
0x10c: {  	[sflag:s31] =	ssyncset.done $0x0  }
0x10d: {  	[sflag:s31] =	ssyncadd.s32 $0xFFFFFFB0  }
0x10e: {  	v1 =	vld [tilespmem:$0xA0]  }
0x10f: {  	v2 =	vld [tilespmem:$0x400]  }
0x110: {  	v3 =	vld [tilespmem:$0x220]  }
0x111: {  	v4 =	vld [tilespmem:$0xB0]  }
0x112: {  	v5 =	vld [tilespmem:$0x410]  }
0x113: {  	v6 =	vld [tilespmem:$0x230]  }
0x114: {  	v7 =	vld [tilespmem:$0x420]  }
0x115: {  	v8 =	vld [tilespmem:$0xC0];
	v2 =	vsub.s32 $0x1, v2  }
0x116: {  	v9 =	vld [tilespmem:$0x430];
	v2 =	vmul.u32 $0x7D0, v2  }
0x117: {  	v10 =	vld [tilespmem:$0x240];
	v5 =	vsub.s32 $0x1, v5  }
0x118: {  	v2 =	vadd.s32 v3, v2;
	v3 =	vmul.u32 $0x7D0, v5;
	v5 =	vld [tilespmem:$0x440]  }
0x119: {  	[tilespmem:$0x600] =	vst v2;
	v2 =	vsub.s32 $0x1, v7;
	v7 =	vld [tilespmem:$0x250]  }
0x11a: {  	[tilespmem:$0x500] =	vst v1;
	v1 =	vadd.s32 v6, v3;
	v2 =	vmul.u32 $0x7D0, v2;
	v3 =	vld [tilespmem:$0xD0]  }
0x11b: {  	v6 =	vld [tilespmem:$0x260];
	[tilespmem:$0x610] =	vst v1;
	v1 =	vsub.s32 $0x1, v9  }
0x11c: {  	[tilespmem:$0x510] =	vst v4;
	v2 =	vadd.s32 v10, v2;
	v1 =	vmul.u32 $0x7D0, v1  }
0x11d: {  	[tilespmem:$0x620] =	vst v2;
	v2 =	vld [tilespmem:$0xE0];
	v4 =	vsub.s32 $0x1, v5  }
0x11e: {  	[tilespmem:$0x520] =	vst v8;
	v1 =	vadd.s32 v7, v1;
	v4 =	vmul.u32 $0x7D0, v4  }
0x11f: {  	[tilespmem:$0x630] =	vst v1  }
0x120: {  	s3 =	sshll.u32 s2, $0x2;
	s17 =	rddreg [dreg:$0xd];
	[tilespmem:$0x530] =	vst v3;
	v1 =	vadd.s32 v6, v4  }
0x121: {  	s10 =	sadd.s32 s3, s17;
	[tilespmem:$0x640] =	vst v1  }
0x122: {  	s10 =	smul.u32 $0x500, s10;
	[tilespmem:$0x540] =	vst v2  }
0x123: {  	[tilespmem:s5], [sflag:$0x1] =	stream.indirect.gather [hbm4b:s1+s11], $0x80, s14, s11, $0xb8;
	[tilespmem:$0x1DF80] =	vst v63  }
0x124: {  	s10 =	sadd.s32 s8, s10  }
0x125: {  	[tilespmem:s15], [sflag:$0x3] =	stream.linear.gather [hbm4b:s10+s6], $0x2800, $0x38;
	[tilespmem:$0x1DF80] =	vst v63  }
0x126: {  	_ =	swait.ge [sflag:s0], $0x2800  }
0x127: {  	[sflag:s0] =	ssyncset.done $0x0  }
0x128: {  	[sflag:s0] =	ssyncadd.s32 $0xFFFFD800  }
0x129: {  	_ =	swait.ge [sflag:s9], $0x50  }
0x12a: {  	[sflag:s9] =	ssyncset.done $0x0  }
0x12b: {  	[sflag:s9] =	ssyncadd.s32 $0xFFFFFFB0  }
0x12c: {  	v1 =	vld [tilespmem:$0xF0]  }
0x12d: {  	v2 =	vld [tilespmem:$0x480]  }
0x12e: {  	v3 =	vld [tilespmem:$0x270]  }
0x12f: {  	v4 =	vld [tilespmem:$0x100]  }
0x130: {  	v5 =	vld [tilespmem:$0x490]  }
0x131: {  	v6 =	vld [tilespmem:$0x280]  }
0x132: {  	v7 =	vld [tilespmem:$0x4A0]  }
0x133: {  	v8 =	vld [tilespmem:$0x110];
	v2 =	vsub.s32 $0x1, v2  }
0x134: {  	v9 =	vld [tilespmem:$0x4B0];
	v2 =	vmul.u32 $0x7D0, v2  }
0x135: {  	v10 =	vld [tilespmem:$0x290];
	v5 =	vsub.s32 $0x1, v5  }
0x136: {  	v2 =	vadd.s32 v3, v2;
	v3 =	vmul.u32 $0x7D0, v5;
	v5 =	vld [tilespmem:$0x4C0]  }
0x137: {  	[tilespmem:$0x680] =	vst v2;
	v2 =	vsub.s32 $0x1, v7;
	v7 =	vld [tilespmem:$0x2A0]  }
0x138: {  	[tilespmem:$0x580] =	vst v1;
	v1 =	vadd.s32 v6, v3;
	v2 =	vmul.u32 $0x7D0, v2;
	v3 =	vld [tilespmem:$0x120]  }
0x139: {  	v6 =	vld [tilespmem:$0x2B0];
	[tilespmem:$0x690] =	vst v1;
	v1 =	vsub.s32 $0x1, v9  }
0x13a: {  	[tilespmem:$0x590] =	vst v4;
	v2 =	vadd.s32 v10, v2;
	v1 =	vmul.u32 $0x7D0, v1  }
0x13b: {  	[tilespmem:$0x6A0] =	vst v2;
	v2 =	vld [tilespmem:$0x130];
	v4 =	vsub.s32 $0x1, v5  }
0x13c: {  	[tilespmem:$0x5A0] =	vst v8;
	v1 =	vadd.s32 v7, v1;
	v4 =	vmul.u32 $0x7D0, v4  }
0x13d: {  	[tilespmem:$0x6B0] =	vst v1  }
0x13e: {  	s19 =	rddreg [dreg:$0xe];
	[tilespmem:$0x5B0] =	vst v3;
	v1 =	vadd.s32 v6, v4  }
0x13f: {  	p1 =	seq.s32 s2, $0x1E;
	s10 =	sadd.s32 s3, s19;
	[tilespmem:$0x6C0] =	vst v1  }
0x140: {  	s16 =	sadd.s32 @!p1 s3, s18;
	s10 =	smul.u32 $0x500, s10;
	[tilespmem:$0x5C0] =	vst v2  }
0x141: {  	[tilespmem:s21], [sflag:$0x2] =	stream.indirect.gather [hbm4b:s1+s11], $0x80, s12, s11, $0xb8;
	[tilespmem:$0x1DF80] =	vst v63  }
0x142: {  	s16 =	smul.u32 @!p1 $0xA, s16;
	s10 =	sadd.s32 s8, s10  }
0x143: {  	[tilespmem:s22], [sflag:$0x4] =	stream.linear.gather [hbm4b:s10+s6], $0x2800, $0x38;
	[tilespmem:$0x1DF80] =	vst v63  }
0x144: {  	s10 =	rddreg [dreg:$0x1]  }
0x145: {  	s19 =	simm.s32 @!p1 $0x0;
	s10 =	sadd.s32 @!p1 s10, s16  }
0x146: {  	[tilespmem:s19], [sflag:$0xB] =	stream.linear.gather @!p1 [hbm4b:s10+s19], $0x140, $0x38;
	[tilespmem:$0x1DF80] =	vst v63  }
0x147: {  	s10 =	simm.s32 @!p1 $0xB  }
0x148: {  	_ =	swait.ge @!p1 [sflag:s10], $0x140  }
0x149: {  	[sflag:s10] =	ssyncset.done @!p1 $0x0  }
0x14a: {  	[sflag:s10] =	ssyncadd.s32 @!p1 $0xFFFFFEC0  }
0x14b: {  	s17 =	rddreg [dreg:$0x2]  }
0x14c: {  	s16 =	sadd.s32 @!p1 s17, s16;
	s17 =	simm.s32 @!p1 $0x180  }
0x14d: {  	[tilespmem:s17], [sflag:$0xB] =	stream.linear.gather @!p1 [hbm4b:s16+s19], $0x140, $0x38;
	[tilespmem:$0x1DF80] =	vst v63  }
0x14e: {  	_ =	swait.ge @!p1 [sflag:s10], $0x140  }
0x14f: {  	[sflag:s10] =	ssyncset.done @!p1 $0x0  }
0x150: {  	s16 =	simm.s32 @!p1 $0x300;
	[sflag:s10] =	ssyncadd.s32 @!p1 $0xFFFFFEC0;
	s10 =	simm.s32 @!p1 $0x50  }
0x151: {  	[tilespmem:s16], [sflag:$0x7] =	stream.indirect.gather @!p1 [hbm4b:s7+s10], $0x1, s19, s10, $0xb8;
	[tilespmem:$0x1DF80] =	vst v63  }
0x152: {  	s16 =	simm.s32 @!p1 $0x380  }
0x153: {  	[tilespmem:s16], [sflag:$0x8] =	stream.indirect.gather @!p1 [hbm4b:s7+s10], $0x1, s10, s10, $0xb8;
	[tilespmem:$0x1DF80] =	vst v63  }
0x154: {  	s17 =	simm.s32 @!p1 $0x400;
	s16 =	simm.s32 @!p1 $0xA0  }
0x155: {  	[tilespmem:s17], [sflag:$0x9] =	stream.indirect.gather @!p1 [hbm4b:s7+s10], $0x1, s16, s10, $0xb8;
	[tilespmem:$0x1DF80] =	vst v63  }
0x156: {  	s16 =	simm.s32 @!p1 $0xF0;
	s17 =	simm.s32 @!p1 $0x480  }
0x157: {  	[tilespmem:s17], [sflag:$0xA] =	stream.indirect.gather @!p1 [hbm4b:s7+s10], $0x1, s16, s10, $0xb8;
	[tilespmem:$0x1DF80] =	vst v63  }
0x158: {  	_ =	swait.ge [sflag:s23], $0x2800  }
0x159: {  	[sflag:s23] =	ssyncset.done $0x0  }
0x15a: {  	[sflag:s23] =	ssyncadd.s32 $0xFFFFD800  }
0x15b: {  	_ =	swait.ge [sflag:s24], $0x2800  }
0x15c: {  	[sflag:s24] =	ssyncset.done $0x0  }
0x15d: {  	s10 =	simm.s32 $0x0;
	[sflag:s24] =	ssyncadd.s32 $0xFFFFD800  }
0x15e: {  	v1 =	vld [tilespmem:s10+$0x5730]  }
0x15f: {  	v2 =	vld [tilespmem:s10+$0x770]  }
0x160: {  	v4 =	vld [tilespmem:s10+$0x5700]  }
0x161: {  	v5 =	vld [tilespmem:s10+$0x5710]  }
0x162: {  	v8 =	vld [tilespmem:s10+$0x5720]  }
0x163: {  	v11 =	vld [tilespmem:s10+$0x700]  }
0x164: {  	v12 =	vld [tilespmem:s10+$0x710]  }
0x165: {  	v7 =	vld [tilespmem:s10+$0x720];
	v3 =	vand.u32 $0xFFFF0000, v1  }
0x166: {  	v2 =	vmul.f32 v3, v2;
	v3 =	vld [tilespmem:s10+$0x730]  }
0x167: {  	v1 =	vshll.u32 v1, $0x10;
	v13 =	vshll.u32 v4, $0x10;
	v14 =	vand.u32 $0xFFFF0000, v4;
	v4 =	vld [tilespmem:s10+$0x740]  }
0x168: {  	v10 =	vshll.u32 v5, $0x10;
	v9 =	vand.u32 $0xFFFF0000, v5;
	v5 =	vld [tilespmem:s10+$0x750];
	v11 =	vmul.f32 v13, v11  }
0x169: {  	s19 =	simm.s32 $0x80;
	s16 =	simm.s32 $0x400;
	v6 =	vshll.u32 v8, $0x10;
	v12 =	vmul.f32 v14, v12;
	[tilespmem:s10+$0x770] =	vst v2;
	v2 =	vand.u32 $0xFFFF0000, v8;
	v8 =	vld [tilespmem:s10+$0x760]  }
.LBB2_9:
0x16a: {  	p2 =	sne.s32 s16, $0x9E00;
	v13 =	vld [tilespmem:s19+$0x5730];
	[tilespmem:s10+$0x700] =	vst v11;
	v7 =	vmul.f32 v10, v7  }
0x16b: {  	v10 =	vld [tilespmem:s19+$0x770];
	[tilespmem:s10+$0x710] =	vst v12;
	v3 =	vmul.f32 v9, v3  }
0x16c: {  	v9 =	vld [tilespmem:s19+$0x5700];
	[tilespmem:s10+$0x720] =	vst v7;
	v4 =	vmul.f32 v6, v4  }
0x16d: {  	v6 =	vld [tilespmem:s19+$0x5710];
	[tilespmem:s10+$0x730] =	vst v3;
	v2 =	vmul.f32 v2, v5  }
0x16e: {  	v5 =	vld [tilespmem:s19+$0x5720];
	[tilespmem:s10+$0x740] =	vst v4;
	v3 =	vmul.f32 v1, v8  }
0x16f: {  	v8 =	vld [tilespmem:s19+$0x700];
	v1 =	vshll.u32 v13, $0x10;
	v4 =	vand.u32 $0xFFFF0000, v13;
	[tilespmem:s10+$0x750] =	vst v2  }
0x170: {  	v12 =	vld [tilespmem:s19+$0x710];
	v2 =	vmul.f32 v4, v10;
	[tilespmem:s10+$0x760] =	vst v3;
	s10 =	smov.u32 s19  }
.Ltmp3:
0x171: {  	v11 =	vshll.u32 v9, $0x10;
	v13 =	vand.u32 $0xFFFF0000, v9;
	v7 =	vld [tilespmem:s10+$0x720];
	(pc) =	sbr.rel @p2 .LBB2_9-.Ltmp3, $4  }
0x172: {  	v10 =	vshll.u32 v6, $0x10;
	v9 =	vand.u32 $0xFFFF0000, v6;
	v3 =	vld [tilespmem:s10+$0x730];
	[tilespmem:s10+$0x770] =	vst v2  }
0x173: {  	v6 =	vshll.u32 v5, $0x10;
	v2 =	vand.u32 $0xFFFF0000, v5;
	v4 =	vld [tilespmem:s10+$0x740]  }
0x174: {  	v11 =	vmul.f32 v11, v8;
	v5 =	vld [tilespmem:s10+$0x750]  }
0x175: {  	s19 =	sshra.s32 s16, $0x2;
	s16 =	sadd.s32 $0x200, s16;
	v12 =	vmul.f32 v13, v12;
	v8 =	vld [tilespmem:s10+$0x760]  }
0x176: {  	v13 =	vld [tilespmem:s19+$0x5730]  }
0x177: {  	v14 =	vld [tilespmem:s19+$0x770]  }
0x178: {  	v15 =	vld [tilespmem:s19+$0x5700]  }
0x179: {  	v16 =	vld [tilespmem:s19+$0x5710]  }
0x17a: {  	v17 =	vld [tilespmem:s19+$0x5720];
	[tilespmem:s10+$0x700] =	vst v11;
	v7 =	vmul.f32 v10, v7  }
0x17b: {  	v10 =	vld [tilespmem:s19+$0x700];
	[tilespmem:s10+$0x710] =	vst v12;
	v3 =	vmul.f32 v9, v3  }
0x17c: {  	v11 =	vld [tilespmem:s19+$0x710];
	[tilespmem:s10+$0x720] =	vst v7;
	v4 =	vmul.f32 v6, v4;
	v9 =	vand.u32 $0xFFFF0000, v13  }
0x17d: {  	[tilespmem:s10+$0x730] =	vst v3;
	v2 =	vmul.f32 v2, v5;
	v7 =	vmul.f32 v9, v14;
	v9 =	vld [tilespmem:s19+$0x720]  }
0x17e: {  	v3 =	vld [tilespmem:s19+$0x730];
	[tilespmem:s10+$0x740] =	vst v4;
	v1 =	vmul.f32 v1, v8  }
0x17f: {  	v5 =	vld [tilespmem:s19+$0x740];
	v4 =	vshll.u32 v15, $0x10;
	[tilespmem:s10+$0x750] =	vst v2  }
0x180: {  	v6 =	vld [tilespmem:s19+$0x750];
	v2 =	vand.u32 $0xFFFF0000, v15;
	v4 =	vmul.f32 v4, v10;
	[tilespmem:s10+$0x760] =	vst v1  }
0x181: {  	v1 =	vshll.u32 v16, $0x10;
	v2 =	vmul.f32 v2, v11;
	[tilespmem:s19+$0x770] =	vst v7;
	v7 =	vld [tilespmem:s19+$0x760]  }
0x182: {  	v8 =	vand.u32 $0xFFFF0000, v16;
	[tilespmem:s19+$0x700] =	vst v4;
	v1 =	vmul.f32 v1, v9  }
0x183: {  	v4 =	vshll.u32 v17, $0x10;
	[tilespmem:s19+$0x710] =	vst v2;
	v2 =	vmul.f32 v8, v3  }
0x184: {  	v3 =	vand.u32 $0xFFFF0000, v17;
	[tilespmem:s19+$0x720] =	vst v1;
	v1 =	vmul.f32 v4, v5  }
0x185: {  	[tilespmem:s19+$0x730] =	vst v2;
	v2 =	vmul.f32 v3, v6;
	v4 =	vshll.u32 v13, $0x10  }
0x186: {  	[tilespmem:s19+$0x740] =	vst v1;
	v1 =	vmul.f32 v4, v7  }
0x187: {  	[tilespmem:s19+$0x750] =	vst v2  }
0x188: {  	[tilespmem:s19+$0x760] =	vst v1  }
0x189: {  	[spmem:s4] =	stream.indirect.scatter.add.f32 [tilespmem:s5], [sflag:$0x5], $0x80, s25, s11, $0xb8;
	[tilespmem:$0x1DF80] =	vst v63  }
0x18a: {  	_ =	swait.ge [sflag:s26], $0x2800  }
0x18b: {  	[sflag:s26] =	ssyncset.done $0x0  }
0x18c: {  	[sflag:s26] =	ssyncadd.s32 $0xFFFFD800  }
0x18d: {  	_ =	swait.ge [sflag:s28], $0x2800  }
0x18e: {  	[sflag:s28] =	ssyncset.done $0x0  }
0x18f: {  	s10 =	simm.s32 $0x0;
	[sflag:s28] =	ssyncadd.s32 $0xFFFFD800  }
0x190: {  	v1 =	vld [tilespmem:s10+$0x7F30]  }
0x191: {  	v2 =	vld [tilespmem:s10+$0x2F70]  }
0x192: {  	v4 =	vld [tilespmem:s10+$0x7F00]  }
0x193: {  	v5 =	vld [tilespmem:s10+$0x7F10]  }
0x194: {  	v8 =	vld [tilespmem:s10+$0x7F20]  }
0x195: {  	v11 =	vld [tilespmem:s10+$0x2F00]  }
0x196: {  	v12 =	vld [tilespmem:s10+$0x2F10]  }
0x197: {  	v7 =	vld [tilespmem:s10+$0x2F20];
	v3 =	vand.u32 $0xFFFF0000, v1  }
0x198: {  	v2 =	vmul.f32 v3, v2;
	v3 =	vld [tilespmem:s10+$0x2F30]  }
0x199: {  	v1 =	vshll.u32 v1, $0x10;
	v13 =	vshll.u32 v4, $0x10;
	v14 =	vand.u32 $0xFFFF0000, v4;
	v4 =	vld [tilespmem:s10+$0x2F40]  }
0x19a: {  	v10 =	vshll.u32 v5, $0x10;
	v9 =	vand.u32 $0xFFFF0000, v5;
	v5 =	vld [tilespmem:s10+$0x2F50];
	v11 =	vmul.f32 v13, v11  }
0x19b: {  	s16 =	simm.s32 $0x400;
	s19 =	simm.s32 $0x80;
	v6 =	vshll.u32 v8, $0x10;
	v12 =	vmul.f32 v14, v12;
	[tilespmem:s10+$0x2F70] =	vst v2;
	v2 =	vand.u32 $0xFFFF0000, v8;
	v8 =	vld [tilespmem:s10+$0x2F60]  }
.LBB2_11:
0x19c: {  	p2 =	sne.s32 s16, $0x9E00;
	v13 =	vld [tilespmem:s19+$0x7F30];
	[tilespmem:s10+$0x2F00] =	vst v11;
	v7 =	vmul.f32 v10, v7  }
0x19d: {  	v10 =	vld [tilespmem:s19+$0x2F70];
	[tilespmem:s10+$0x2F10] =	vst v12;
	v3 =	vmul.f32 v9, v3  }
0x19e: {  	v9 =	vld [tilespmem:s19+$0x7F00];
	[tilespmem:s10+$0x2F20] =	vst v7;
	v4 =	vmul.f32 v6, v4  }
0x19f: {  	v6 =	vld [tilespmem:s19+$0x7F10];
	[tilespmem:s10+$0x2F30] =	vst v3;
	v2 =	vmul.f32 v2, v5  }
0x1a0: {  	v5 =	vld [tilespmem:s19+$0x7F20];
	[tilespmem:s10+$0x2F40] =	vst v4;
	v3 =	vmul.f32 v1, v8  }
0x1a1: {  	v8 =	vld [tilespmem:s19+$0x2F00];
	v1 =	vshll.u32 v13, $0x10;
	v4 =	vand.u32 $0xFFFF0000, v13;
	[tilespmem:s10+$0x2F50] =	vst v2  }
0x1a2: {  	v12 =	vld [tilespmem:s19+$0x2F10];
	v2 =	vmul.f32 v4, v10;
	[tilespmem:s10+$0x2F60] =	vst v3;
	s10 =	smov.u32 s19  }
.Ltmp4:
0x1a3: {  	v11 =	vshll.u32 v9, $0x10;
	v13 =	vand.u32 $0xFFFF0000, v9;
	v7 =	vld [tilespmem:s10+$0x2F20];
	(pc) =	sbr.rel @p2 .LBB2_11-.Ltmp4, $4  }
0x1a4: {  	v10 =	vshll.u32 v6, $0x10;
	v9 =	vand.u32 $0xFFFF0000, v6;
	v3 =	vld [tilespmem:s10+$0x2F30];
	[tilespmem:s10+$0x2F70] =	vst v2  }
0x1a5: {  	v6 =	vshll.u32 v5, $0x10;
	v2 =	vand.u32 $0xFFFF0000, v5;
	v4 =	vld [tilespmem:s10+$0x2F40]  }
0x1a6: {  	v11 =	vmul.f32 v11, v8;
	v5 =	vld [tilespmem:s10+$0x2F50]  }
0x1a7: {  	s19 =	sshra.s32 s16, $0x2;
	s16 =	sadd.s32 $0x200, s16;
	v12 =	vmul.f32 v13, v12;
	v8 =	vld [tilespmem:s10+$0x2F60]  }
0x1a8: {  	v13 =	vld [tilespmem:s19+$0x7F30]  }
0x1a9: {  	v14 =	vld [tilespmem:s19+$0x2F70]  }
0x1aa: {  	v15 =	vld [tilespmem:s19+$0x7F00]  }
0x1ab: {  	v16 =	vld [tilespmem:s19+$0x7F10]  }
0x1ac: {  	v17 =	vld [tilespmem:s19+$0x7F20];
	[tilespmem:s10+$0x2F00] =	vst v11;
	v7 =	vmul.f32 v10, v7  }
0x1ad: {  	v52 =	vld [tilespmem:s19+$0x2F00];
	[tilespmem:s10+$0x2F10] =	vst v12;
	v3 =	vmul.f32 v9, v3  }
0x1ae: {  	v54 =	vld [tilespmem:s19+$0x2F10];
	[tilespmem:s10+$0x2F20] =	vst v7;
	v4 =	vmul.f32 v6, v4  }
0x1af: {  	v56 =	vld [tilespmem:s19+$0x2F20];
	[tilespmem:s10+$0x2F30] =	vst v3;
	v2 =	vmul.f32 v2, v5  }
0x1b0: {  	v3 =	vld [tilespmem:s19+$0x2F30];
	[tilespmem:s10+$0x2F40] =	vst v4;
	v1 =	vmul.f32 v1, v8;
	v53 =	vand.u32 $0xFFFF0000, v13  }
0x1b1: {  	v58 =	vld [tilespmem:s19+$0x2F40];
	v57 =	vshll.u32 v15, $0x10;
	[tilespmem:s10+$0x2F50] =	vst v2;
	v55 =	vmul.f32 v53, v14  }
0x1b2: {  	v59 =	vld [tilespmem:s19+$0x2F50];
	v2 =	vand.u32 $0xFFFF0000, v15;
	v4 =	vmul.f32 v57, v52;
	[tilespmem:s10+$0x2F60] =	vst v1  }
0x1b3: {  	v60 =	vld [tilespmem:s19+$0x2F60];
	v1 =	vshll.u32 v16, $0x10;
	v2 =	vmul.f32 v2, v54;
	[tilespmem:s19+$0x2F70] =	vst v55  }
0x1b4: {  	v61 =	vand.u32 $0xFFFF0000, v16;
	v1 =	vmul.f32 v1, v56;
	[tilespmem:s19+$0x2F00] =	vst v4  }
0x1b5: {  	v62 =	vshll.u32 v17, $0x10;
	[tilespmem:s19+$0x2F10] =	vst v2;
	v2 =	vmul.f32 v61, v3  }
0x1b6: {  	v3 =	vand.u32 $0xFFFF0000, v17;
	[tilespmem:s19+$0x2F20] =	vst v1;
	v1 =	vmul.f32 v62, v58  }
0x1b7: {  	v63 =	vshll.u32 v13, $0x10;
	[tilespmem:s19+$0x2F30] =	vst v2;
	v2 =	vmul.f32 v3, v59  }
0x1b8: {  	[tilespmem:s19+$0x2F40] =	vst v1;
	v1 =	vmul.f32 v63, v60  }
0x1b9: {  	[tilespmem:s19+$0x2F50] =	vst v2  }
.Ltmp5:
0x1ba: {  	[tilespmem:s19+$0x2F60] =	vst v1;
	(pc) =	sbr.rel @p1 .LBB2_14-.Ltmp5, $4  }
0x1bb: {  	[spmem:s4] =	stream.indirect.scatter.add.f32 [tilespmem:s21], [sflag:$0x6], $0x80, s29, s11, $0xb8;
	[tilespmem:$0x1DF80] =	vst v63  }
0x1bc: {  	_ =	swait.ge [sflag:s30], $0x2800  }
0x1bd: {  	[sflag:s30] =	ssyncset.done $0x0  }
0x1be: {  	[sflag:s30] =	ssyncadd.s32 $0xFFFFD800  }
0x1bf: {  	_ =	swait.ge [sflag:s13], $0x50  }
0x1c0: {  	[sflag:s13] =	ssyncset.done $0x0  }
0x1c1: {  	[sflag:s13] =	ssyncadd.s32 $0xFFFFFFB0  }
0x1c2: {  	v1 =	vld [tilespmem:$0x0]  }
0x1c3: {  	v2 =	vld [tilespmem:$0x300]  }
0x1c4: {  	v3 =	vld [tilespmem:$0x180]  }
0x1c5: {  	v4 =	vld [tilespmem:$0x10]  }
0x1c6: {  	v5 =	vld [tilespmem:$0x310]  }
0x1c7: {  	v6 =	vld [tilespmem:$0x190]  }
0x1c8: {  	v7 =	vld [tilespmem:$0x320]  }
0x1c9: {  	v8 =	vld [tilespmem:$0x20];
	v2 =	vsub.s32 $0x1, v2  }
0x1ca: {  	v9 =	vld [tilespmem:$0x330];
	v2 =	vmul.u32 $0x7D0, v2  }
0x1cb: {  	v10 =	vld [tilespmem:$0x1A0];
	v5 =	vsub.s32 $0x1, v5  }
0x1cc: {  	v49 =	vld [tilespmem:$0x340];
	v2 =	vadd.s32 v3, v2;
	v3 =	vmul.u32 $0x7D0, v5  }
0x1cd: {  	v50 =	vld [tilespmem:$0x1B0];
	[tilespmem:$0x600] =	vst v2;
	v2 =	vsub.s32 $0x1, v7  }
0x1ce: {  	v51 =	vld [tilespmem:$0x1C0];
	[tilespmem:$0x500] =	vst v1;
	v1 =	vadd.s32 v6, v3;
	v2 =	vmul.u32 $0x7D0, v2  }
0x1cf: {  	v3 =	vld [tilespmem:$0x30];
	[tilespmem:$0x610] =	vst v1;
	v1 =	vsub.s32 $0x1, v9  }
0x1d0: {  	[tilespmem:$0x510] =	vst v4;
	v2 =	vadd.s32 v10, v2;
	v1 =	vmul.u32 $0x7D0, v1  }
0x1d1: {  	v52 =	vsub.s32 $0x1, v49;
	[tilespmem:$0x620] =	vst v2;
	v2 =	vld [tilespmem:$0x40]  }
0x1d2: {  	[tilespmem:$0x520] =	vst v8;
	v4 =	vmul.u32 $0x7D0, v52;
	v1 =	vadd.s32 v50, v1  }
0x1d3: {  	[tilespmem:$0x630] =	vst v1  }
0x1d4: {  	[tilespmem:$0x530] =	vst v3;
	v1 =	vadd.s32 v51, v4  }
0x1d5: {  	s10 =	sadd.s32 s3, s18;
	[tilespmem:$0x640] =	vst v1  }
0x1d6: {  	s10 =	smul.u32 $0x500, s10;
	[tilespmem:$0x540] =	vst v2  }
0x1d7: {  	[tilespmem:s5], [sflag:$0x1] =	stream.indirect.gather [hbm4b:s1+s11], $0x80, s14, s11, $0xb8;
	[tilespmem:$0x1DF80] =	vst v63  }
0x1d8: {  	s10 =	sadd.s32 s8, s10  }
0x1d9: {  	[tilespmem:s15], [sflag:$0x3] =	stream.linear.gather [hbm4b:s10+s6], $0x2800, $0x38;
	[tilespmem:$0x1DF80] =	vst v63  }
0x1da: {  	_ =	swait.ge [sflag:s0], $0x2800  }
0x1db: {  	[sflag:s0] =	ssyncset.done $0x0  }
0x1dc: {  	[sflag:s0] =	ssyncadd.s32 $0xFFFFD800  }
0x1dd: {  	_ =	swait.ge [sflag:s20], $0x50  }
0x1de: {  	[sflag:s20] =	ssyncset.done $0x0  }
0x1df: {  	[sflag:s20] =	ssyncadd.s32 $0xFFFFFFB0  }
0x1e0: {  	v1 =	vld [tilespmem:$0x50]  }
0x1e1: {  	v2 =	vld [tilespmem:$0x380]  }
0x1e2: {  	v3 =	vld [tilespmem:$0x1D0]  }
0x1e3: {  	v53 =	vld [tilespmem:$0x60]  }
0x1e4: {  	v54 =	vld [tilespmem:$0x390]  }
0x1e5: {  	v55 =	vld [tilespmem:$0x1E0]  }
0x1e6: {  	v56 =	vld [tilespmem:$0x3A0]  }
0x1e7: {  	v57 =	vld [tilespmem:$0x70];
	v2 =	vsub.s32 $0x1, v2  }
0x1e8: {  	v58 =	vld [tilespmem:$0x3B0];
	v2 =	vmul.u32 $0x7D0, v2  }
0x1e9: {  	v59 =	vld [tilespmem:$0x1F0];
	v5 =	vsub.s32 $0x1, v54  }
0x1ea: {  	v60 =	vld [tilespmem:$0x3C0];
	v2 =	vadd.s32 v3, v2;
	v3 =	vmul.u32 $0x7D0, v5  }
0x1eb: {  	v61 =	vld [tilespmem:$0x200];
	[tilespmem:$0x680] =	vst v2;
	v2 =	vsub.s32 $0x1, v56  }
0x1ec: {  	v62 =	vld [tilespmem:$0x210];
	[tilespmem:$0x580] =	vst v1;
	v1 =	vadd.s32 v55, v3;
	v2 =	vmul.u32 $0x7D0, v2  }
0x1ed: {  	v3 =	vld [tilespmem:$0x80];
	[tilespmem:$0x690] =	vst v1;
	v1 =	vsub.s32 $0x1, v58  }
0x1ee: {  	[tilespmem:$0x590] =	vst v53;
	v2 =	vadd.s32 v59, v2;
	v1 =	vmul.u32 $0x7D0, v1  }
0x1ef: {  	v63 =	vsub.s32 $0x1, v60;
	[tilespmem:$0x6A0] =	vst v2;
	v2 =	vld [tilespmem:$0x90]  }
0x1f0: {  	[tilespmem:$0x5A0] =	vst v57;
	v4 =	vmul.u32 $0x7D0, v63;
	v1 =	vadd.s32 v61, v1  }
0x1f1: {  	[tilespmem:$0x6B0] =	vst v1  }
0x1f2: {  	s17 =	rddreg [dreg:$0xf];
	[tilespmem:$0x5B0] =	vst v3;
	v1 =	vadd.s32 v62, v4  }
.Ltmp6:
0x1f3: {  	s19 =	sadd.s32 s3, s17;
	[tilespmem:$0x6C0] =	vst v1;
	(pc) =	sbr.rel .LBB2_4-.Ltmp6, $4  }
0x1f4: {  	s3 =	smul.u32 $0x500, s19;
	[tilespmem:$0x5C0] =	vst v2  }
0x1f5: {  	[tilespmem:s21], [sflag:$0x2] =	stream.indirect.gather [hbm4b:s1+s11], $0x80, s12, s11, $0xb8;
	[tilespmem:$0x1DF80] =	vst v63  }
0x1f6: {  	s2 =	sadd.s32 $0x1, s2;
	s3 =	sadd.s32 s8, s3  }
0x1f7: {  	[tilespmem:s22], [sflag:$0x4] =	stream.linear.gather [hbm4b:s3+s6], $0x2800, $0x38;
	[tilespmem:$0x1DF80] =	vst v63  }
.LBB2_14:
0x1f8: {  	s2 =	simm.s32 $0x0;
	s3 =	rddreg [dreg:$0x11];
	s19 =	simm.s32 $0xB  }
0x1f9: {  	[tilespmem:s25], [sflag:$0xB] =	stream.linear.gather [hbm4b:s3+s2], $0x50, $0x38;
	[tilespmem:$0x1DF80] =	vst v63  }
0x1fa: {  	_ =	swait.ge [sflag:s19], $0x50  }
0x1fb: {  	[sflag:s19] =	ssyncset.done $0x0  }
0x1fc: {  	s10 =	rddreg [dreg:$0x12];
	[sflag:s19] =	ssyncadd.s32 $0xFFFFFFB0  }
0x1fd: {  	[tilespmem:s14], [sflag:$0xB] =	stream.linear.gather [hbm4b:s10+s2], $0x50, $0x38;
	[tilespmem:$0x1DF80] =	vst v63  }
0x1fe: {  	_ =	swait.ge [sflag:s19], $0x50  }
0x1ff: {  	[sflag:s19] =	ssyncset.done $0x0  }
0x200: {  	s16 =	simm.s32 $0x300;
	[sflag:s19] =	ssyncadd.s32 $0xFFFFFFB0  }
0x201: {  	[tilespmem:s16], [sflag:$0x7] =	stream.indirect.gather [hbm4b:s7+s11], $0x1, s25, s11, $0xb8;
	[tilespmem:$0x1DF80] =	vst v63  }
0x202: {  	_ =	swait.ge [sflag:s13], $0x50  }
0x203: {  	[sflag:s13] =	ssyncset.done $0x0  }
0x204: {  	[sflag:s13] =	ssyncadd.s32 $0xFFFFFFB0  }
0x205: {  	v1 =	vld [tilespmem:$0x300]  }
0x206: {  	v2 =	vld [tilespmem:$0x600]  }
0x207: {  	v3 =	vld [tilespmem:$0x310]  }
0x208: {  	v4 =	vld [tilespmem:$0x610]  }
0x209: {  	v5 =	vld [tilespmem:$0x320]  }
0x20a: {  	v6 =	vld [tilespmem:$0x330]  }
0x20b: {  	v7 =	vld [tilespmem:$0x340]  }
0x20c: {  	v8 =	vld [tilespmem:$0x620];
	v1 =	vsub.s32 $0x1, v1  }
0x20d: {  	v9 =	vld [tilespmem:$0x630];
	v3 =	vsub.s32 $0x1, v3;
	v1 =	vmul.u32 $0x7D0, v1  }
0x20e: {  	v10 =	vld [tilespmem:$0x640];
	v5 =	vsub.s32 $0x1, v5;
	v3 =	vmul.u32 $0x7D0, v3  }
0x20f: {  	v1 =	vadd.s32 v2, v1;
	v2 =	vmul.u32 $0x7D0, v5;
	v5 =	vsub.s32 $0x1, v6  }
0x210: {  	[tilespmem:$0x600] =	vst v1;
	v1 =	vadd.s32 v4, v3;
	v3 =	vmul.u32 $0x7D0, v5;
	v4 =	vsub.s32 $0x1, v7  }
0x211: {  	[tilespmem:$0x610] =	vst v1;
	v1 =	vadd.s32 v8, v2;
	v2 =	vmul.u32 $0x7D0, v4  }
0x212: {  	[tilespmem:$0x620] =	vst v1;
	v1 =	vadd.s32 v9, v3  }
0x213: {  	[tilespmem:$0x630] =	vst v1;
	v1 =	vadd.s32 v10, v2  }
0x214: {  	[tilespmem:$0x640] =	vst v1  }
0x215: {  	[tilespmem:s5], [sflag:$0x1] =	stream.indirect.gather [hbm4b:s1+s11], $0x80, s14, s11, $0xb8;
	[tilespmem:$0x1DF80] =	vst v63  }
0x216: {  	s17 =	rddreg [dreg:$0x13]  }
0x217: {  	[tilespmem:s15], [sflag:$0x3] =	stream.linear.gather [hbm4b:s17+s2], $0x2800, $0x38;
	[tilespmem:$0x1DF80] =	vst v63  }
0x218: {  	_ =	swait.ge [sflag:s23], $0x2800  }
0x219: {  	[sflag:s23] =	ssyncset.done $0x0  }
0x21a: {  	[sflag:s23] =	ssyncadd.s32 $0xFFFFD800  }
0x21b: {  	_ =	swait.ge [sflag:s24], $0x2800  }
0x21c: {  	[sflag:s24] =	ssyncset.done $0x0  }
0x21d: {  	s2 =	simm.s32 $0x0;
	[sflag:s24] =	ssyncadd.s32 $0xFFFFD800  }
0x21e: {  	v1 =	vld [tilespmem:s2+$0x5730]  }
0x21f: {  	v2 =	vld [tilespmem:s2+$0x770]  }
0x220: {  	v4 =	vld [tilespmem:s2+$0x5700]  }
0x221: {  	v5 =	vld [tilespmem:s2+$0x5710]  }
0x222: {  	v8 =	vld [tilespmem:s2+$0x5720]  }
0x223: {  	v7 =	vld [tilespmem:s2+$0x700]  }
0x224: {  	v12 =	vld [tilespmem:s2+$0x710];
	v3 =	vand.u32 $0xFFFF0000, v1  }
0x225: {  	v6 =	vld [tilespmem:s2+$0x720];
	v2 =	vmul.f32 v3, v2  }
0x226: {  	v3 =	vld [tilespmem:s2+$0x730]  }
0x227: {  	v1 =	vshll.u32 v1, $0x10;
	v13 =	vand.u32 $0xFFFF0000, v4;
	[tilespmem:s2+$0x770] =	vst v2;
	v2 =	vshll.u32 v4, $0x10;
	v4 =	vld [tilespmem:s2+$0x740]  }
0x228: {  	v10 =	vshll.u32 v5, $0x10;
	v9 =	vand.u32 $0xFFFF0000, v5;
	v5 =	vld [tilespmem:s2+$0x750];
	v11 =	vmul.f32 v2, v7  }
0x229: {  	s3 =	simm.s32 $0x80;
	s10 =	simm.s32 $0x400;
	v12 =	vmul.f32 v13, v12;
	v7 =	vshll.u32 v8, $0x10;
	v2 =	vand.u32 $0xFFFF0000, v8;
	v8 =	vld [tilespmem:s2+$0x760]  }
.LBB2_15:
0x22a: {  	p1 =	sne.s32 s10, $0x9E00;
	v13 =	vld [tilespmem:s3+$0x5730];
	[tilespmem:s2+$0x700] =	vst v11;
	v6 =	vmul.f32 v10, v6  }
0x22b: {  	v10 =	vld [tilespmem:s3+$0x770];
	[tilespmem:s2+$0x710] =	vst v12;
	v3 =	vmul.f32 v9, v3  }
0x22c: {  	v9 =	vld [tilespmem:s3+$0x5700];
	[tilespmem:s2+$0x720] =	vst v6;
	v4 =	vmul.f32 v7, v4  }
0x22d: {  	v7 =	vld [tilespmem:s3+$0x5710];
	[tilespmem:s2+$0x730] =	vst v3;
	v2 =	vmul.f32 v2, v5  }
0x22e: {  	v5 =	vld [tilespmem:s3+$0x5720];
	[tilespmem:s2+$0x740] =	vst v4;
	v3 =	vmul.f32 v1, v8  }
0x22f: {  	v8 =	vld [tilespmem:s3+$0x700];
	v1 =	vshll.u32 v13, $0x10;
	v4 =	vand.u32 $0xFFFF0000, v13;
	[tilespmem:s2+$0x750] =	vst v2  }
0x230: {  	v12 =	vld [tilespmem:s3+$0x710];
	v2 =	vmul.f32 v4, v10;
	[tilespmem:s2+$0x760] =	vst v3;
	s2 =	smov.u32 s3  }
.Ltmp7:
0x231: {  	v11 =	vshll.u32 v9, $0x10;
	v13 =	vand.u32 $0xFFFF0000, v9;
	v6 =	vld [tilespmem:s2+$0x720];
	(pc) =	sbr.rel @p1 .LBB2_15-.Ltmp7, $4  }
0x232: {  	v10 =	vshll.u32 v7, $0x10;
	v9 =	vand.u32 $0xFFFF0000, v7;
	v3 =	vld [tilespmem:s2+$0x730];
	[tilespmem:s2+$0x770] =	vst v2  }
0x233: {  	v7 =	vshll.u32 v5, $0x10;
	v2 =	vand.u32 $0xFFFF0000, v5;
	v4 =	vld [tilespmem:s2+$0x740]  }
0x234: {  	v11 =	vmul.f32 v11, v8;
	v5 =	vld [tilespmem:s2+$0x750]  }
0x235: {  	s3 =	sshra.s32 s10, $0x2;
	s10 =	sadd.s32 $0x200, s10;
	v12 =	vmul.f32 v13, v12;
	v8 =	vld [tilespmem:s2+$0x760]  }
0x236: {  	v13 =	vld [tilespmem:s3+$0x5730]  }
0x237: {  	v14 =	vld [tilespmem:s3+$0x770]  }
0x238: {  	v15 =	vld [tilespmem:s3+$0x5700]  }
0x239: {  	v16 =	vld [tilespmem:s3+$0x5710]  }
0x23a: {  	v17 =	vld [tilespmem:s3+$0x5720];
	[tilespmem:s2+$0x700] =	vst v11;
	v6 =	vmul.f32 v10, v6  }
0x23b: {  	v52 =	vld [tilespmem:s3+$0x700];
	[tilespmem:s2+$0x710] =	vst v12;
	v3 =	vmul.f32 v9, v3  }
0x23c: {  	v54 =	vld [tilespmem:s3+$0x710];
	[tilespmem:s2+$0x720] =	vst v6;
	v4 =	vmul.f32 v7, v4  }
0x23d: {  	v56 =	vld [tilespmem:s3+$0x720];
	[tilespmem:s2+$0x730] =	vst v3;
	v2 =	vmul.f32 v2, v5  }
0x23e: {  	v3 =	vld [tilespmem:s3+$0x730];
	[tilespmem:s2+$0x740] =	vst v4;
	v1 =	vmul.f32 v1, v8;
	v53 =	vand.u32 $0xFFFF0000, v13  }
0x23f: {  	v58 =	vld [tilespmem:s3+$0x740];
	v57 =	vshll.u32 v15, $0x10;
	[tilespmem:s2+$0x750] =	vst v2;
	v55 =	vmul.f32 v53, v14  }
0x240: {  	v59 =	vld [tilespmem:s3+$0x750];
	v2 =	vand.u32 $0xFFFF0000, v15;
	v4 =	vmul.f32 v57, v52;
	[tilespmem:s2+$0x760] =	vst v1  }
0x241: {  	v60 =	vld [tilespmem:s3+$0x760];
	v1 =	vshll.u32 v16, $0x10;
	v2 =	vmul.f32 v2, v54;
	[tilespmem:s3+$0x770] =	vst v55  }
0x242: {  	v61 =	vand.u32 $0xFFFF0000, v16;
	v1 =	vmul.f32 v1, v56;
	[tilespmem:s3+$0x700] =	vst v4  }
0x243: {  	v62 =	vshll.u32 v17, $0x10;
	[tilespmem:s3+$0x710] =	vst v2;
	v2 =	vmul.f32 v61, v3  }
0x244: {  	v3 =	vand.u32 $0xFFFF0000, v17;
	[tilespmem:s3+$0x720] =	vst v1;
	v1 =	vmul.f32 v62, v58  }
0x245: {  	v63 =	vshll.u32 v13, $0x10;
	[tilespmem:s3+$0x730] =	vst v2;
	v2 =	vmul.f32 v3, v59  }
0x246: {  	[tilespmem:s3+$0x740] =	vst v1;
	v1 =	vmul.f32 v63, v60  }
0x247: {  	[tilespmem:s3+$0x750] =	vst v2  }
0x248: {  	[tilespmem:s3+$0x760] =	vst v1  }
0x249: {  	[spmem:s4] =	stream.indirect.scatter.add.f32 [tilespmem:s5], [sflag:$0x5], $0x80, s25, s11, $0xb8;
	[tilespmem:$0x1DF80] =	vst v63  }
0x24a: {  	_ =	swait.ge [sflag:s30], $0x2800  }
0x24b: {  	[sflag:s30] =	ssyncset.done $0x0  }
0x24c: {  	[sflag:s30] =	ssyncadd.s32 $0xFFFFD800  }
0x24d: {  	_ =	swait.ge [sflag:s0], $0x2800  }
0x24e: {  	[sflag:s0] =	ssyncset.done $0x0  }
0x24f: {  	[sflag:s0] =	ssyncadd.s32 $0xFFFFD800  }
0x250: {  	s16 =	stileid.u32;
	[bflag:$0x0] =	sbarrier.arrive $0xFFFF  }
0x251: {  	s2 =	sshll.u32 s16, $0x6;
	s16 =	rddreg [dreg:$0x6]  }
0x252: {  	s2 =	sor.u32 $0x1C0B, s2;
	s10 =	rddreg [dreg:$0x10];
	s17 =	sshrl.u32 s16, $0x3  }
0x253: {  	[hbm:s10], [sflag:s2] =	dma.local [spmem:s17], $0x2700  }
0x254: {  	_ =	swait.ge [sflag:s19], $0x2700  }
0x255: {  	[sflag:s19] =	ssyncset.done $0x0;
	s17 =	rddreg [dreg:$0x1b]  }
0x256: {  	s10 =	rddreg [dreg:$0x14];
	[sflag:s19] =	ssyncadd.s32 $0xFFFFD900;
	s3 =	sshrl.u32 @!p0 s17, $0x3  }
0x257: {  	[hbm:s10], [sflag:s2] =	dma.local @!p0 [spmem:s3], $0x100  }
0x258: {  	s2 =	simm.s32 @!p0 $0xB  }
0x259: {  	_ =	swait.ge @!p0 [sflag:s2], $0x100  }
0x25a: {  	s3 =	rddreg [dreg:$0x1c]  }
0x25b: {  	s10 =	sadd.s32 $0x1, s3;
	s3 =	rddreg [dreg:$0x15]  }
0x25c: {  	p1 =	sne.s32 s10, s3  }
.Ltmp8:
0x25d: {  	_ = 	snop;
	(pc) =	sbr.rel @p1 .LBB2_1-.Ltmp8, $3  }
0x25e: {  	_ =	sdelay $0x1  }
0x25f: {  	[sflag:s2] =	ssyncset.done @!p0 $0x0  }
0x260: {  	[sflag:s2] =	ssyncadd.s32 @!p0 $0xFFFFFF00  }
0x261: {  	_ =	sfence.sel $0x180000  }
0x262: {  	[bflag:$0x0] =	sbarrier.arrive $0xFFFF  }
0x263: {  	_ =	strace $0x90000047  }
0x264: {  	s0 =	stileid.u32;
	[bflag:$0x2] =	sbarrier.arrive $0xFFFF  }
0x265: {  	p0 =	sne.s32 s0, $0x0;
	s0 =	rddreg [dreg:$0x5]  }
0x266: {  	s0 =	sadd.s32 @!p0 $0x100000, s0  }
0x267: {  	[sflag:s0] =	ssyncadd.tile.s32 @!p0 $0x1;
	_ =	shalt  }
.Lfunc_end2:
_tile_overlayer_lowered:
.L_overlay_start_2:
0x268: {  	(tag) =	ssettag $0x2  }
0x269: {  	s0 =	rddreg [dreg:$0x0];
	s2 =	stileid.u32  }
0x26a: {  	s1 =	rddreg [dreg:$0x1];
	p0 =	sne.s32 s2, $0x0  }
0x26b: {  	s3 =	rddreg [dreg:$0x2];
	[bflag:$0x3] =	sbarrier.arrive $0xFFFF;
	s2 =	simm.s32 @!p0 $0x1C0B  }
0x26c: {  	[timem:s3], [sflag:s2] =	dma.local @!p0 [hbm:s0], s1  }
0x26d: {  	s0 =	simm.s32 @!p0 $0xB  }
0x26e: {  	_ =	swait.ge @!p0 [sflag:s0], s1  }
0x26f: {  	s1 =	ssub.s32 @!p0 $0x0, s1;
	[sflag:s0] =	ssyncset.done @!p0 $0x0  }
0x270: {  	[sflag:s0] =	ssyncadd.s32 @!p0 s1  }
0x271: {  	[bflag:$0x3] =	sbarrier.arrive $0xFFFF  }
0x272: {  	_ =	shalt  }

</sc_bundles>
